<compile_context>
chip_gen: v7x
topology: tpu7x:2x2x1
jax: 0.10.2.dev20260603
libtpu: 0.0.44.dev20260713+nightly
codegen_flags: <defaults>
</compile_context>

<pallas_src>
import functools

import jax
import jax.numpy as jnp
from jax import lax
from jax.experimental import pallas as pl
from jax.experimental.pallas import tpu as pltpu
from jax.experimental.pallas import tpu_sc as plsc


def _leaky(x):
    return jnp.where(x >= 0, x, 0.01 * x)


_RB = 1024
_CH = 128
_NC = 2
_NS = 16



def _fusion_body(des_ref, tw_ref, np_ref, cp_ref,
                 wd_ref, bd_ref, wt_ref, bt_ref, wn_ref, bn_ref,
                 wc_ref, bc_ref, wi_ref, bi_ref, wg_ref, degp_ref, o_ref):
    d = _leaky(jnp.dot(des_ref[...], wd_ref[...],
                       preferred_element_type=jnp.float32) + bd_ref[...])
    t = _leaky(jnp.dot(tw_ref[...], wt_ref[...],
                       preferred_element_type=jnp.float32) + bt_ref[...])
    n = _leaky(jnp.dot(np_ref[...], wn_ref[...],
                       preferred_element_type=jnp.float32) + bn_ref[...])
    c = _leaky(jnp.dot(cp_ref[...], wc_ref[...],
                       preferred_element_type=jnp.float32) + bc_ref[...])
    x = jnp.concatenate([d, t, n, c], axis=1)
    x = _leaky(jnp.dot(x, wi_ref[...],
                       preferred_element_type=jnp.float32) + bi_ref[...])
    h = jnp.dot(x, wg_ref[...], preferred_element_type=jnp.float32)
    g = _dinv_of(degp_ref[...]) * h
    d2 = g.shape[1] // 2
    o_ref[0] = g[:, :d2]
    o_ref[1] = g[:, d2:]


def _fusion(des, tweet, num_prop, cat_prop,
            W_des, b_des, W_tw, b_tw, W_np, b_np, W_cp, b_cp, W_in, b_in,
            Wg1, degp):
    n = des.shape[0]
    q = W_des.shape[1]
    d = W_in.shape[1]
    row = lambda i: (i, 0)
    full = lambda i: (0, 0)
    return pl.pallas_call(
        _fusion_body,
        grid=((n + _RB - 1) // _RB,),
        in_specs=[
            pl.BlockSpec((_RB, des.shape[1]), row),
            pl.BlockSpec((_RB, tweet.shape[1]), row),
            pl.BlockSpec((_RB, num_prop.shape[1]), row),
            pl.BlockSpec((_RB, cat_prop.shape[1]), row),
            pl.BlockSpec(W_des.shape, full), pl.BlockSpec((1, q), full),
            pl.BlockSpec(W_tw.shape, full), pl.BlockSpec((1, q), full),
            pl.BlockSpec(W_np.shape, full), pl.BlockSpec((1, q), full),
            pl.BlockSpec(W_cp.shape, full), pl.BlockSpec((1, q), full),
            pl.BlockSpec(W_in.shape, full), pl.BlockSpec((1, d), full),
            pl.BlockSpec(Wg1.shape, full),
            pl.BlockSpec((2, _RB), lambda i: (0, i)),
        ],
        out_specs=pl.BlockSpec((2, _RB, d // 2), lambda i: (0, i, 0)),
        out_shape=jax.ShapeDtypeStruct((2, n, d // 2), jnp.float32),
    )(des, tweet, num_prop, cat_prop,
      W_des, b_des.reshape(1, -1), W_tw, b_tw.reshape(1, -1),
      W_np, b_np.reshape(1, -1), W_cp, b_cp.reshape(1, -1),
      W_in, b_in.reshape(1, -1), Wg1, degp)


def _dinv_of(degp):
    return lax.rsqrt(degp[0] + degp[1] + 1.0)[:, None]


def _mid_body(s_ref, g_ref, degp_ref, b_ref, w_ref, o_ref):
    d2 = g_ref.shape[2]
    dinv = _dinv_of(degp_ref[...])
    s = jnp.concatenate([s_ref[0, :, :d2], s_ref[1, :, :d2]], axis=1)
    g = jnp.concatenate([g_ref[0], g_ref[1]], axis=1)
    x1 = dinv * (s + g) + b_ref[...]
    g2 = dinv * jnp.dot(x1, w_ref[...], preferred_element_type=jnp.float32)
    d2 = g2.shape[1] // 2
    o_ref[0] = g2[:, :d2]
    o_ref[1] = g2[:, d2:]


def _post_body(s_ref, g_ref, degp_ref, b_ref, w1_ref, b1_ref, w2_ref, b2_ref,
               o_ref):
    d2 = g_ref.shape[2]
    dinv = _dinv_of(degp_ref[...])
    s = jnp.concatenate([s_ref[0, :, :d2], s_ref[1, :, :d2]], axis=1)
    g = jnp.concatenate([g_ref[0], g_ref[1]], axis=1)
    x2 = dinv * (s + g) + b_ref[...]
    h = _leaky(jnp.dot(x2, w1_ref[...],
                       preferred_element_type=jnp.float32) + b1_ref[...])
    o_ref[...] = jnp.dot(h, w2_ref[...],
                         preferred_element_type=jnp.float32) + b2_ref[...]



def _sc_meshes():
    return plsc.VectorSubcoreMesh(core_axis_name="c", subcore_axis_name="s")


def _deg_call(ei3, nacc):
    rows = ei3.shape[1]
    rpt = (rows + _NC * _NS - 1) // (_NC * _NS)
    grp = 4
    zcp = nacc // _NS // _CH

    @functools.partial(
        pl.kernel,
        out_type=jax.ShapeDtypeStruct((_NC, nacc), jnp.float32),
        mesh=_sc_meshes(),
        compiler_params=pltpu.CompilerParams(use_tc_tiling_on_sc=False),
        scratch_types=[
            pltpu.VMEM_SHARED((nacc,), jnp.float32),
            pltpu.VMEM((grp, _CH), jnp.int32),
            pltpu.VMEM((_CH,), jnp.float32),
            pltpu.VMEM((_CH,), jnp.float32),
        ],
    )
    def deg_kernel(ei3_hbm, degp_hbm, acc, idxb, onesb, zb):
        dstr_hbm = ei3_hbm.at[1]
        c = lax.axis_index("c")
        s = lax.axis_index("s")

        def fill(i, _):
            onesb[pl.ds(i * 16, 16)] = jnp.full((16,), 1.0, jnp.float32)
            zb[pl.ds(i * 16, 16)] = jnp.zeros((16,), jnp.float32)
            return 0
        lax.fori_loop(0, _CH // 16, fill, 0)

        def zero(i, _):
            pltpu.sync_copy(zb, acc.at[pl.ds((s * zcp + i) * _CH, _CH)])
            return 0
        lax.fori_loop(0, zcp, zero, 0)
        plsc.subcore_barrier()

        base = (c * _NS + s) * rpt

        def body(gi, _):
            row0 = base + gi * grp

            @pl.when(row0 + grp <= rows)
            def _full():
                pltpu.sync_copy(dstr_hbm.at[pl.ds(row0, grp)], idxb)
                for j in range(grp):
                    pltpu.sync_copy(onesb, acc.at[idxb.at[j]], add=True)

            @pl.when(jnp.logical_and(row0 < rows, row0 + grp > rows))
            def _tail():
                def one(j, _):
                    pltpu.sync_copy(dstr_hbm.at[pl.ds(row0 + j, 1)],
                                    idxb.at[pl.ds(0, 1)])
                    pltpu.sync_copy(onesb, acc.at[idxb.at[0]], add=True)
                    return 0
                lax.fori_loop(0, rows - row0, one, 0)
            return 0
        lax.fori_loop(0, (rpt + grp - 1) // grp, body, 0)
        plsc.subcore_barrier()

        def out(i, _):
            off = (s * zcp + i) * _CH
            pltpu.sync_copy(acc.at[pl.ds(off, _CH)],
                            degp_hbm.at[c, pl.ds(off, _CH)])
            return 0
        lax.fori_loop(0, zcp, out, 0)

    return deg_kernel(ei3)


def _agg_call(sr3, dst2, gflat, nacc):
    rows = dst2.shape[0]
    d2 = gflat.shape[1]
    rpt = rows // _NS
    grp = 4
    zcp = nacc // _NS // _CH

    @functools.partial(
        pl.kernel,
        out_type=jax.ShapeDtypeStruct((_NC, nacc, _CH), jnp.float32),
        mesh=_sc_meshes(),
        compiler_params=pltpu.CompilerParams(use_tc_tiling_on_sc=False),
        scratch_types=[
            pltpu.VMEM_SHARED((nacc, d2), jnp.float32),
            pltpu.VMEM((grp, _CH), jnp.int32),
            pltpu.VMEM((grp, _CH), jnp.int32),
            pltpu.VMEM((grp, _CH, d2), jnp.float32),
            pltpu.SemaphoreType.DMA,
            pltpu.SemaphoreType.DMA,
        ],
    )
    def agg_kernel(sr3_hbm, dst2_hbm, g_hbm, sout_hbm,
                   acc, sbuf, dbuf, rbuf, gsem, ssem):
        c = lax.axis_index("c")
        s = lax.axis_index("s")

        def zfill(i, _):
            for k in range(d2 // 16):
                rbuf[0, i, pl.ds(k * 16, 16)] = jnp.zeros((16,), jnp.float32)
            return 0
        lax.fori_loop(0, _CH, zfill, 0)

        def zero(i, _):
            zps = [pltpu.async_copy(
                rbuf.at[0], acc.at[pl.ds(((s * 5 + i) * 5 + k) * _CH, _CH)],
                ssem) for k in range(zcp // 5)]
            for zp in zps:
                zp.wait()
            return 0
        lax.fori_loop(0, 5, zero, 0)
        plsc.subcore_barrier()

        base = s * rpt

        def body(gi, _):
            row0 = base + gi * grp
            pltpu.sync_copy(sr3_hbm.at[c, pl.ds(row0, grp)], sbuf)
            pltpu.sync_copy(dst2_hbm.at[pl.ds(row0, grp)], dbuf)
            cps = [pltpu.async_copy(g_hbm.at[sbuf.at[j]], rbuf.at[j], gsem)
                   for j in range(grp)]
            for cp in cps:
                cp.wait()
            sps = [pltpu.async_copy(rbuf.at[j], acc.at[dbuf.at[j]], ssem,
                                    add=True) for j in range(grp)]
            for sp in sps:
                sp.wait()
            return 0
        lax.fori_loop(0, rpt // grp, body, 0)
        plsc.subcore_barrier()

        def out(i, _):
            off = (s * zcp + i) * _CH
            pltpu.sync_copy(acc.at[pl.ds(off, _CH)],
                            sout_hbm.at[c, pl.ds(off, _CH), pl.ds(0, d2)])
            return 0
        lax.fori_loop(0, zcp, out, 0)

    return agg_kernel(sr3, dst2, gflat)



def kernel(des, tweet, num_prop, cat_prop, edge_index, edge_type,
           W_des, b_des, W_tw, b_tw, W_np, b_np, W_cp, b_cp,
           W_in, b_in, Wg1, bg1, Wg2, bg2, W_o1, b_o1, W_o2, b_o2):
    n = des.shape[0]
    e = edge_index.shape[1]
    d = W_in.shape[1]
    d2 = d // 2

    unit = _CH * _NC * _NS
    pe = ((e + unit - 1) // unit) * unit
    pad = pe - e
    garbage = 1200
    nacc = ((n + garbage + _NS * _CH - 1) // (_NS * _CH)) * (_NS * _CH)
    src = jnp.concatenate(
        [edge_index[0], jnp.zeros((pad,), edge_index.dtype)])
    dst = jnp.concatenate(
        [edge_index[1],
         n + (jnp.arange(pad, dtype=edge_index.dtype) % garbage)])
    rows = pe // _CH
    sr3 = jnp.stack([src, src + n]).reshape(_NC, rows, _CH)
    dst2 = dst.reshape(rows, _CH)

    degp = _deg_call(edge_index.reshape(2, e // _CH, _CH), nacc)

    g1 = _fusion(des, tweet, num_prop, cat_prop,
                 W_des, b_des, W_tw, b_tw, W_np, b_np, W_cp, b_cp,
                 W_in, b_in, Wg1, degp)

    row = lambda i: (i, 0)
    full = lambda i: (0, 0)
    stk = lambda i: (0, i, 0)
    spec_half = pl.BlockSpec((_NC, _RB, d2), stk)
    spec_s = pl.BlockSpec((_NC, _RB, _CH), stk)
    spec_deg = pl.BlockSpec((_NC, _RB), lambda i: (0, i))
    grid = ((n + _RB - 1) // _RB,)

    s1 = _agg_call(sr3, dst2, g1.reshape(_NC * n, d2), nacc)

    g2 = pl.pallas_call(
        _mid_body,
        grid=grid,
        in_specs=[spec_s, spec_half, spec_deg,
                  pl.BlockSpec((1, d), full), pl.BlockSpec(Wg2.shape, full)],
        out_specs=spec_half,
        out_shape=jax.ShapeDtypeStruct((_NC, n, d2), jnp.float32),
    )(s1, g1, degp, bg1.reshape(1, -1), Wg2)

    s2 = _agg_call(sr3, dst2, g2.reshape(_NC * n, d2), nacc)

    out = pl.pallas_call(
        _post_body,
        grid=grid,
        in_specs=[spec_s, spec_half, spec_deg,
                  pl.BlockSpec((1, d), full),
                  pl.BlockSpec(W_o1.shape, full), pl.BlockSpec((1, d), full),
                  pl.BlockSpec(W_o2.shape, full),
                  pl.BlockSpec((1, W_o2.shape[1]), full)],
        out_specs=pl.BlockSpec((_RB, W_o2.shape[1]), row),
        out_shape=jax.ShapeDtypeStruct((n, W_o2.shape[1]), jnp.float32),
    )(s2, g2, degp, bg2.reshape(1, -1),
      W_o1, b_o1.reshape(1, -1), W_o2, b_o2.reshape(1, -1))

    return out

# --- scband reference (transcript-rebuilt; emitter-appended) ---
"""Pipeline reference for scband-bot-gcn-5531917877303 (READ-ONLY COPY).

The authoritative reference and input builder live on the scoring server;
editing this copy changes nothing except your own understanding.
"""

import jax, jax.numpy as jnp
import numpy as np

N = 50000
E = 800000
D = 64  # embedding_dimension
Q = D // 4


def leaky(x):
    return jax.nn.leaky_relu(x, 0.01)


def gcn_conv(x, edge_index, W, b):
    # PyG GCNConv semantics: add self-loops, symmetric deg^{-1/2} normalization,
    # linear transform then scatter-add aggregation by dst, plus bias.
    n = x.shape[0]
    loop = jnp.arange(n, dtype=edge_index.dtype)
    src = jnp.concatenate([edge_index[0], loop])
    dst = jnp.concatenate([edge_index[1], loop])
    deg = jnp.zeros((n,), x.dtype).at[dst].add(jnp.ones((src.shape[0],), x.dtype))
    dinv = jnp.where(deg > 0, 1.0 / jnp.sqrt(deg), 0.0)
    norm = dinv[src] * dinv[dst]
    h = x @ W
    msg = h[src] * norm[:, None]
    out = jnp.zeros((n, W.shape[1]), x.dtype).at[dst].add(msg)
    return out + b


def setup_inputs(seed: int = 0):
    key = jax.random.key(seed)
    ks = jax.random.split(key, 26)
    s = 0.02
    inp = {
        "des": jax.random.normal(ks[0], (N, 768), jnp.float32),
        "tweet": jax.random.normal(ks[1], (N, 768), jnp.float32),
        "num_prop": jax.random.normal(ks[2], (N, 6), jnp.float32),
        "cat_prop": jax.random.normal(ks[3], (N, 11), jnp.float32),
        "edge_index": jax.random.randint(ks[4], (2, E), 0, N, jnp.int32),
        "edge_type": jax.random.randint(ks[5], (E,), 0, 2, jnp.int32),
        "W_des": jax.random.normal(ks[6], (768, Q), jnp.float32) * s,
        "b_des": jnp.zeros((Q,), jnp.float32),
        "W_tw": jax.random.normal(ks[7], (768, Q), jnp.float32) * s,
        "b_tw": jnp.zeros((Q,), jnp.float32),
        "W_np": jax.random.normal(ks[8], (6, Q), jnp.float32) * s,
        "b_np": jnp.zeros((Q,), jnp.float32),
        "W_cp": jax.random.normal(ks[9], (11, Q), jnp.float32) * s,
        "b_cp": jnp.zeros((Q,), jnp.float32),
        "W_in": jax.random.normal(ks[10], (D, D), jnp.float32) * s,
        "b_in": jnp.zeros((D,), jnp.float32),
        "Wg1": jax.random.normal(ks[11], (D, D), jnp.float32) * s,
        "bg1": jnp.zeros((D,), jnp.float32),
        "Wg2": jax.random.normal(ks[12], (D, D), jnp.float32) * s,
        "bg2": jnp.zeros((D,), jnp.float32),
        "W_o1": jax.random.normal(ks[13], (D, D), jnp.float32) * s,
        "b_o1": jnp.zeros((D,), jnp.float32),
        "W_o2": jax.random.normal(ks[14], (D, 2), jnp.float32) * s,
        "b_o2": jnp.zeros((2,), jnp.float32),
    }
    return inp


def reference(des, tweet, num_prop, cat_prop, edge_index, edge_type,
              W_des, b_des, W_tw, b_tw, W_np, b_np, W_cp, b_cp,
              W_in, b_in, Wg1, bg1, Wg2, bg2, W_o1, b_o1, W_o2, b_o2):
    d = leaky(des @ W_des + b_des)
    t = leaky(tweet @ W_tw + b_tw)
    n = leaky(num_prop @ W_np + b_np)
    c = leaky(cat_prop @ W_cp + b_cp)
    x = jnp.concatenate((d, t, n, c), axis=1)
    x = leaky(x @ W_in + b_in)
    x = gcn_conv(x, edge_index, Wg1, bg1)
    # dropout is identity in eval / deterministic reference
    x = gcn_conv(x, edge_index, Wg2, bg2)
    x = leaky(x @ W_o1 + b_o1)
    x = x @ W_o2 + b_o2
    return x

if __name__ == "__main__":
    import jax
    _d = setup_inputs()
    print(jax.jit(kernel)(*tuple(_d.values())))

</pallas_src>

<mosaic_0001>
#map = affine_map<(d0, d1) -> (0, 0, 0)>
#map1 = affine_map<(d0, d1) -> (0, 0)>
module attributes {stable_mosaic.version = 14 : i64} {
  func.func @agg_kernel(%arg0: i32, %arg1: i32, %arg2: memref<2x6272x128xi32, #tpu.memory_space<hbm>>, %arg3: memref<6272x128xi32, #tpu.memory_space<hbm>>, %arg4: memref<100000x32xf32, #tpu.memory_space<hbm>>, %arg5: memref<2x51200x128xf32, #tpu.memory_space<hbm>>, %arg6: memref<51200x32xf32, #tpu.memory_space<vmem_shared>>, %arg7: memref<4x128xi32, #tpu.memory_space<vmem>>, %arg8: memref<4x128xi32, #tpu.memory_space<vmem>>, %arg9: memref<4x128x32xf32, #tpu.memory_space<vmem>>, %arg10: memref<!tpu.dma_semaphore, #tpu.memory_space<semaphore_mem>>, %arg11: memref<!tpu.dma_semaphore, #tpu.memory_space<semaphore_mem>>) attributes {dimension_semantics = [#tpu.dimension_semantics<core_parallel>, #tpu.dimension_semantics<subcore_parallel>], iteration_bounds = array<i64: 2, 16>, scalar_prefetch = 0 : i64, scratch_operands = 6 : i64, tpu.core_type = #tpu.core_type<sc_vector_subcore>, window_params = [{transform_indices = #map}, {transform_indices = #map1}, {transform_indices = #map1}, {transform_indices = #map}]} {
    %scan3A = arith.constant 0 : i32
    %scan3A_0 = arith.constant 0 : i32
    %scan3A_1 = arith.constant 128 : i32
    %scan3A_2 = arith.addi %scan3A_0, %scan3A_1 : i32
    %scan3A_3 = arith.constant 1 : i32
    %scan3A_4 = scf.for %scan3A_29 = %scan3A_0 to %scan3A_2 step %scan3A_3 iter_args(%scan3A_30 = %scan3A) -> (i32)  : i32 {
      %broadcast_in_dim3A = arith.constant 0.000000e+00 : f32
      %broadcast_in_dim3A_31 = vector.broadcast %broadcast_in_dim3A : f32 to vector<16xf32>
      %swap3A = arith.constant 0 : i32
      %swap3A_32 = arith.index_cast %swap3A : i32 to index
      %swap3A_33 = arith.index_cast %scan3A_29 : i32 to index
      %swap3A_34 = arith.constant 0 : index
      %swap3A_35 = tpu.vector_load %arg9[%swap3A_32, %swap3A_33, %swap3A_34] {strides = array<i32>} : memref<4x128x32xf32, #tpu.memory_space<vmem>>, vector<1x1x16xf32>,
      %swap3A_36 = vector.shape_cast %swap3A_35 : vector<1x1x16xf32> to vector<16xf32>
      %swap3A_37 = vector.shape_cast %broadcast_in_dim3A_31 : vector<16xf32> to vector<1x1x16xf32>
      tpu.vector_store %arg9[%swap3A_32, %swap3A_33, %swap3A_34], %swap3A_37 {strides = array<i32>} : memref<4x128x32xf32, #tpu.memory_space<vmem>>, vector<1x1x16xf32>,
      %broadcast_in_dim3A_38 = arith.constant 0.000000e+00 : f32
      %broadcast_in_dim3A_39 = vector.broadcast %broadcast_in_dim3A_38 : f32 to vector<16xf32>
      %swap3A_40 = arith.constant 0 : i32
      %swap3A_41 = arith.index_cast %swap3A_40 : i32 to index
      %swap3A_42 = arith.index_cast %scan3A_29 : i32 to index
      %swap3A_43 = arith.constant 16 : index
      %swap3A_44 = tpu.vector_load %arg9[%swap3A_41, %swap3A_42, %swap3A_43] {strides = array<i32>} : memref<4x128x32xf32, #tpu.memory_space<vmem>>, vector<1x1x16xf32>,
      %swap3A_45 = vector.shape_cast %swap3A_44 : vector<1x1x16xf32> to vector<16xf32>
      %swap3A_46 = vector.shape_cast %broadcast_in_dim3A_39 : vector<16xf32> to vector<1x1x16xf32>
      tpu.vector_store %arg9[%swap3A_41, %swap3A_42, %swap3A_43], %swap3A_46 {strides = array<i32>} : memref<4x128x32xf32, #tpu.memory_space<vmem>>, vector<1x1x16xf32>,
      %scan3A_47 = arith.constant 0 : i32
      scf.yield %scan3A_47 : i32
    }
    %scan3A_5 = arith.constant 128 : i32
    %scan3A_6 = arith.constant 0 : i32
    %scan3A_7 = arith.constant 0 : i32
    %scan3A_8 = arith.constant 5 : i32
    %scan3A_9 = arith.addi %scan3A_7, %scan3A_8 : i32
    %scan3A_10 = arith.constant 1 : i32
    %scan3A_11 = scf.for %scan3A_29 = %scan3A_7 to %scan3A_9 step %scan3A_10 iter_args(%scan3A_30 = %scan3A_6) -> (i32)  : i32 {
      %mul3A_31 = arith.constant 5 : i32
      %mul3A_32 = arith.muli %arg1, %mul3A_31 : i32
      %add3A = arith.addi %mul3A_32, %scan3A_29 : i32
      %mul3A_33 = arith.constant 5 : i32
      %mul3A_34 = arith.muli %add3A, %mul3A_33 : i32
      %add3A_35 = arith.constant 0 : i32
      %add3A_36 = arith.addi %mul3A_34, %add3A_35 : i32
      %mul3A_37 = arith.constant 128 : i32
      %mul3A_38 = arith.muli %add3A_36, %mul3A_37 : i32
      %dma_start3A = arith.constant 0 : i32
      %dma_start3A_39 = arith.constant 0 : i32
      %dma_start3A_40 = arith.constant 0 : i32
      %dma_start3A_41 = tpu.memref_slice %arg9[%dma_start3A, %dma_start3A_39, %dma_start3A_40] : memref<4x128x32xf32, #tpu.memory_space<vmem>> -> memref<1x128x32xf32, #tpu.memory_space<vmem>>
      %dma_start3A_42 = tpu.memref_squeeze %dma_start3A_41 : memref<1x128x32xf32, #tpu.memory_space<vmem>> -> memref<128x32xf32, #tpu.memory_space<vmem>>
      %dma_start3A_43 = arith.constant 0 : i32
      %dma_start3A_44 = tpu.memref_slice %arg6[%mul3A_38, %dma_start3A_43] : memref<51200x32xf32, #tpu.memory_space<vmem_shared>> -> memref<128x32xf32, #tpu.memory_space<vmem_shared>>
      %dma_start3A_45 = arith.constant 0 : i32
      %dma_start3A_46 = tpu.memref_slice %arg6[%mul3A_38, %dma_start3A_45] : memref<51200x32xf32, #tpu.memory_space<vmem_shared>> -> memref<128x32xf32, #tpu.memory_space<vmem_shared>>
      %dma_start3A_47 = arith.constant 0 : i32
      %dma_start3A_48 = arith.constant 0 : i32
      %dma_start3A_49 = tpu.memref_slice %arg9[%dma_start3A, %dma_start3A_47, %dma_start3A_48] : memref<4x128x32xf32, #tpu.memory_space<vmem>> -> memref<1x128x32xf32, #tpu.memory_space<vmem>>
      %dma_start3A_50 = tpu.memref_squeeze %dma_start3A_49 : memref<1x128x32xf32, #tpu.memory_space<vmem>> -> memref<128x32xf32, #tpu.memory_space<vmem>>
      tpu.enqueue_dma source(%dma_start3A_50 : memref<128x32xf32, #tpu.memory_space<vmem>>) target(%dma_start3A_46 : memref<128x32xf32, #tpu.memory_space<vmem_shared>>) target_semaphore(%arg11 : memref<!tpu.dma_semaphore, #tpu.memory_space<semaphore_mem>>)
      %mul3A_51 = arith.constant 5 : i32
      %mul3A_52 = arith.muli %arg1, %mul3A_51 : i32
      %add3A_53 = arith.addi %mul3A_52, %scan3A_29 : i32
      %mul3A_54 = arith.constant 5 : i32
      %mul3A_55 = arith.muli %add3A_53, %mul3A_54 : i32
      %add3A_56 = arith.constant 1 : i32
      %add3A_57 = arith.addi %mul3A_55, %add3A_56 : i32
      %mul3A_58 = arith.constant 128 : i32
      %mul3A_59 = arith.muli %add3A_57, %mul3A_58 : i32
      %dma_start3A_60 = arith.constant 0 : i32
      %dma_start3A_61 = arith.constant 0 : i32
      %dma_start3A_62 = arith.constant 0 : i32
      %dma_start3A_63 = tpu.memref_slice %arg9[%dma_start3A_60, %dma_start3A_61, %dma_start3A_62] : memref<4x128x32xf32, #tpu.memory_space<vmem>> -> memref<1x128x32xf32, #tpu.memory_space<vmem>>
      %dma_start3A_64 = tpu.memref_squeeze %dma_start3A_63 : memref<1x128x32xf32, #tpu.memory_space<vmem>> -> memref<128x32xf32, #tpu.memory_space<vmem>>
      %dma_start3A_65 = arith.constant 0 : i32
      %dma_start3A_66 = tpu.memref_slice %arg6[%mul3A_59, %dma_start3A_65] : memref<51200x32xf32, #tpu.memory_space<vmem_shared>> -> memref<128x32xf32, #tpu.memory_space<vmem_shared>>
      %dma_start3A_67 = arith.constant 0 : i32
      %dma_start3A_68 = tpu.memref_slice %arg6[%mul3A_59, %dma_start3A_67] : memref<51200x32xf32, #tpu.memory_space<vmem_shared>> -> memref<128x32xf32, #tpu.memory_space<vmem_shared>>
      %dma_start3A_69 = arith.constant 0 : i32
      %dma_start3A_70 = arith.constant 0 : i32
      %dma_start3A_71 = tpu.memref_slice %arg9[%dma_start3A_60, %dma_start3A_69, %dma_start3A_70] : memref<4x128x32xf32, #tpu.memory_space<vmem>> -> memref<1x128x32xf32, #tpu.memory_space<vmem>>
      %dma_start3A_72 = tpu.memref_squeeze %dma_start3A_71 : memref<1x128x32xf32, #tpu.memory_space<vmem>> -> memref<128x32xf32, #tpu.memory_space<vmem>>
      tpu.enqueue_dma source(%dma_start3A_72 : memref<128x32xf32, #tpu.memory_space<vmem>>) target(%dma_start3A_68 : memref<128x32xf32, #tpu.memory_space<vmem_shared>>) target_semaphore(%arg11 : memref<!tpu.dma_semaphore, #tpu.memory_space<semaphore_mem>>)
      %mul3A_73 = arith.constant 5 : i32
      %mul3A_74 = arith.muli %arg1, %mul3A_73 : i32
      %add3A_75 = arith.addi %mul3A_74, %scan3A_29 : i32
      %mul3A_76 = arith.constant 5 : i32
      %mul3A_77 = arith.muli %add3A_75, %mul3A_76 : i32
      %add3A_78 = arith.constant 2 : i32
      %add3A_79 = arith.addi %mul3A_77, %add3A_78 : i32
      %mul3A_80 = arith.constant 128 : i32
      %mul3A_81 = arith.muli %add3A_79, %mul3A_80 : i32
      %dma_start3A_82 = arith.constant 0 : i32
      %dma_start3A_83 = arith.constant 0 : i32
      %dma_start3A_84 = arith.constant 0 : i32
      %dma_start3A_85 = tpu.memref_slice %arg9[%dma_start3A_82, %dma_start3A_83, %dma_start3A_84] : memref<4x128x32xf32, #tpu.memory_space<vmem>> -> memref<1x128x32xf32, #tpu.memory_space<vmem>>
      %dma_start3A_86 = tpu.memref_squeeze %dma_start3A_85 : memref<1x128x32xf32, #tpu.memory_space<vmem>> -> memref<128x32xf32, #tpu.memory_space<vmem>>
      %dma_start3A_87 = arith.constant 0 : i32
      %dma_start3A_88 = tpu.memref_slice %arg6[%mul3A_81, %dma_start3A_87] : memref<51200x32xf32, #tpu.memory_space<vmem_shared>> -> memref<128x32xf32, #tpu.memory_space<vmem_shared>>
      %dma_start3A_89 = arith.constant 0 : i32
      %dma_start3A_90 = tpu.memref_slice %arg6[%mul3A_81, %dma_start3A_89] : memref<51200x32xf32, #tpu.memory_space<vmem_shared>> -> memref<128x32xf32, #tpu.memory_space<vmem_shared>>
      %dma_start3A_91 = arith.constant 0 : i32
      %dma_start3A_92 = arith.constant 0 : i32
      %dma_start3A_93 = tpu.memref_slice %arg9[%dma_start3A_82, %dma_start3A_91, %dma_start3A_92] : memref<4x128x32xf32, #tpu.memory_space<vmem>> -> memref<1x128x32xf32, #tpu.memory_space<vmem>>
      %dma_start3A_94 = tpu.memref_squeeze %dma_start3A_93 : memref<1x128x32xf32, #tpu.memory_space<vmem>> -> memref<128x32xf32, #tpu.memory_space<vmem>>
      tpu.enqueue_dma source(%dma_start3A_94 : memref<128x32xf32, #tpu.memory_space<vmem>>) target(%dma_start3A_90 : memref<128x32xf32, #tpu.memory_space<vmem_shared>>) target_semaphore(%arg11 : memref<!tpu.dma_semaphore, #tpu.memory_space<semaphore_mem>>)
      %mul3A_95 = arith.constant 5 : i32
      %mul3A_96 = arith.muli %arg1, %mul3A_95 : i32
      %add3A_97 = arith.addi %mul3A_96, %scan3A_29 : i32
      %mul3A_98 = arith.constant 5 : i32
      %mul3A_99 = arith.muli %add3A_97, %mul3A_98 : i32
      %add3A_100 = arith.constant 3 : i32
      %add3A_101 = arith.addi %mul3A_99, %add3A_100 : i32
      %mul3A_102 = arith.constant 128 : i32
      %mul3A_103 = arith.muli %add3A_101, %mul3A_102 : i32
      %dma_start3A_104 = arith.constant 0 : i32
      %dma_start3A_105 = arith.constant 0 : i32
      %dma_start3A_106 = arith.constant 0 : i32
      %dma_start3A_107 = tpu.memref_slice %arg9[%dma_start3A_104, %dma_start3A_105, %dma_start3A_106] : memref<4x128x32xf32, #tpu.memory_space<vmem>> -> memref<1x128x32xf32, #tpu.memory_space<vmem>>
      %dma_start3A_108 = tpu.memref_squeeze %dma_start3A_107 : memref<1x128x32xf32, #tpu.memory_space<vmem>> -> memref<128x32xf32, #tpu.memory_space<vmem>>
      %dma_start3A_109 = arith.constant 0 : i32
      %dma_start3A_110 = tpu.memref_slice %arg6[%mul3A_103, %dma_start3A_109] : memref<51200x32xf32, #tpu.memory_space<vmem_shared>> -> memref<128x32xf32, #tpu.memory_space<vmem_shared>>
      %dma_start3A_111 = arith.constant 0 : i32
      %dma_start3A_112 = tpu.memref_slice %arg6[%mul3A_103, %dma_start3A_111] : memref<51200x32xf32, #tpu.memory_space<vmem_shared>> -> memref<128x32xf32, #tpu.memory_space<vmem_shared>>
      %dma_start3A_113 = arith.constant 0 : i32
      %dma_start3A_114 = arith.constant 0 : i32
      %dma_start3A_115 = tpu.memref_slice %arg9[%dma_start3A_104, %dma_start3A_113, %dma_start3A_114] : memref<4x128x32xf32, #tpu.memory_space<vmem>> -> memref<1x128x32xf32, #tpu.memory_space<vmem>>
      %dma_start3A_116 = tpu.memref_squeeze %dma_start3A_115 : memref<1x128x32xf32, #tpu.memory_space<vmem>> -> memref<128x32xf32, #tpu.memory_space<vmem>>
      tpu.enqueue_dma source(%dma_start3A_116 : memref<128x32xf32, #tpu.memory_space<vmem>>) target(%dma_start3A_112 : memref<128x32xf32, #tpu.memory_space<vmem_shared>>) target_semaphore(%arg11 : memref<!tpu.dma_semaphore, #tpu.memory_space<semaphore_mem>>)
      %mul3A_117 = arith.constant 5 : i32
      %mul3A_118 = arith.muli %arg1, %mul3A_117 : i32
      %add3A_119 = arith.addi %mul3A_118, %scan3A_29 : i32
      %mul3A_120 = arith.constant 5 : i32
      %mul3A_121 = arith.muli %add3A_119, %mul3A_120 : i32
      %add3A_122 = arith.constant 4 : i32
      %add3A_123 = arith.addi %mul3A_121, %add3A_122 : i32
      %mul3A_124 = arith.constant 128 : i32
      %mul3A_125 = arith.muli %add3A_123, %mul3A_124 : i32
      %dma_start3A_126 = arith.constant 0 : i32
      %dma_start3A_127 = arith.constant 0 : i32
      %dma_start3A_128 = arith.constant 0 : i32
      %dma_start3A_129 = tpu.memref_slice %arg9[%dma_start3A_126, %dma_start3A_127, %dma_start3A_128] : memref<4x128x32xf32, #tpu.memory_space<vmem>> -> memref<1x128x32xf32, #tpu.memory_space<vmem>>
      %dma_start3A_130 = tpu.memref_squeeze %dma_start3A_129 : memref<1x128x32xf32, #tpu.memory_space<vmem>> -> memref<128x32xf32, #tpu.memory_space<vmem>>
      %dma_start3A_131 = arith.constant 0 : i32
      %dma_start3A_132 = tpu.memref_slice %arg6[%mul3A_125, %dma_start3A_131] : memref<51200x32xf32, #tpu.memory_space<vmem_shared>> -> memref<128x32xf32, #tpu.memory_space<vmem_shared>>
      %dma_start3A_133 = arith.constant 0 : i32
      %dma_start3A_134 = tpu.memref_slice %arg6[%mul3A_125, %dma_start3A_133] : memref<51200x32xf32, #tpu.memory_space<vmem_shared>> -> memref<128x32xf32, #tpu.memory_space<vmem_shared>>
      %dma_start3A_135 = arith.constant 0 : i32
      %dma_start3A_136 = arith.constant 0 : i32
      %dma_start3A_137 = tpu.memref_slice %arg9[%dma_start3A_126, %dma_start3A_135, %dma_start3A_136] : memref<4x128x32xf32, #tpu.memory_space<vmem>> -> memref<1x128x32xf32, #tpu.memory_space<vmem>>
      %dma_start3A_138 = tpu.memref_squeeze %dma_start3A_137 : memref<1x128x32xf32, #tpu.memory_space<vmem>> -> memref<128x32xf32, #tpu.memory_space<vmem>>
      tpu.enqueue_dma source(%dma_start3A_138 : memref<128x32xf32, #tpu.memory_space<vmem>>) target(%dma_start3A_134 : memref<128x32xf32, #tpu.memory_space<vmem_shared>>) target_semaphore(%arg11 : memref<!tpu.dma_semaphore, #tpu.memory_space<semaphore_mem>>)
      %dma_wait3A = arith.constant 0 : i32
      %dma_wait3A_139 = arith.constant 0 : i32
      %dma_wait3A_140 = arith.constant 0 : i32
      %dma_wait3A_141 = tpu.memref_slice %arg9[%dma_wait3A, %dma_wait3A_139, %dma_wait3A_140] : memref<4x128x32xf32, #tpu.memory_space<vmem>> -> memref<1x128x32xf32, #tpu.memory_space<vmem>>
      %dma_wait3A_142 = tpu.memref_squeeze %dma_wait3A_141 : memref<1x128x32xf32, #tpu.memory_space<vmem>> -> memref<128x32xf32, #tpu.memory_space<vmem>>
      %dma_wait3A_143 = arith.constant 0 : i32
      %dma_wait3A_144 = tpu.memref_slice %arg6[%mul3A_38, %dma_wait3A_143] : memref<51200x32xf32, #tpu.memory_space<vmem_shared>> -> memref<128x32xf32, #tpu.memory_space<vmem_shared>>
      %dma_wait3A_145 = arith.constant 0 : i32
      %dma_wait3A_146 = tpu.memref_slice %arg6[%mul3A_38, %dma_wait3A_145] : memref<51200x32xf32, #tpu.memory_space<vmem_shared>> -> memref<128x32xf32, #tpu.memory_space<vmem_shared>>
      %dma_wait3A_147 = arith.constant 0 : i32
      %dma_wait3A_148 = arith.constant 0 : i32
      %dma_wait3A_149 = tpu.memref_slice %arg9[%dma_wait3A, %dma_wait3A_147, %dma_wait3A_148] : memref<4x128x32xf32, #tpu.memory_space<vmem>> -> memref<1x128x32xf32, #tpu.memory_space<vmem>>
      %dma_wait3A_150 = tpu.memref_squeeze %dma_wait3A_149 : memref<1x128x32xf32, #tpu.memory_space<vmem>> -> memref<128x32xf32, #tpu.memory_space<vmem>>
      tpu.wait_dma2 semaphore(%arg11 : memref<!tpu.dma_semaphore, #tpu.memory_space<semaphore_mem>>) src(%dma_wait3A_150 : memref<128x32xf32, #tpu.memory_space<vmem>>) dst(%dma_wait3A_146 : memref<128x32xf32, #tpu.memory_space<vmem_shared>>)
      %dma_wait3A_151 = arith.constant 0 : i32
      %dma_wait3A_152 = arith.constant 0 : i32
      %dma_wait3A_153 = arith.constant 0 : i32
      %dma_wait3A_154 = tpu.memref_slice %arg9[%dma_wait3A_151, %dma_wait3A_152, %dma_wait3A_153] : memref<4x128x32xf32, #tpu.memory_space<vmem>> -> memref<1x128x32xf32, #tpu.memory_space<vmem>>
      %dma_wait3A_155 = tpu.memref_squeeze %dma_wait3A_154 : memref<1x128x32xf32, #tpu.memory_space<vmem>> -> memref<128x32xf32, #tpu.memory_space<vmem>>
      %dma_wait3A_156 = arith.constant 0 : i32
      %dma_wait3A_157 = tpu.memref_slice %arg6[%mul3A_59, %dma_wait3A_156] : memref<51200x32xf32, #tpu.memory_space<vmem_shared>> -> memref<128x32xf32, #tpu.memory_space<vmem_shared>>
      %dma_wait3A_158 = arith.constant 0 : i32
      %dma_wait3A_159 = tpu.memref_slice %arg6[%mul3A_59, %dma_wait3A_158] : memref<51200x32xf32, #tpu.memory_space<vmem_shared>> -> memref<128x32xf32, #tpu.memory_space<vmem_shared>>
      %dma_wait3A_160 = arith.constant 0 : i32
      %dma_wait3A_161 = arith.constant 0 : i32
      %dma_wait3A_162 = tpu.memref_slice %arg9[%dma_wait3A_151, %dma_wait3A_160, %dma_wait3A_161] : memref<4x128x32xf32, #tpu.memory_space<vmem>> -> memref<1x128x32xf32, #tpu.memory_space<vmem>>
      %dma_wait3A_163 = tpu.memref_squeeze %dma_wait3A_162 : memref<1x128x32xf32, #tpu.memory_space<vmem>> -> memref<128x32xf32, #tpu.memory_space<vmem>>
      tpu.wait_dma2 semaphore(%arg11 : memref<!tpu.dma_semaphore, #tpu.memory_space<semaphore_mem>>) src(%dma_wait3A_163 : memref<128x32xf32, #tpu.memory_space<vmem>>) dst(%dma_wait3A_159 : memref<128x32xf32, #tpu.memory_space<vmem_shared>>)
      %dma_wait3A_164 = arith.constant 0 : i32
      %dma_wait3A_165 = arith.constant 0 : i32
      %dma_wait3A_166 = arith.constant 0 : i32
      %dma_wait3A_167 = tpu.memref_slice %arg9[%dma_wait3A_164, %dma_wait3A_165, %dma_wait3A_166] : memref<4x128x32xf32, #tpu.memory_space<vmem>> -> memref<1x128x32xf32, #tpu.memory_space<vmem>>
      %dma_wait3A_168 = tpu.memref_squeeze %dma_wait3A_167 : memref<1x128x32xf32, #tpu.memory_space<vmem>> -> memref<128x32xf32, #tpu.memory_space<vmem>>
      %dma_wait3A_169 = arith.constant 0 : i32
      %dma_wait3A_170 = tpu.memref_slice %arg6[%mul3A_81, %dma_wait3A_169] : memref<51200x32xf32, #tpu.memory_space<vmem_shared>> -> memref<128x32xf32, #tpu.memory_space<vmem_shared>>
      %dma_wait3A_171 = arith.constant 0 : i32
      %dma_wait3A_172 = tpu.memref_slice %arg6[%mul3A_81, %dma_wait3A_171] : memref<51200x32xf32, #tpu.memory_space<vmem_shared>> -> memref<128x32xf32, #tpu.memory_space<vmem_shared>>
      %dma_wait3A_173 = arith.constant 0 : i32
      %dma_wait3A_174 = arith.constant 0 : i32
      %dma_wait3A_175 = tpu.memref_slice %arg9[%dma_wait3A_164, %dma_wait3A_173, %dma_wait3A_174] : memref<4x128x32xf32, #tpu.memory_space<vmem>> -> memref<1x128x32xf32, #tpu.memory_space<vmem>>
      %dma_wait3A_176 = tpu.memref_squeeze %dma_wait3A_175 : memref<1x128x32xf32, #tpu.memory_space<vmem>> -> memref<128x32xf32, #tpu.memory_space<vmem>>
      tpu.wait_dma2 semaphore(%arg11 : memref<!tpu.dma_semaphore, #tpu.memory_space<semaphore_mem>>) src(%dma_wait3A_176 : memref<128x32xf32, #tpu.memory_space<vmem>>) dst(%dma_wait3A_172 : memref<128x32xf32, #tpu.memory_space<vmem_shared>>)
      %dma_wait3A_177 = arith.constant 0 : i32
      %dma_wait3A_178 = arith.constant 0 : i32
      %dma_wait3A_179 = arith.constant 0 : i32
      %dma_wait3A_180 = tpu.memref_slice %arg9[%dma_wait3A_177, %dma_wait3A_178, %dma_wait3A_179] : memref<4x128x32xf32, #tpu.memory_space<vmem>> -> memref<1x128x32xf32, #tpu.memory_space<vmem>>
      %dma_wait3A_181 = tpu.memref_squeeze %dma_wait3A_180 : memref<1x128x32xf32, #tpu.memory_space<vmem>> -> memref<128x32xf32, #tpu.memory_space<vmem>>
      %dma_wait3A_182 = arith.constant 0 : i32
      %dma_wait3A_183 = tpu.memref_slice %arg6[%mul3A_103, %dma_wait3A_182] : memref<51200x32xf32, #tpu.memory_space<vmem_shared>> -> memref<128x32xf32, #tpu.memory_space<vmem_shared>>
      %dma_wait3A_184 = arith.constant 0 : i32
      %dma_wait3A_185 = tpu.memref_slice %arg6[%mul3A_103, %dma_wait3A_184] : memref<51200x32xf32, #tpu.memory_space<vmem_shared>> -> memref<128x32xf32, #tpu.memory_space<vmem_shared>>
      %dma_wait3A_186 = arith.constant 0 : i32
      %dma_wait3A_187 = arith.constant 0 : i32
      %dma_wait3A_188 = tpu.memref_slice %arg9[%dma_wait3A_177, %dma_wait3A_186, %dma_wait3A_187] : memref<4x128x32xf32, #tpu.memory_space<vmem>> -> memref<1x128x32xf32, #tpu.memory_space<vmem>>
      %dma_wait3A_189 = tpu.memref_squeeze %dma_wait3A_188 : memref<1x128x32xf32, #tpu.memory_space<vmem>> -> memref<128x32xf32, #tpu.memory_space<vmem>>
      tpu.wait_dma2 semaphore(%arg11 : memref<!tpu.dma_semaphore, #tpu.memory_space<semaphore_mem>>) src(%dma_wait3A_189 : memref<128x32xf32, #tpu.memory_space<vmem>>) dst(%dma_wait3A_185 : memref<128x32xf32, #tpu.memory_space<vmem_shared>>)
      %dma_wait3A_190 = arith.constant 0 : i32
      %dma_wait3A_191 = arith.constant 0 : i32
      %dma_wait3A_192 = arith.constant 0 : i32
      %dma_wait3A_193 = tpu.memref_slice %arg9[%dma_wait3A_190, %dma_wait3A_191, %dma_wait3A_192] : memref<4x128x32xf32, #tpu.memory_space<vmem>> -> memref<1x128x32xf32, #tpu.memory_space<vmem>>
      %dma_wait3A_194 = tpu.memref_squeeze %dma_wait3A_193 : memref<1x128x32xf32, #tpu.memory_space<vmem>> -> memref<128x32xf32, #tpu.memory_space<vmem>>
      %dma_wait3A_195 = arith.constant 0 : i32
      %dma_wait3A_196 = tpu.memref_slice %arg6[%mul3A_125, %dma_wait3A_195] : memref<51200x32xf32, #tpu.memory_space<vmem_shared>> -> memref<128x32xf32, #tpu.memory_space<vmem_shared>>
      %dma_wait3A_197 = arith.constant 0 : i32
      %dma_wait3A_198 = tpu.memref_slice %arg6[%mul3A_125, %dma_wait3A_197] : memref<51200x32xf32, #tpu.memory_space<vmem_shared>> -> memref<128x32xf32, #tpu.memory_space<vmem_shared>>
      %dma_wait3A_199 = arith.constant 0 : i32
      %dma_wait3A_200 = arith.constant 0 : i32
      %dma_wait3A_201 = tpu.memref_slice %arg9[%dma_wait3A_190, %dma_wait3A_199, %dma_wait3A_200] : memref<4x128x32xf32, #tpu.memory_space<vmem>> -> memref<1x128x32xf32, #tpu.memory_space<vmem>>
      %dma_wait3A_202 = tpu.memref_squeeze %dma_wait3A_201 : memref<1x128x32xf32, #tpu.memory_space<vmem>> -> memref<128x32xf32, #tpu.memory_space<vmem>>
      tpu.wait_dma2 semaphore(%arg11 : memref<!tpu.dma_semaphore, #tpu.memory_space<semaphore_mem>>) src(%dma_wait3A_202 : memref<128x32xf32, #tpu.memory_space<vmem>>) dst(%dma_wait3A_198 : memref<128x32xf32, #tpu.memory_space<vmem_shared>>)
      %scan3A_203 = arith.constant 0 : i32
      scf.yield %scan3A_203 : i32
    }
    %scan3A_12 = arith.constant 5 : i32
    %barrier3A = arith.constant 0 : index
    tpu.barrier barrier_id(%barrier3A)
    %mul3A = arith.constant 392 : i32
    %mul3A_13 = arith.muli %arg1, %mul3A : i32
    %scan3A_14 = arith.constant 0 : i32
    %scan3A_15 = arith.constant 0 : i32
    %scan3A_16 = arith.constant 98 : i32
    %scan3A_17 = arith.addi %scan3A_15, %scan3A_16 : i32
    %scan3A_18 = arith.constant 1 : i32
    %scan3A_19 = scf.for %scan3A_29 = %scan3A_15 to %scan3A_17 step %scan3A_18 iter_args(%scan3A_30 = %scan3A_14) -> (i32)  : i32 {
      %mul3A_31 = arith.constant 4 : i32
      %mul3A_32 = arith.muli %scan3A_29, %mul3A_31 : i32
      %add3A = arith.addi %mul3A_13, %mul3A_32 : i32
      "tpu.region"() ({
        %run_scoped3A = tpu.sem_alloc : memref<!tpu.dma_semaphore, #tpu.memory_space<semaphore_mem>>
        %dma_start3A_224 = arith.constant 0 : i32
        %dma_start3A_225 = tpu.memref_slice %arg2[%arg0, %add3A, %dma_start3A_224] : memref<2x6272x128xi32, #tpu.memory_space<hbm>> -> memref<1x4x128xi32, #tpu.memory_space<hbm>>
        %dma_start3A_226 = tpu.memref_squeeze %dma_start3A_225 : memref<1x4x128xi32, #tpu.memory_space<hbm>> -> memref<4x128xi32, #tpu.memory_space<hbm>>
        %dma_start3A_227 = arith.constant 0 : i32
        %dma_start3A_228 = tpu.memref_slice %arg2[%arg0, %add3A, %dma_start3A_227] : memref<2x6272x128xi32, #tpu.memory_space<hbm>> -> memref<1x4x128xi32, #tpu.memory_space<hbm>>
        %dma_start3A_229 = tpu.memref_squeeze %dma_start3A_228 : memref<1x4x128xi32, #tpu.memory_space<hbm>> -> memref<4x128xi32, #tpu.memory_space<hbm>>
        tpu.enqueue_dma source(%dma_start3A_229 : memref<4x128xi32, #tpu.memory_space<hbm>>) target(%arg7 : memref<4x128xi32, #tpu.memory_space<vmem>>) target_semaphore(%run_scoped3A : memref<!tpu.dma_semaphore, #tpu.memory_space<semaphore_mem>>)
        %dma_wait3A_230 = arith.constant 0 : i32
        %dma_wait3A_231 = tpu.memref_slice %arg2[%arg0, %add3A, %dma_wait3A_230] : memref<2x6272x128xi32, #tpu.memory_space<hbm>> -> memref<1x4x128xi32, #tpu.memory_space<hbm>>
        %dma_wait3A_232 = tpu.memref_squeeze %dma_wait3A_231 : memref<1x4x128xi32, #tpu.memory_space<hbm>> -> memref<4x128xi32, #tpu.memory_space<hbm>>
        %dma_wait3A_233 = arith.constant 0 : i32
        %dma_wait3A_234 = tpu.memref_slice %arg2[%arg0, %add3A, %dma_wait3A_233] : memref<2x6272x128xi32, #tpu.memory_space<hbm>> -> memref<1x4x128xi32, #tpu.memory_space<hbm>>
        %dma_wait3A_235 = tpu.memref_squeeze %dma_wait3A_234 : memref<1x4x128xi32, #tpu.memory_space<hbm>> -> memref<4x128xi32, #tpu.memory_space<hbm>>
        tpu.wait_dma2 semaphore(%run_scoped3A : memref<!tpu.dma_semaphore, #tpu.memory_space<semaphore_mem>>) src(%dma_wait3A_235 : memref<4x128xi32, #tpu.memory_space<hbm>>) dst(%arg7 : memref<4x128xi32, #tpu.memory_space<vmem>>)
        tpu.yield
      }) : () -> ()
      "tpu.region"() ({
        %run_scoped3A = tpu.sem_alloc : memref<!tpu.dma_semaphore, #tpu.memory_space<semaphore_mem>>
        %dma_start3A_224 = arith.constant 0 : i32
        %dma_start3A_225 = tpu.memref_slice %arg3[%add3A, %dma_start3A_224] : memref<6272x128xi32, #tpu.memory_space<hbm>> -> memref<4x128xi32, #tpu.memory_space<hbm>>
        %dma_start3A_226 = arith.constant 0 : i32
        %dma_start3A_227 = tpu.memref_slice %arg3[%add3A, %dma_start3A_226] : memref<6272x128xi32, #tpu.memory_space<hbm>> -> memref<4x128xi32, #tpu.memory_space<hbm>>
        tpu.enqueue_dma source(%dma_start3A_227 : memref<4x128xi32, #tpu.memory_space<hbm>>) target(%arg8 : memref<4x128xi32, #tpu.memory_space<vmem>>) target_semaphore(%run_scoped3A : memref<!tpu.dma_semaphore, #tpu.memory_space<semaphore_mem>>)
        %dma_wait3A_228 = arith.constant 0 : i32
        %dma_wait3A_229 = tpu.memref_slice %arg3[%add3A, %dma_wait3A_228] : memref<6272x128xi32, #tpu.memory_space<hbm>> -> memref<4x128xi32, #tpu.memory_space<hbm>>
        %dma_wait3A_230 = arith.constant 0 : i32
        %dma_wait3A_231 = tpu.memref_slice %arg3[%add3A, %dma_wait3A_230] : memref<6272x128xi32, #tpu.memory_space<hbm>> -> memref<4x128xi32, #tpu.memory_space<hbm>>
        tpu.wait_dma2 semaphore(%run_scoped3A : memref<!tpu.dma_semaphore, #tpu.memory_space<semaphore_mem>>) src(%dma_wait3A_231 : memref<4x128xi32, #tpu.memory_space<hbm>>) dst(%arg8 : memref<4x128xi32, #tpu.memory_space<vmem>>)
        tpu.yield
      }) : () -> ()
      %dma_start3A = arith.constant 0 : i32
      %dma_start3A_33 = arith.constant 0 : i32
      %dma_start3A_34 = arith.constant 0 : i32
      %dma_start3A_35 = arith.constant 0 : i32
      %dma_start3A_36 = tpu.memref_slice %arg9[%dma_start3A_33, %dma_start3A_34, %dma_start3A_35] : memref<4x128x32xf32, #tpu.memory_space<vmem>> -> memref<1x128x32xf32, #tpu.memory_space<vmem>>
      %dma_start3A_37 = tpu.memref_squeeze %dma_start3A_36 : memref<1x128x32xf32, #tpu.memory_space<vmem>> -> memref<128x32xf32, #tpu.memory_space<vmem>>
      %dma_start3A_38 = arith.constant 0 : i32
      %dma_start3A_39 = tpu.memref_slice %arg7[%dma_start3A, %dma_start3A_38] : memref<4x128xi32, #tpu.memory_space<vmem>> -> memref<1x128xi32, #tpu.memory_space<vmem>>
      %dma_start3A_40 = tpu.memref_squeeze %dma_start3A_39 : memref<1x128xi32, #tpu.memory_space<vmem>> -> memref<128xi32, #tpu.memory_space<vmem>>
      %dma_start3A_41 = arith.constant 0 : i32
      %dma_start3A_42 = arith.constant 0 : i32
      %dma_start3A_43 = tpu.memref_slice %arg4[%dma_start3A_41, %dma_start3A_42] : memref<100000x32xf32, #tpu.memory_space<hbm>> -> memref<100000x32xf32, #tpu.memory_space<hbm>>
      tpu.enqueue_indirect_dma source(%dma_start3A_43 : memref<100000x32xf32, #tpu.memory_space<hbm>>) target(%dma_start3A_37 : memref<128x32xf32, #tpu.memory_space<vmem>>) offsets(%dma_start3A_40 : memref<128xi32, #tpu.memory_space<vmem>>) semaphore(%arg10 : memref<!tpu.dma_semaphore, #tpu.memory_space<semaphore_mem>>)
      %dma_start3A_44 = arith.constant 1 : i32
      %dma_start3A_45 = arith.constant 1 : i32
      %dma_start3A_46 = arith.constant 0 : i32
      %dma_start3A_47 = arith.constant 0 : i32
      %dma_start3A_48 = tpu.memref_slice %arg9[%dma_start3A_45, %dma_start3A_46, %dma_start3A_47] : memref<4x128x32xf32, #tpu.memory_space<vmem>> -> memref<1x128x32xf32, #tpu.memory_space<vmem>>
      %dma_start3A_49 = tpu.memref_squeeze %dma_start3A_48 : memref<1x128x32xf32, #tpu.memory_space<vmem>> -> memref<128x32xf32, #tpu.memory_space<vmem>>
      %dma_start3A_50 = arith.constant 0 : i32
      %dma_start3A_51 = tpu.memref_slice %arg7[%dma_start3A_44, %dma_start3A_50] : memref<4x128xi32, #tpu.memory_space<vmem>> -> memref<1x128xi32, #tpu.memory_space<vmem>>
      %dma_start3A_52 = tpu.memref_squeeze %dma_start3A_51 : memref<1x128xi32, #tpu.memory_space<vmem>> -> memref<128xi32, #tpu.memory_space<vmem>>
      %dma_start3A_53 = arith.constant 0 : i32
      %dma_start3A_54 = arith.constant 0 : i32
      %dma_start3A_55 = tpu.memref_slice %arg4[%dma_start3A_53, %dma_start3A_54] : memref<100000x32xf32, #tpu.memory_space<hbm>> -> memref<100000x32xf32, #tpu.memory_space<hbm>>
      tpu.enqueue_indirect_dma source(%dma_start3A_55 : memref<100000x32xf32, #tpu.memory_space<hbm>>) target(%dma_start3A_49 : memref<128x32xf32, #tpu.memory_space<vmem>>) offsets(%dma_start3A_52 : memref<128xi32, #tpu.memory_space<vmem>>) semaphore(%arg10 : memref<!tpu.dma_semaphore, #tpu.memory_space<semaphore_mem>>)
      %dma_start3A_56 = arith.constant 2 : i32
      %dma_start3A_57 = arith.constant 2 : i32
      %dma_start3A_58 = arith.constant 0 : i32
      %dma_start3A_59 = arith.constant 0 : i32
      %dma_start3A_60 = tpu.memref_slice %arg9[%dma_start3A_57, %dma_start3A_58, %dma_start3A_59] : memref<4x128x32xf32, #tpu.memory_space<vmem>> -> memref<1x128x32xf32, #tpu.memory_space<vmem>>
      %dma_start3A_61 = tpu.memref_squeeze %dma_start3A_60 : memref<1x128x32xf32, #tpu.memory_space<vmem>> -> memref<128x32xf32, #tpu.memory_space<vmem>>
      %dma_start3A_62 = arith.constant 0 : i32
      %dma_start3A_63 = tpu.memref_slice %arg7[%dma_start3A_56, %dma_start3A_62] : memref<4x128xi32, #tpu.memory_space<vmem>> -> memref<1x128xi32, #tpu.memory_space<vmem>>
      %dma_start3A_64 = tpu.memref_squeeze %dma_start3A_63 : memref<1x128xi32, #tpu.memory_space<vmem>> -> memref<128xi32, #tpu.memory_space<vmem>>
      %dma_start3A_65 = arith.constant 0 : i32
      %dma_start3A_66 = arith.constant 0 : i32
      %dma_start3A_67 = tpu.memref_slice %arg4[%dma_start3A_65, %dma_start3A_66] : memref<100000x32xf32, #tpu.memory_space<hbm>> -> memref<100000x32xf32, #tpu.memory_space<hbm>>
      tpu.enqueue_indirect_dma source(%dma_start3A_67 : memref<100000x32xf32, #tpu.memory_space<hbm>>) target(%dma_start3A_61 : memref<128x32xf32, #tpu.memory_space<vmem>>) offsets(%dma_start3A_64 : memref<128xi32, #tpu.memory_space<vmem>>) semaphore(%arg10 : memref<!tpu.dma_semaphore, #tpu.memory_space<semaphore_mem>>)
      %dma_start3A_68 = arith.constant 3 : i32
      %dma_start3A_69 = arith.constant 3 : i32
      %dma_start3A_70 = arith.constant 0 : i32
      %dma_start3A_71 = arith.constant 0 : i32
      %dma_start3A_72 = tpu.memref_slice %arg9[%dma_start3A_69, %dma_start3A_70, %dma_start3A_71] : memref<4x128x32xf32, #tpu.memory_space<vmem>> -> memref<1x128x32xf32, #tpu.memory_space<vmem>>
      %dma_start3A_73 = tpu.memref_squeeze %dma_start3A_72 : memref<1x128x32xf32, #tpu.memory_space<vmem>> -> memref<128x32xf32, #tpu.memory_space<vmem>>
      %dma_start3A_74 = arith.constant 0 : i32
      %dma_start3A_75 = tpu.memref_slice %arg7[%dma_start3A_68, %dma_start3A_74] : memref<4x128xi32, #tpu.memory_space<vmem>> -> memref<1x128xi32, #tpu.memory_space<vmem>>
      %dma_start3A_76 = tpu.memref_squeeze %dma_start3A_75 : memref<1x128xi32, #tpu.memory_space<vmem>> -> memref<128xi32, #tpu.memory_space<vmem>>
      %dma_start3A_77 = arith.constant 0 : i32
      %dma_start3A_78 = arith.constant 0 : i32
      %dma_start3A_79 = tpu.memref_slice %arg4[%dma_start3A_77, %dma_start3A_78] : memref<100000x32xf32, #tpu.memory_space<hbm>> -> memref<100000x32xf32, #tpu.memory_space<hbm>>
      tpu.enqueue_indirect_dma source(%dma_start3A_79 : memref<100000x32xf32, #tpu.memory_space<hbm>>) target(%dma_start3A_73 : memref<128x32xf32, #tpu.memory_space<vmem>>) offsets(%dma_start3A_76 : memref<128xi32, #tpu.memory_space<vmem>>) semaphore(%arg10 : memref<!tpu.dma_semaphore, #tpu.memory_space<semaphore_mem>>)
      %dma_wait3A = arith.constant 0 : i32
      %dma_wait3A_80 = arith.constant 0 : i32
      %dma_wait3A_81 = arith.constant 0 : i32
      %dma_wait3A_82 = arith.constant 0 : i32
      %dma_wait3A_83 = tpu.memref_slice %arg9[%dma_wait3A_80, %dma_wait3A_81, %dma_wait3A_82] : memref<4x128x32xf32, #tpu.memory_space<vmem>> -> memref<1x128x32xf32, #tpu.memory_space<vmem>>
      %dma_wait3A_84 = tpu.memref_squeeze %dma_wait3A_83 : memref<1x128x32xf32, #tpu.memory_space<vmem>> -> memref<128x32xf32, #tpu.memory_space<vmem>>
      %dma_wait3A_85 = arith.constant 0 : i32
      %dma_wait3A_86 = tpu.memref_slice %arg7[%dma_wait3A, %dma_wait3A_85] : memref<4x128xi32, #tpu.memory_space<vmem>> -> memref<1x128xi32, #tpu.memory_space<vmem>>
      %dma_wait3A_87 = tpu.memref_squeeze %dma_wait3A_86 : memref<1x128xi32, #tpu.memory_space<vmem>> -> memref<128xi32, #tpu.memory_space<vmem>>
      %dma_wait3A_88 = arith.constant 0 : i32
      %dma_wait3A_89 = arith.constant 0 : i32
      %dma_wait3A_90 = tpu.memref_slice %arg4[%dma_wait3A_88, %dma_wait3A_89] : memref<100000x32xf32, #tpu.memory_space<hbm>> -> memref<100000x32xf32, #tpu.memory_space<hbm>>
      tpu.wait_indirect_dma semaphore(%arg10 : memref<!tpu.dma_semaphore, #tpu.memory_space<semaphore_mem>>) src(%dma_wait3A_90 : memref<100000x32xf32, #tpu.memory_space<hbm>>) dst(%dma_wait3A_84 : memref<128x32xf32, #tpu.memory_space<vmem>>)
      %dma_wait3A_91 = arith.constant 1 : i32
      %dma_wait3A_92 = arith.constant 1 : i32
      %dma_wait3A_93 = arith.constant 0 : i32
      %dma_wait3A_94 = arith.constant 0 : i32
      %dma_wait3A_95 = tpu.memref_slice %arg9[%dma_wait3A_92, %dma_wait3A_93, %dma_wait3A_94] : memref<4x128x32xf32, #tpu.memory_space<vmem>> -> memref<1x128x32xf32, #tpu.memory_space<vmem>>
      %dma_wait3A_96 = tpu.memref_squeeze %dma_wait3A_95 : memref<1x128x32xf32, #tpu.memory_space<vmem>> -> memref<128x32xf32, #tpu.memory_space<vmem>>
      %dma_wait3A_97 = arith.constant 0 : i32
      %dma_wait3A_98 = tpu.memref_slice %arg7[%dma_wait3A_91, %dma_wait3A_97] : memref<4x128xi32, #tpu.memory_space<vmem>> -> memref<1x128xi32, #tpu.memory_space<vmem>>
      %dma_wait3A_99 = tpu.memref_squeeze %dma_wait3A_98 : memref<1x128xi32, #tpu.memory_space<vmem>> -> memref<128xi32, #tpu.memory_space<vmem>>
      %dma_wait3A_100 = arith.constant 0 : i32
      %dma_wait3A_101 = arith.constant 0 : i32
      %dma_wait3A_102 = tpu.memref_slice %arg4[%dma_wait3A_100, %dma_wait3A_101] : memref<100000x32xf32, #tpu.memory_space<hbm>> -> memref<100000x32xf32, #tpu.memory_space<hbm>>
      tpu.wait_indirect_dma semaphore(%arg10 : memref<!tpu.dma_semaphore, #tpu.memory_space<semaphore_mem>>) src(%dma_wait3A_102 : memref<100000x32xf32, #tpu.memory_space<hbm>>) dst(%dma_wait3A_96 : memref<128x32xf32, #tpu.memory_space<vmem>>)
      %dma_wait3A_103 = arith.constant 2 : i32
      %dma_wait3A_104 = arith.constant 2 : i32
      %dma_wait3A_105 = arith.constant 0 : i32
      %dma_wait3A_106 = arith.constant 0 : i32
      %dma_wait3A_107 = tpu.memref_slice %arg9[%dma_wait3A_104, %dma_wait3A_105, %dma_wait3A_106] : memref<4x128x32xf32, #tpu.memory_space<vmem>> -> memref<1x128x32xf32, #tpu.memory_space<vmem>>
      %dma_wait3A_108 = tpu.memref_squeeze %dma_wait3A_107 : memref<1x128x32xf32, #tpu.memory_space<vmem>> -> memref<128x32xf32, #tpu.memory_space<vmem>>
      %dma_wait3A_109 = arith.constant 0 : i32
      %dma_wait3A_110 = tpu.memref_slice %arg7[%dma_wait3A_103, %dma_wait3A_109] : memref<4x128xi32, #tpu.memory_space<vmem>> -> memref<1x128xi32, #tpu.memory_space<vmem>>
      %dma_wait3A_111 = tpu.memref_squeeze %dma_wait3A_110 : memref<1x128xi32, #tpu.memory_space<vmem>> -> memref<128xi32, #tpu.memory_space<vmem>>
      %dma_wait3A_112 = arith.constant 0 : i32
      %dma_wait3A_113 = arith.constant 0 : i32
      %dma_wait3A_114 = tpu.memref_slice %arg4[%dma_wait3A_112, %dma_wait3A_113] : memref<100000x32xf32, #tpu.memory_space<hbm>> -> memref<100000x32xf32, #tpu.memory_space<hbm>>
      tpu.wait_indirect_dma semaphore(%arg10 : memref<!tpu.dma_semaphore, #tpu.memory_space<semaphore_mem>>) src(%dma_wait3A_114 : memref<100000x32xf32, #tpu.memory_space<hbm>>) dst(%dma_wait3A_108 : memref<128x32xf32, #tpu.memory_space<vmem>>)
      %dma_wait3A_115 = arith.constant 3 : i32
      %dma_wait3A_116 = arith.constant 3 : i32
      %dma_wait3A_117 = arith.constant 0 : i32
      %dma_wait3A_118 = arith.constant 0 : i32
      %dma_wait3A_119 = tpu.memref_slice %arg9[%dma_wait3A_116, %dma_wait3A_117, %dma_wait3A_118] : memref<4x128x32xf32, #tpu.memory_space<vmem>> -> memref<1x128x32xf32, #tpu.memory_space<vmem>>
      %dma_wait3A_120 = tpu.memref_squeeze %dma_wait3A_119 : memref<1x128x32xf32, #tpu.memory_space<vmem>> -> memref<128x32xf32, #tpu.memory_space<vmem>>
      %dma_wait3A_121 = arith.constant 0 : i32
      %dma_wait3A_122 = tpu.memref_slice %arg7[%dma_wait3A_115, %dma_wait3A_121] : memref<4x128xi32, #tpu.memory_space<vmem>> -> memref<1x128xi32, #tpu.memory_space<vmem>>
      %dma_wait3A_123 = tpu.memref_squeeze %dma_wait3A_122 : memref<1x128xi32, #tpu.memory_space<vmem>> -> memref<128xi32, #tpu.memory_space<vmem>>
      %dma_wait3A_124 = arith.constant 0 : i32
      %dma_wait3A_125 = arith.constant 0 : i32
      %dma_wait3A_126 = tpu.memref_slice %arg4[%dma_wait3A_124, %dma_wait3A_125] : memref<100000x32xf32, #tpu.memory_space<hbm>> -> memref<100000x32xf32, #tpu.memory_space<hbm>>
      tpu.wait_indirect_dma semaphore(%arg10 : memref<!tpu.dma_semaphore, #tpu.memory_space<semaphore_mem>>) src(%dma_wait3A_126 : memref<100000x32xf32, #tpu.memory_space<hbm>>) dst(%dma_wait3A_120 : memref<128x32xf32, #tpu.memory_space<vmem>>)
      %dma_start3A_127 = arith.constant 0 : i32
      %dma_start3A_128 = arith.constant 0 : i32
      %dma_start3A_129 = arith.constant 0 : i32
      %dma_start3A_130 = arith.constant 0 : i32
      %dma_start3A_131 = tpu.memref_slice %arg9[%dma_start3A_127, %dma_start3A_129, %dma_start3A_130] : memref<4x128x32xf32, #tpu.memory_space<vmem>> -> memref<1x128x32xf32, #tpu.memory_space<vmem>>
      %dma_start3A_132 = tpu.memref_squeeze %dma_start3A_131 : memref<1x128x32xf32, #tpu.memory_space<vmem>> -> memref<128x32xf32, #tpu.memory_space<vmem>>
      %dma_start3A_133 = arith.constant 0 : i32
      %dma_start3A_134 = tpu.memref_slice %arg8[%dma_start3A_128, %dma_start3A_133] : memref<4x128xi32, #tpu.memory_space<vmem>> -> memref<1x128xi32, #tpu.memory_space<vmem>>
      %dma_start3A_135 = tpu.memref_squeeze %dma_start3A_134 : memref<1x128xi32, #tpu.memory_space<vmem>> -> memref<128xi32, #tpu.memory_space<vmem>>
      %dma_start3A_136 = arith.constant 0 : i32
      %dma_start3A_137 = arith.constant 0 : i32
      %dma_start3A_138 = tpu.memref_slice %arg6[%dma_start3A_136, %dma_start3A_137] : memref<51200x32xf32, #tpu.memory_space<vmem_shared>> -> memref<51200x32xf32, #tpu.memory_space<vmem_shared>>
      tpu.enqueue_indirect_dma source(%dma_start3A_132 : memref<128x32xf32, #tpu.memory_space<vmem>>) target(%dma_start3A_138 : memref<51200x32xf32, #tpu.memory_space<vmem_shared>>) offsets(%dma_start3A_135 : memref<128xi32, #tpu.memory_space<vmem>>) semaphore(%arg11 : memref<!tpu.dma_semaphore, #tpu.memory_space<semaphore_mem>>) {add = true}
      %dma_start3A_139 = arith.constant 1 : i32
      %dma_start3A_140 = arith.constant 1 : i32
      %dma_start3A_141 = arith.constant 0 : i32
      %dma_start3A_142 = arith.constant 0 : i32
      %dma_start3A_143 = tpu.memref_slice %arg9[%dma_start3A_139, %dma_start3A_141, %dma_start3A_142] : memref<4x128x32xf32, #tpu.memory_space<vmem>> -> memref<1x128x32xf32, #tpu.memory_space<vmem>>
      %dma_start3A_144 = tpu.memref_squeeze %dma_start3A_143 : memref<1x128x32xf32, #tpu.memory_space<vmem>> -> memref<128x32xf32, #tpu.memory_space<vmem>>
      %dma_start3A_145 = arith.constant 0 : i32
      %dma_start3A_146 = tpu.memref_slice %arg8[%dma_start3A_140, %dma_start3A_145] : memref<4x128xi32, #tpu.memory_space<vmem>> -> memref<1x128xi32, #tpu.memory_space<vmem>>
      %dma_start3A_147 = tpu.memref_squeeze %dma_start3A_146 : memref<1x128xi32, #tpu.memory_space<vmem>> -> memref<128xi32, #tpu.memory_space<vmem>>
      %dma_start3A_148 = arith.constant 0 : i32
      %dma_start3A_149 = arith.constant 0 : i32
      %dma_start3A_150 = tpu.memref_slice %arg6[%dma_start3A_148, %dma_start3A_149] : memref<51200x32xf32, #tpu.memory_space<vmem_shared>> -> memref<51200x32xf32, #tpu.memory_space<vmem_shared>>
      tpu.enqueue_indirect_dma source(%dma_start3A_144 : memref<128x32xf32, #tpu.memory_space<vmem>>) target(%dma_start3A_150 : memref<51200x32xf32, #tpu.memory_space<vmem_shared>>) offsets(%dma_start3A_147 : memref<128xi32, #tpu.memory_space<vmem>>) semaphore(%arg11 : memref<!tpu.dma_semaphore, #tpu.memory_space<semaphore_mem>>) {add = true}
      %dma_start3A_151 = arith.constant 2 : i32
      %dma_start3A_152 = arith.constant 2 : i32
      %dma_start3A_153 = arith.constant 0 : i32
      %dma_start3A_154 = arith.constant 0 : i32
      %dma_start3A_155 = tpu.memref_slice %arg9[%dma_start3A_151, %dma_start3A_153, %dma_start3A_154] : memref<4x128x32xf32, #tpu.memory_space<vmem>> -> memref<1x128x32xf32, #tpu.memory_space<vmem>>
      %dma_start3A_156 = tpu.memref_squeeze %dma_start3A_155 : memref<1x128x32xf32, #tpu.memory_space<vmem>> -> memref<128x32xf32, #tpu.memory_space<vmem>>
      %dma_start3A_157 = arith.constant 0 : i32
      %dma_start3A_158 = tpu.memref_slice %arg8[%dma_start3A_152, %dma_start3A_157] : memref<4x128xi32, #tpu.memory_space<vmem>> -> memref<1x128xi32, #tpu.memory_space<vmem>>
      %dma_start3A_159 = tpu.memref_squeeze %dma_start3A_158 : memref<1x128xi32, #tpu.memory_space<vmem>> -> memref<128xi32, #tpu.memory_space<vmem>>
      %dma_start3A_160 = arith.constant 0 : i32
      %dma_start3A_161 = arith.constant 0 : i32
      %dma_start3A_162 = tpu.memref_slice %arg6[%dma_start3A_160, %dma_start3A_161] : memref<51200x32xf32, #tpu.memory_space<vmem_shared>> -> memref<51200x32xf32, #tpu.memory_space<vmem_shared>>
      tpu.enqueue_indirect_dma source(%dma_start3A_156 : memref<128x32xf32, #tpu.memory_space<vmem>>) target(%dma_start3A_162 : memref<51200x32xf32, #tpu.memory_space<vmem_shared>>) offsets(%dma_start3A_159 : memref<128xi32, #tpu.memory_space<vmem>>) semaphore(%arg11 : memref<!tpu.dma_semaphore, #tpu.memory_space<semaphore_mem>>) {add = true}
      %dma_start3A_163 = arith.constant 3 : i32
      %dma_start3A_164 = arith.constant 3 : i32
      %dma_start3A_165 = arith.constant 0 : i32
      %dma_start3A_166 = arith.constant 0 : i32
      %dma_start3A_167 = tpu.memref_slice %arg9[%dma_start3A_163, %dma_start3A_165, %dma_start3A_166] : memref<4x128x32xf32, #tpu.memory_space<vmem>> -> memref<1x128x32xf32, #tpu.memory_space<vmem>>
      %dma_start3A_168 = tpu.memref_squeeze %dma_start3A_167 : memref<1x128x32xf32, #tpu.memory_space<vmem>> -> memref<128x32xf32, #tpu.memory_space<vmem>>
      %dma_start3A_169 = arith.constant 0 : i32
      %dma_start3A_170 = tpu.memref_slice %arg8[%dma_start3A_164, %dma_start3A_169] : memref<4x128xi32, #tpu.memory_space<vmem>> -> memref<1x128xi32, #tpu.memory_space<vmem>>
      %dma_start3A_171 = tpu.memref_squeeze %dma_start3A_170 : memref<1x128xi32, #tpu.memory_space<vmem>> -> memref<128xi32, #tpu.memory_space<vmem>>
      %dma_start3A_172 = arith.constant 0 : i32
      %dma_start3A_173 = arith.constant 0 : i32
      %dma_start3A_174 = tpu.memref_slice %arg6[%dma_start3A_172, %dma_start3A_173] : memref<51200x32xf32, #tpu.memory_space<vmem_shared>> -> memref<51200x32xf32, #tpu.memory_space<vmem_shared>>
      tpu.enqueue_indirect_dma source(%dma_start3A_168 : memref<128x32xf32, #tpu.memory_space<vmem>>) target(%dma_start3A_174 : memref<51200x32xf32, #tpu.memory_space<vmem_shared>>) offsets(%dma_start3A_171 : memref<128xi32, #tpu.memory_space<vmem>>) semaphore(%arg11 : memref<!tpu.dma_semaphore, #tpu.memory_space<semaphore_mem>>) {add = true}
      %dma_wait3A_175 = arith.constant 0 : i32
      %dma_wait3A_176 = arith.constant 0 : i32
      %dma_wait3A_177 = arith.constant 0 : i32
      %dma_wait3A_178 = arith.constant 0 : i32
      %dma_wait3A_179 = tpu.memref_slice %arg9[%dma_wait3A_175, %dma_wait3A_177, %dma_wait3A_178] : memref<4x128x32xf32, #tpu.memory_space<vmem>> -> memref<1x128x32xf32, #tpu.memory_space<vmem>>
      %dma_wait3A_180 = tpu.memref_squeeze %dma_wait3A_179 : memref<1x128x32xf32, #tpu.memory_space<vmem>> -> memref<128x32xf32, #tpu.memory_space<vmem>>
      %dma_wait3A_181 = arith.constant 0 : i32
      %dma_wait3A_182 = tpu.memref_slice %arg8[%dma_wait3A_176, %dma_wait3A_181] : memref<4x128xi32, #tpu.memory_space<vmem>> -> memref<1x128xi32, #tpu.memory_space<vmem>>
      %dma_wait3A_183 = tpu.memref_squeeze %dma_wait3A_182 : memref<1x128xi32, #tpu.memory_space<vmem>> -> memref<128xi32, #tpu.memory_space<vmem>>
      %dma_wait3A_184 = arith.constant 0 : i32
      %dma_wait3A_185 = arith.constant 0 : i32
      %dma_wait3A_186 = tpu.memref_slice %arg6[%dma_wait3A_184, %dma_wait3A_185] : memref<51200x32xf32, #tpu.memory_space<vmem_shared>> -> memref<51200x32xf32, #tpu.memory_space<vmem_shared>>
      tpu.wait_indirect_dma semaphore(%arg11 : memref<!tpu.dma_semaphore, #tpu.memory_space<semaphore_mem>>) src(%dma_wait3A_180 : memref<128x32xf32, #tpu.memory_space<vmem>>) dst(%dma_wait3A_186 : memref<51200x32xf32, #tpu.memory_space<vmem_shared>>)
      %dma_wait3A_187 = arith.constant 1 : i32
      %dma_wait3A_188 = arith.constant 1 : i32
      %dma_wait3A_189 = arith.constant 0 : i32
      %dma_wait3A_190 = arith.constant 0 : i32
      %dma_wait3A_191 = tpu.memref_slice %arg9[%dma_wait3A_187, %dma_wait3A_189, %dma_wait3A_190] : memref<4x128x32xf32, #tpu.memory_space<vmem>> -> memref<1x128x32xf32, #tpu.memory_space<vmem>>
      %dma_wait3A_192 = tpu.memref_squeeze %dma_wait3A_191 : memref<1x128x32xf32, #tpu.memory_space<vmem>> -> memref<128x32xf32, #tpu.memory_space<vmem>>
      %dma_wait3A_193 = arith.constant 0 : i32
      %dma_wait3A_194 = tpu.memref_slice %arg8[%dma_wait3A_188, %dma_wait3A_193] : memref<4x128xi32, #tpu.memory_space<vmem>> -> memref<1x128xi32, #tpu.memory_space<vmem>>
      %dma_wait3A_195 = tpu.memref_squeeze %dma_wait3A_194 : memref<1x128xi32, #tpu.memory_space<vmem>> -> memref<128xi32, #tpu.memory_space<vmem>>
      %dma_wait3A_196 = arith.constant 0 : i32
      %dma_wait3A_197 = arith.constant 0 : i32
      %dma_wait3A_198 = tpu.memref_slice %arg6[%dma_wait3A_196, %dma_wait3A_197] : memref<51200x32xf32, #tpu.memory_space<vmem_shared>> -> memref<51200x32xf32, #tpu.memory_space<vmem_shared>>
      tpu.wait_indirect_dma semaphore(%arg11 : memref<!tpu.dma_semaphore, #tpu.memory_space<semaphore_mem>>) src(%dma_wait3A_192 : memref<128x32xf32, #tpu.memory_space<vmem>>) dst(%dma_wait3A_198 : memref<51200x32xf32, #tpu.memory_space<vmem_shared>>)
      %dma_wait3A_199 = arith.constant 2 : i32
      %dma_wait3A_200 = arith.constant 2 : i32
      %dma_wait3A_201 = arith.constant 0 : i32
      %dma_wait3A_202 = arith.constant 0 : i32
      %dma_wait3A_203 = tpu.memref_slice %arg9[%dma_wait3A_199, %dma_wait3A_201, %dma_wait3A_202] : memref<4x128x32xf32, #tpu.memory_space<vmem>> -> memref<1x128x32xf32, #tpu.memory_space<vmem>>
      %dma_wait3A_204 = tpu.memref_squeeze %dma_wait3A_203 : memref<1x128x32xf32, #tpu.memory_space<vmem>> -> memref<128x32xf32, #tpu.memory_space<vmem>>
      %dma_wait3A_205 = arith.constant 0 : i32
      %dma_wait3A_206 = tpu.memref_slice %arg8[%dma_wait3A_200, %dma_wait3A_205] : memref<4x128xi32, #tpu.memory_space<vmem>> -> memref<1x128xi32, #tpu.memory_space<vmem>>
      %dma_wait3A_207 = tpu.memref_squeeze %dma_wait3A_206 : memref<1x128xi32, #tpu.memory_space<vmem>> -> memref<128xi32, #tpu.memory_space<vmem>>
      %dma_wait3A_208 = arith.constant 0 : i32
      %dma_wait3A_209 = arith.constant 0 : i32
      %dma_wait3A_210 = tpu.memref_slice %arg6[%dma_wait3A_208, %dma_wait3A_209] : memref<51200x32xf32, #tpu.memory_space<vmem_shared>> -> memref<51200x32xf32, #tpu.memory_space<vmem_shared>>
      tpu.wait_indirect_dma semaphore(%arg11 : memref<!tpu.dma_semaphore, #tpu.memory_space<semaphore_mem>>) src(%dma_wait3A_204 : memref<128x32xf32, #tpu.memory_space<vmem>>) dst(%dma_wait3A_210 : memref<51200x32xf32, #tpu.memory_space<vmem_shared>>)
      %dma_wait3A_211 = arith.constant 3 : i32
      %dma_wait3A_212 = arith.constant 3 : i32
      %dma_wait3A_213 = arith.constant 0 : i32
      %dma_wait3A_214 = arith.constant 0 : i32
      %dma_wait3A_215 = tpu.memref_slice %arg9[%dma_wait3A_211, %dma_wait3A_213, %dma_wait3A_214] : memref<4x128x32xf32, #tpu.memory_space<vmem>> -> memref<1x128x32xf32, #tpu.memory_space<vmem>>
      %dma_wait3A_216 = tpu.memref_squeeze %dma_wait3A_215 : memref<1x128x32xf32, #tpu.memory_space<vmem>> -> memref<128x32xf32, #tpu.memory_space<vmem>>
      %dma_wait3A_217 = arith.constant 0 : i32
      %dma_wait3A_218 = tpu.memref_slice %arg8[%dma_wait3A_212, %dma_wait3A_217] : memref<4x128xi32, #tpu.memory_space<vmem>> -> memref<1x128xi32, #tpu.memory_space<vmem>>
      %dma_wait3A_219 = tpu.memref_squeeze %dma_wait3A_218 : memref<1x128xi32, #tpu.memory_space<vmem>> -> memref<128xi32, #tpu.memory_space<vmem>>
      %dma_wait3A_220 = arith.constant 0 : i32
      %dma_wait3A_221 = arith.constant 0 : i32
      %dma_wait3A_222 = tpu.memref_slice %arg6[%dma_wait3A_220, %dma_wait3A_221] : memref<51200x32xf32, #tpu.memory_space<vmem_shared>> -> memref<51200x32xf32, #tpu.memory_space<vmem_shared>>
      tpu.wait_indirect_dma semaphore(%arg11 : memref<!tpu.dma_semaphore, #tpu.memory_space<semaphore_mem>>) src(%dma_wait3A_216 : memref<128x32xf32, #tpu.memory_space<vmem>>) dst(%dma_wait3A_222 : memref<51200x32xf32, #tpu.memory_space<vmem_shared>>)
      %scan3A_223 = arith.constant 0 : i32
      scf.yield %scan3A_223 : i32
    }
    %scan3A_20 = arith.constant 98 : i32
    %barrier3A_21 = arith.constant 0 : index
    tpu.barrier barrier_id(%barrier3A_21)
    %scan3A_22 = arith.constant 0 : i32
    %scan3A_23 = arith.constant 0 : i32
    %scan3A_24 = arith.constant 25 : i32
    %scan3A_25 = arith.addi %scan3A_23, %scan3A_24 : i32
    %scan3A_26 = arith.constant 1 : i32
    %scan3A_27 = scf.for %scan3A_29 = %scan3A_23 to %scan3A_25 step %scan3A_26 iter_args(%scan3A_30 = %scan3A_22) -> (i32)  : i32 {
      %mul3A_31 = arith.constant 25 : i32
      %mul3A_32 = arith.muli %arg1, %mul3A_31 : i32
      %add3A = arith.addi %mul3A_32, %scan3A_29 : i32
      %mul3A_33 = arith.constant 128 : i32
      %mul3A_34 = arith.muli %add3A, %mul3A_33 : i32
      "tpu.region"() ({
        %run_scoped3A = tpu.sem_alloc : memref<!tpu.dma_semaphore, #tpu.memory_space<semaphore_mem>>
        %dma_start3A = arith.constant 0 : i32
        %dma_start3A_36 = tpu.memref_slice %arg5[%arg0, %mul3A_34, %dma_start3A] : memref<2x51200x128xf32, #tpu.memory_space<hbm>> -> memref<1x128x32xf32, #tpu.memory_space<hbm>>
        %dma_start3A_37 = tpu.memref_squeeze %dma_start3A_36 : memref<1x128x32xf32, #tpu.memory_space<hbm>> -> memref<128x32xf32, #tpu.memory_space<hbm>>
        %dma_start3A_38 = arith.constant 0 : i32
        %dma_start3A_39 = tpu.memref_slice %arg6[%mul3A_34, %dma_start3A_38] : memref<51200x32xf32, #tpu.memory_space<vmem_shared>> -> memref<128x32xf32, #tpu.memory_space<vmem_shared>>
        tpu.enqueue_dma source(%dma_start3A_39 : memref<128x32xf32, #tpu.memory_space<vmem_shared>>) target(%dma_start3A_37 : memref<128x32xf32, #tpu.memory_space<hbm>>) target_semaphore(%run_scoped3A : memref<!tpu.dma_semaphore, #tpu.memory_space<semaphore_mem>>)
        %dma_wait3A = arith.constant 0 : i32
        %dma_wait3A_40 = tpu.memref_slice %arg5[%arg0, %mul3A_34, %dma_wait3A] : memref<2x51200x128xf32, #tpu.memory_space<hbm>> -> memref<1x128x32xf32, #tpu.memory_space<hbm>>
        %dma_wait3A_41 = tpu.memref_squeeze %dma_wait3A_40 : memref<1x128x32xf32, #tpu.memory_space<hbm>> -> memref<128x32xf32, #tpu.memory_space<hbm>>
        %dma_wait3A_42 = arith.constant 0 : i32
        %dma_wait3A_43 = tpu.memref_slice %arg6[%mul3A_34, %dma_wait3A_42] : memref<51200x32xf32, #tpu.memory_space<vmem_shared>> -> memref<128x32xf32, #tpu.memory_space<vmem_shared>>
        tpu.wait_dma2 semaphore(%run_scoped3A : memref<!tpu.dma_semaphore, #tpu.memory_space<semaphore_mem>>) src(%dma_wait3A_43 : memref<128x32xf32, #tpu.memory_space<vmem_shared>>) dst(%dma_wait3A_41 : memref<128x32xf32, #tpu.memory_space<hbm>>)
        tpu.yield
      }) : () -> ()
      %scan3A_35 = arith.constant 0 : i32
      scf.yield %scan3A_35 : i32
    }
    %scan3A_28 = arith.constant 25 : i32
    return
  }
}

#map = affine_map<(d0, d1) -> (0, 0, 0)>
#map1 = affine_map<(d0, d1) -> (0, 0)>
module attributes {stable_mosaic.version = 14 : i64} {
  func.func @deg_kernel(%arg0: i32, %arg1: i32, %arg2: memref<2x6250x128xi32, #tpu.memory_space<hbm>>, %arg3: memref<2x51200xf32, #tpu.memory_space<hbm>>, %arg4: memref<51200xf32, #tpu.memory_space<vmem_shared>>, %arg5: memref<4x128xi32, #tpu.memory_space<vmem>>, %arg6: memref<128xf32, #tpu.memory_space<vmem>>, %arg7: memref<128xf32, #tpu.memory_space<vmem>>) attributes {dimension_semantics = [#tpu.dimension_semantics<core_parallel>, #tpu.dimension_semantics<subcore_parallel>], iteration_bounds = array<i64: 2, 16>, scalar_prefetch = 0 : i64, scratch_operands = 4 : i64, tpu.core_type = #tpu.core_type<sc_vector_subcore>, window_params = [{transform_indices = #map}, {transform_indices = #map1}]} {
    %scan3A = arith.constant 0 : i32
    %scan3A_0 = arith.constant 0 : i32
    %scan3A_1 = arith.constant 8 : i32
    %scan3A_2 = arith.addi %scan3A_0, %scan3A_1 : i32
    %scan3A_3 = arith.constant 1 : i32
    %scan3A_4 = scf.for %scan3A_32 = %scan3A_0 to %scan3A_2 step %scan3A_3 iter_args(%scan3A_33 = %scan3A) -> (i32)  : i32 {
      %broadcast_in_dim3A = arith.constant 1.000000e+00 : f32
      %broadcast_in_dim3A_34 = vector.broadcast %broadcast_in_dim3A : f32 to vector<16xf32>
      %mul3A_35 = arith.constant 16 : i32
      %mul3A_36 = arith.muli %scan3A_32, %mul3A_35 : i32
      %swap3A = arith.index_cast %mul3A_36 : i32 to index
      %swap3A_37 = tpu.vector_load %arg6[%swap3A] {strides = array<i32>} : memref<128xf32, #tpu.memory_space<vmem>>, vector<16xf32>,
      %swap3A_38 = vector.shape_cast %swap3A_37 : vector<16xf32> to vector<16xf32>
      %swap3A_39 = vector.shape_cast %broadcast_in_dim3A_34 : vector<16xf32> to vector<16xf32>
      tpu.vector_store %arg6[%swap3A], %swap3A_39 {strides = array<i32>} : memref<128xf32, #tpu.memory_space<vmem>>, vector<16xf32>,
      %broadcast_in_dim3A_40 = arith.constant 0.000000e+00 : f32
      %broadcast_in_dim3A_41 = vector.broadcast %broadcast_in_dim3A_40 : f32 to vector<16xf32>
      %mul3A_42 = arith.constant 16 : i32
      %mul3A_43 = arith.muli %scan3A_32, %mul3A_42 : i32
      %swap3A_44 = arith.index_cast %mul3A_43 : i32 to index
      %swap3A_45 = tpu.vector_load %arg7[%swap3A_44] {strides = array<i32>} : memref<128xf32, #tpu.memory_space<vmem>>, vector<16xf32>,
      %swap3A_46 = vector.shape_cast %swap3A_45 : vector<16xf32> to vector<16xf32>
      %swap3A_47 = vector.shape_cast %broadcast_in_dim3A_41 : vector<16xf32> to vector<16xf32>
      tpu.vector_store %arg7[%swap3A_44], %swap3A_47 {strides = array<i32>} : memref<128xf32, #tpu.memory_space<vmem>>, vector<16xf32>,
      %scan3A_48 = arith.constant 0 : i32
      scf.yield %scan3A_48 : i32
    }
    %scan3A_5 = arith.constant 8 : i32
    %scan3A_6 = arith.constant 0 : i32
    %scan3A_7 = arith.constant 0 : i32
    %scan3A_8 = arith.constant 25 : i32
    %scan3A_9 = arith.addi %scan3A_7, %scan3A_8 : i32
    %scan3A_10 = arith.constant 1 : i32
    %scan3A_11 = scf.for %scan3A_32 = %scan3A_7 to %scan3A_9 step %scan3A_10 iter_args(%scan3A_33 = %scan3A_6) -> (i32)  : i32 {
      %mul3A_34 = arith.constant 25 : i32
      %mul3A_35 = arith.muli %arg1, %mul3A_34 : i32
      %add3A_36 = arith.addi %mul3A_35, %scan3A_32 : i32
      %mul3A_37 = arith.constant 128 : i32
      %mul3A_38 = arith.muli %add3A_36, %mul3A_37 : i32
      "tpu.region"() ({
        %run_scoped3A = tpu.sem_alloc : memref<!tpu.dma_semaphore, #tpu.memory_space<semaphore_mem>>
        %dma_start3A = tpu.memref_slice %arg4[%mul3A_38] : memref<51200xf32, #tpu.memory_space<vmem_shared>> -> memref<128xf32, #tpu.memory_space<vmem_shared>>
        %dma_start3A_40 = tpu.memref_slice %arg4[%mul3A_38] : memref<51200xf32, #tpu.memory_space<vmem_shared>> -> memref<128xf32, #tpu.memory_space<vmem_shared>>
        tpu.enqueue_dma source(%arg7 : memref<128xf32, #tpu.memory_space<vmem>>) target(%dma_start3A_40 : memref<128xf32, #tpu.memory_space<vmem_shared>>) target_semaphore(%run_scoped3A : memref<!tpu.dma_semaphore, #tpu.memory_space<semaphore_mem>>)
        %dma_wait3A = tpu.memref_slice %arg4[%mul3A_38] : memref<51200xf32, #tpu.memory_space<vmem_shared>> -> memref<128xf32, #tpu.memory_space<vmem_shared>>
        %dma_wait3A_41 = tpu.memref_slice %arg4[%mul3A_38] : memref<51200xf32, #tpu.memory_space<vmem_shared>> -> memref<128xf32, #tpu.memory_space<vmem_shared>>
        tpu.wait_dma2 semaphore(%run_scoped3A : memref<!tpu.dma_semaphore, #tpu.memory_space<semaphore_mem>>) src(%arg7 : memref<128xf32, #tpu.memory_space<vmem>>) dst(%dma_wait3A_41 : memref<128xf32, #tpu.memory_space<vmem_shared>>)
        tpu.yield
      }) : () -> ()
      %scan3A_39 = arith.constant 0 : i32
      scf.yield %scan3A_39 : i32
    }
    %scan3A_12 = arith.constant 25 : i32
    %barrier3A = arith.constant 0 : index
    tpu.barrier barrier_id(%barrier3A)
    %mul3A = arith.constant 16 : i32
    %mul3A_13 = arith.muli %arg0, %mul3A : i32
    %add3A = arith.addi %mul3A_13, %arg1 : i32
    %mul3A_14 = arith.constant 196 : i32
    %mul3A_15 = arith.muli %add3A, %mul3A_14 : i32
    %scan3A_16 = arith.constant 1 : i32
    %scan3A_17 = arith.constant 0 : i32
    %scan3A_18 = arith.constant 0 : i32
    %scan3A_19 = arith.constant 49 : i32
    %scan3A_20 = arith.addi %scan3A_18, %scan3A_19 : i32
    %scan3A_21 = arith.constant 1 : i32
    %scan3A_22 = scf.for %scan3A_32 = %scan3A_18 to %scan3A_20 step %scan3A_21 iter_args(%scan3A_33 = %scan3A_17) -> (i32)  : i32 {
      %mul3A_34 = arith.constant 4 : i32
      %mul3A_35 = arith.muli %scan3A_32, %mul3A_34 : i32
      %add3A_36 = arith.addi %mul3A_15, %mul3A_35 : i32
      %add3A_37 = arith.constant 4 : i32
      %add3A_38 = arith.addi %add3A_36, %add3A_37 : i32
      %le3A = arith.constant 6250 : i32
      %le3A_39 = arith.cmpi sle, %add3A_38, %le3A : i32
      %convert_element_type3A = arith.extui %le3A_39 : i1 to i32
      %cond3A = arith.constant 0 : i32
      %cond3A_40 = arith.cmpi ne, %convert_element_type3A, %cond3A : i32
      scf.if %cond3A_40 {
        "tpu.region"() ({
          %run_scoped3A_52 = tpu.sem_alloc : memref<!tpu.dma_semaphore, #tpu.memory_space<semaphore_mem>>
          %dma_start3A = arith.constant 0 : i32
          %dma_start3A_53 = arith.constant 0 : i32
          %dma_start3A_54 = tpu.memref_slice %arg2[%scan3A_16, %dma_start3A, %dma_start3A_53] : memref<2x6250x128xi32, #tpu.memory_space<hbm>> -> memref<1x6250x128xi32, #tpu.memory_space<hbm>>
          %dma_start3A_55 = tpu.memref_squeeze %dma_start3A_54 : memref<1x6250x128xi32, #tpu.memory_space<hbm>> -> memref<6250x128xi32, #tpu.memory_space<hbm>>
          %dma_start3A_56 = arith.constant 0 : i32
          %dma_start3A_57 = tpu.memref_slice %dma_start3A_55[%add3A_36, %dma_start3A_56] : memref<6250x128xi32, #tpu.memory_space<hbm>> -> memref<4x128xi32, #tpu.memory_space<hbm>>
          %dma_start3A_58 = arith.constant 0 : i32
          %dma_start3A_59 = arith.constant 0 : i32
          %dma_start3A_60 = tpu.memref_slice %arg2[%scan3A_16, %dma_start3A_58, %dma_start3A_59] : memref<2x6250x128xi32, #tpu.memory_space<hbm>> -> memref<1x6250x128xi32, #tpu.memory_space<hbm>>
          %dma_start3A_61 = tpu.memref_squeeze %dma_start3A_60 : memref<1x6250x128xi32, #tpu.memory_space<hbm>> -> memref<6250x128xi32, #tpu.memory_space<hbm>>
          %dma_start3A_62 = arith.constant 0 : i32
          %dma_start3A_63 = tpu.memref_slice %dma_start3A_61[%add3A_36, %dma_start3A_62] : memref<6250x128xi32, #tpu.memory_space<hbm>> -> memref<4x128xi32, #tpu.memory_space<hbm>>
          tpu.enqueue_dma source(%dma_start3A_63 : memref<4x128xi32, #tpu.memory_space<hbm>>) target(%arg5 : memref<4x128xi32, #tpu.memory_space<vmem>>) target_semaphore(%run_scoped3A_52 : memref<!tpu.dma_semaphore, #tpu.memory_space<semaphore_mem>>)
          %dma_wait3A = arith.constant 0 : i32
          %dma_wait3A_64 = arith.constant 0 : i32
          %dma_wait3A_65 = tpu.memref_slice %arg2[%scan3A_16, %dma_wait3A, %dma_wait3A_64] : memref<2x6250x128xi32, #tpu.memory_space<hbm>> -> memref<1x6250x128xi32, #tpu.memory_space<hbm>>
          %dma_wait3A_66 = tpu.memref_squeeze %dma_wait3A_65 : memref<1x6250x128xi32, #tpu.memory_space<hbm>> -> memref<6250x128xi32, #tpu.memory_space<hbm>>
          %dma_wait3A_67 = arith.constant 0 : i32
          %dma_wait3A_68 = tpu.memref_slice %dma_wait3A_66[%add3A_36, %dma_wait3A_67] : memref<6250x128xi32, #tpu.memory_space<hbm>> -> memref<4x128xi32, #tpu.memory_space<hbm>>
          %dma_wait3A_69 = arith.constant 0 : i32
          %dma_wait3A_70 = arith.constant 0 : i32
          %dma_wait3A_71 = tpu.memref_slice %arg2[%scan3A_16, %dma_wait3A_69, %dma_wait3A_70] : memref<2x6250x128xi32, #tpu.memory_space<hbm>> -> memref<1x6250x128xi32, #tpu.memory_space<hbm>>
          %dma_wait3A_72 = tpu.memref_squeeze %dma_wait3A_71 : memref<1x6250x128xi32, #tpu.memory_space<hbm>> -> memref<6250x128xi32, #tpu.memory_space<hbm>>
          %dma_wait3A_73 = arith.constant 0 : i32
          %dma_wait3A_74 = tpu.memref_slice %dma_wait3A_72[%add3A_36, %dma_wait3A_73] : memref<6250x128xi32, #tpu.memory_space<hbm>> -> memref<4x128xi32, #tpu.memory_space<hbm>>
          tpu.wait_dma2 semaphore(%run_scoped3A_52 : memref<!tpu.dma_semaphore, #tpu.memory_space<semaphore_mem>>) src(%dma_wait3A_74 : memref<4x128xi32, #tpu.memory_space<hbm>>) dst(%arg5 : memref<4x128xi32, #tpu.memory_space<vmem>>)
          tpu.yield
        }) : () -> ()
        %run_scoped3A = arith.constant 0 : i32
        "tpu.region"() ({
          %run_scoped3A_52 = tpu.sem_alloc : memref<!tpu.dma_semaphore, #tpu.memory_space<semaphore_mem>>
          %dma_start3A = arith.constant 0 : i32
          %dma_start3A_53 = tpu.memref_slice %arg5[%run_scoped3A, %dma_start3A] : memref<4x128xi32, #tpu.memory_space<vmem>> -> memref<1x128xi32, #tpu.memory_space<vmem>>
          %dma_start3A_54 = tpu.memref_squeeze %dma_start3A_53 : memref<1x128xi32, #tpu.memory_space<vmem>> -> memref<128xi32, #tpu.memory_space<vmem>>
          %dma_start3A_55 = arith.constant 0 : i32
          %dma_start3A_56 = tpu.memref_slice %arg4[%dma_start3A_55] : memref<51200xf32, #tpu.memory_space<vmem_shared>> -> memref<51200xf32, #tpu.memory_space<vmem_shared>>
          tpu.enqueue_indirect_dma source(%arg6 : memref<128xf32, #tpu.memory_space<vmem>>) target(%dma_start3A_56 : memref<51200xf32, #tpu.memory_space<vmem_shared>>) offsets(%dma_start3A_54 : memref<128xi32, #tpu.memory_space<vmem>>) semaphore(%run_scoped3A_52 : memref<!tpu.dma_semaphore, #tpu.memory_space<semaphore_mem>>) {add = true}
          %dma_wait3A = arith.constant 0 : i32
          %dma_wait3A_57 = tpu.memref_slice %arg5[%run_scoped3A, %dma_wait3A] : memref<4x128xi32, #tpu.memory_space<vmem>> -> memref<1x128xi32, #tpu.memory_space<vmem>>
          %dma_wait3A_58 = tpu.memref_squeeze %dma_wait3A_57 : memref<1x128xi32, #tpu.memory_space<vmem>> -> memref<128xi32, #tpu.memory_space<vmem>>
          %dma_wait3A_59 = arith.constant 0 : i32
          %dma_wait3A_60 = tpu.memref_slice %arg4[%dma_wait3A_59] : memref<51200xf32, #tpu.memory_space<vmem_shared>> -> memref<51200xf32, #tpu.memory_space<vmem_shared>>
          tpu.wait_indirect_dma semaphore(%run_scoped3A_52 : memref<!tpu.dma_semaphore, #tpu.memory_space<semaphore_mem>>) src(%arg6 : memref<128xf32, #tpu.memory_space<vmem>>) dst(%dma_wait3A_60 : memref<51200xf32, #tpu.memory_space<vmem_shared>>)
          tpu.yield
        }) : () -> ()
        %run_scoped3A_49 = arith.constant 1 : i32
        "tpu.region"() ({
          %run_scoped3A_52 = tpu.sem_alloc : memref<!tpu.dma_semaphore, #tpu.memory_space<semaphore_mem>>
          %dma_start3A = arith.constant 0 : i32
          %dma_start3A_53 = tpu.memref_slice %arg5[%run_scoped3A_49, %dma_start3A] : memref<4x128xi32, #tpu.memory_space<vmem>> -> memref<1x128xi32, #tpu.memory_space<vmem>>
          %dma_start3A_54 = tpu.memref_squeeze %dma_start3A_53 : memref<1x128xi32, #tpu.memory_space<vmem>> -> memref<128xi32, #tpu.memory_space<vmem>>
          %dma_start3A_55 = arith.constant 0 : i32
          %dma_start3A_56 = tpu.memref_slice %arg4[%dma_start3A_55] : memref<51200xf32, #tpu.memory_space<vmem_shared>> -> memref<51200xf32, #tpu.memory_space<vmem_shared>>
          tpu.enqueue_indirect_dma source(%arg6 : memref<128xf32, #tpu.memory_space<vmem>>) target(%dma_start3A_56 : memref<51200xf32, #tpu.memory_space<vmem_shared>>) offsets(%dma_start3A_54 : memref<128xi32, #tpu.memory_space<vmem>>) semaphore(%run_scoped3A_52 : memref<!tpu.dma_semaphore, #tpu.memory_space<semaphore_mem>>) {add = true}
          %dma_wait3A = arith.constant 0 : i32
          %dma_wait3A_57 = tpu.memref_slice %arg5[%run_scoped3A_49, %dma_wait3A] : memref<4x128xi32, #tpu.memory_space<vmem>> -> memref<1x128xi32, #tpu.memory_space<vmem>>
          %dma_wait3A_58 = tpu.memref_squeeze %dma_wait3A_57 : memref<1x128xi32, #tpu.memory_space<vmem>> -> memref<128xi32, #tpu.memory_space<vmem>>
          %dma_wait3A_59 = arith.constant 0 : i32
          %dma_wait3A_60 = tpu.memref_slice %arg4[%dma_wait3A_59] : memref<51200xf32, #tpu.memory_space<vmem_shared>> -> memref<51200xf32, #tpu.memory_space<vmem_shared>>
          tpu.wait_indirect_dma semaphore(%run_scoped3A_52 : memref<!tpu.dma_semaphore, #tpu.memory_space<semaphore_mem>>) src(%arg6 : memref<128xf32, #tpu.memory_space<vmem>>) dst(%dma_wait3A_60 : memref<51200xf32, #tpu.memory_space<vmem_shared>>)
          tpu.yield
        }) : () -> ()
        %run_scoped3A_50 = arith.constant 2 : i32
        "tpu.region"() ({
          %run_scoped3A_52 = tpu.sem_alloc : memref<!tpu.dma_semaphore, #tpu.memory_space<semaphore_mem>>
          %dma_start3A = arith.constant 0 : i32
          %dma_start3A_53 = tpu.memref_slice %arg5[%run_scoped3A_50, %dma_start3A] : memref<4x128xi32, #tpu.memory_space<vmem>> -> memref<1x128xi32, #tpu.memory_space<vmem>>
          %dma_start3A_54 = tpu.memref_squeeze %dma_start3A_53 : memref<1x128xi32, #tpu.memory_space<vmem>> -> memref<128xi32, #tpu.memory_space<vmem>>
          %dma_start3A_55 = arith.constant 0 : i32
          %dma_start3A_56 = tpu.memref_slice %arg4[%dma_start3A_55] : memref<51200xf32, #tpu.memory_space<vmem_shared>> -> memref<51200xf32, #tpu.memory_space<vmem_shared>>
          tpu.enqueue_indirect_dma source(%arg6 : memref<128xf32, #tpu.memory_space<vmem>>) target(%dma_start3A_56 : memref<51200xf32, #tpu.memory_space<vmem_shared>>) offsets(%dma_start3A_54 : memref<128xi32, #tpu.memory_space<vmem>>) semaphore(%run_scoped3A_52 : memref<!tpu.dma_semaphore, #tpu.memory_space<semaphore_mem>>) {add = true}
          %dma_wait3A = arith.constant 0 : i32
          %dma_wait3A_57 = tpu.memref_slice %arg5[%run_scoped3A_50, %dma_wait3A] : memref<4x128xi32, #tpu.memory_space<vmem>> -> memref<1x128xi32, #tpu.memory_space<vmem>>
          %dma_wait3A_58 = tpu.memref_squeeze %dma_wait3A_57 : memref<1x128xi32, #tpu.memory_space<vmem>> -> memref<128xi32, #tpu.memory_space<vmem>>
          %dma_wait3A_59 = arith.constant 0 : i32
          %dma_wait3A_60 = tpu.memref_slice %arg4[%dma_wait3A_59] : memref<51200xf32, #tpu.memory_space<vmem_shared>> -> memref<51200xf32, #tpu.memory_space<vmem_shared>>
          tpu.wait_indirect_dma semaphore(%run_scoped3A_52 : memref<!tpu.dma_semaphore, #tpu.memory_space<semaphore_mem>>) src(%arg6 : memref<128xf32, #tpu.memory_space<vmem>>) dst(%dma_wait3A_60 : memref<51200xf32, #tpu.memory_space<vmem_shared>>)
          tpu.yield
        }) : () -> ()
        %run_scoped3A_51 = arith.constant 3 : i32
        "tpu.region"() ({
          %run_scoped3A_52 = tpu.sem_alloc : memref<!tpu.dma_semaphore, #tpu.memory_space<semaphore_mem>>
          %dma_start3A = arith.constant 0 : i32
          %dma_start3A_53 = tpu.memref_slice %arg5[%run_scoped3A_51, %dma_start3A] : memref<4x128xi32, #tpu.memory_space<vmem>> -> memref<1x128xi32, #tpu.memory_space<vmem>>
          %dma_start3A_54 = tpu.memref_squeeze %dma_start3A_53 : memref<1x128xi32, #tpu.memory_space<vmem>> -> memref<128xi32, #tpu.memory_space<vmem>>
          %dma_start3A_55 = arith.constant 0 : i32
          %dma_start3A_56 = tpu.memref_slice %arg4[%dma_start3A_55] : memref<51200xf32, #tpu.memory_space<vmem_shared>> -> memref<51200xf32, #tpu.memory_space<vmem_shared>>
          tpu.enqueue_indirect_dma source(%arg6 : memref<128xf32, #tpu.memory_space<vmem>>) target(%dma_start3A_56 : memref<51200xf32, #tpu.memory_space<vmem_shared>>) offsets(%dma_start3A_54 : memref<128xi32, #tpu.memory_space<vmem>>) semaphore(%run_scoped3A_52 : memref<!tpu.dma_semaphore, #tpu.memory_space<semaphore_mem>>) {add = true}
          %dma_wait3A = arith.constant 0 : i32
          %dma_wait3A_57 = tpu.memref_slice %arg5[%run_scoped3A_51, %dma_wait3A] : memref<4x128xi32, #tpu.memory_space<vmem>> -> memref<1x128xi32, #tpu.memory_space<vmem>>
          %dma_wait3A_58 = tpu.memref_squeeze %dma_wait3A_57 : memref<1x128xi32, #tpu.memory_space<vmem>> -> memref<128xi32, #tpu.memory_space<vmem>>
          %dma_wait3A_59 = arith.constant 0 : i32
          %dma_wait3A_60 = tpu.memref_slice %arg4[%dma_wait3A_59] : memref<51200xf32, #tpu.memory_space<vmem_shared>> -> memref<51200xf32, #tpu.memory_space<vmem_shared>>
          tpu.wait_indirect_dma semaphore(%run_scoped3A_52 : memref<!tpu.dma_semaphore, #tpu.memory_space<semaphore_mem>>) src(%arg6 : memref<128xf32, #tpu.memory_space<vmem>>) dst(%dma_wait3A_60 : memref<51200xf32, #tpu.memory_space<vmem_shared>>)
          tpu.yield
        }) : () -> ()
      } else {
      }
      %lt3A = arith.constant 6250 : i32
      %lt3A_41 = arith.cmpi slt, %add3A_36, %lt3A : i32
      %add3A_42 = arith.constant 4 : i32
      %add3A_43 = arith.addi %add3A_36, %add3A_42 : i32
      %gt3A = arith.constant 6250 : i32
      %gt3A_44 = arith.cmpi sgt, %add3A_43, %gt3A : i32
      %and3A = arith.andi %lt3A_41, %gt3A_44 : i1
      %convert_element_type3A_45 = arith.extui %and3A : i1 to i32
      %cond3A_46 = arith.constant 0 : i32
      %cond3A_47 = arith.cmpi ne, %convert_element_type3A_45, %cond3A_46 : i32
      scf.if %cond3A_47 {
        %sub3A = arith.constant 6250 : i32
        %sub3A_49 = arith.subi %sub3A, %add3A_36 : i32
        %while3A = arith.constant 0 : i32
        %while3A_50 = arith.constant 0 : i32
        %while3A_51 = arith.subi %sub3A_49, %while3A : i32
        %while3A_52 = arith.addi %while3A, %while3A_51 : i32
        %while3A_53 = arith.constant 1 : i32
        %while3A_54 = arith.divsi %while3A_51, %while3A_53 : i32
        %while3A_55 = arith.muli %while3A_54, %while3A_53 : i32
        %while3A_56 = arith.addi %while3A, %while3A_55 : i32
        %while3A_57 = arith.constant 1 : i32
        %while3A_58 = scf.for %while3A_61 = %while3A to %while3A_56 step %while3A_57 iter_args(%while3A_62 = %while3A_50) -> (i32)  : i32 {
          %add3A_63 = arith.addi %add3A_36, %while3A_61 : i32
          "tpu.region"() ({
            %run_scoped3A_65 = tpu.sem_alloc : memref<!tpu.dma_semaphore, #tpu.memory_space<semaphore_mem>>
            %dma_start3A = arith.constant 0 : i32
            %dma_start3A_66 = arith.constant 0 : i32
            %dma_start3A_67 = tpu.memref_slice %arg5[%dma_start3A, %dma_start3A_66] : memref<4x128xi32, #tpu.memory_space<vmem>> -> memref<1x128xi32, #tpu.memory_space<vmem>>
            %dma_start3A_68 = arith.constant 0 : i32
            %dma_start3A_69 = arith.constant 0 : i32
            %dma_start3A_70 = tpu.memref_slice %arg2[%scan3A_16, %dma_start3A_68, %dma_start3A_69] : memref<2x6250x128xi32, #tpu.memory_space<hbm>> -> memref<1x6250x128xi32, #tpu.memory_space<hbm>>
            %dma_start3A_71 = tpu.memref_squeeze %dma_start3A_70 : memref<1x6250x128xi32, #tpu.memory_space<hbm>> -> memref<6250x128xi32, #tpu.memory_space<hbm>>
            %dma_start3A_72 = arith.constant 0 : i32
            %dma_start3A_73 = tpu.memref_slice %dma_start3A_71[%add3A_63, %dma_start3A_72] : memref<6250x128xi32, #tpu.memory_space<hbm>> -> memref<1x128xi32, #tpu.memory_space<hbm>>
            %dma_start3A_74 = arith.constant 0 : i32
            %dma_start3A_75 = arith.constant 0 : i32
            %dma_start3A_76 = tpu.memref_slice %arg5[%dma_start3A_74, %dma_start3A_75] : memref<4x128xi32, #tpu.memory_space<vmem>> -> memref<1x128xi32, #tpu.memory_space<vmem>>
            %dma_start3A_77 = arith.constant 0 : i32
            %dma_start3A_78 = arith.constant 0 : i32
            %dma_start3A_79 = tpu.memref_slice %arg2[%scan3A_16, %dma_start3A_77, %dma_start3A_78] : memref<2x6250x128xi32, #tpu.memory_space<hbm>> -> memref<1x6250x128xi32, #tpu.memory_space<hbm>>
            %dma_start3A_80 = tpu.memref_squeeze %dma_start3A_79 : memref<1x6250x128xi32, #tpu.memory_space<hbm>> -> memref<6250x128xi32, #tpu.memory_space<hbm>>
            %dma_start3A_81 = arith.constant 0 : i32
            %dma_start3A_82 = tpu.memref_slice %dma_start3A_80[%add3A_63, %dma_start3A_81] : memref<6250x128xi32, #tpu.memory_space<hbm>> -> memref<1x128xi32, #tpu.memory_space<hbm>>
            tpu.enqueue_dma source(%dma_start3A_82 : memref<1x128xi32, #tpu.memory_space<hbm>>) target(%dma_start3A_76 : memref<1x128xi32, #tpu.memory_space<vmem>>) target_semaphore(%run_scoped3A_65 : memref<!tpu.dma_semaphore, #tpu.memory_space<semaphore_mem>>)
            %dma_wait3A = arith.constant 0 : i32
            %dma_wait3A_83 = arith.constant 0 : i32
            %dma_wait3A_84 = tpu.memref_slice %arg5[%dma_wait3A, %dma_wait3A_83] : memref<4x128xi32, #tpu.memory_space<vmem>> -> memref<1x128xi32, #tpu.memory_space<vmem>>
            %dma_wait3A_85 = arith.constant 0 : i32
            %dma_wait3A_86 = arith.constant 0 : i32
            %dma_wait3A_87 = tpu.memref_slice %arg2[%scan3A_16, %dma_wait3A_85, %dma_wait3A_86] : memref<2x6250x128xi32, #tpu.memory_space<hbm>> -> memref<1x6250x128xi32, #tpu.memory_space<hbm>>
            %dma_wait3A_88 = tpu.memref_squeeze %dma_wait3A_87 : memref<1x6250x128xi32, #tpu.memory_space<hbm>> -> memref<6250x128xi32, #tpu.memory_space<hbm>>
            %dma_wait3A_89 = arith.constant 0 : i32
            %dma_wait3A_90 = tpu.memref_slice %dma_wait3A_88[%add3A_63, %dma_wait3A_89] : memref<6250x128xi32, #tpu.memory_space<hbm>> -> memref<1x128xi32, #tpu.memory_space<hbm>>
            %dma_wait3A_91 = arith.constant 0 : i32
            %dma_wait3A_92 = arith.constant 0 : i32
            %dma_wait3A_93 = tpu.memref_slice %arg5[%dma_wait3A_91, %dma_wait3A_92] : memref<4x128xi32, #tpu.memory_space<vmem>> -> memref<1x128xi32, #tpu.memory_space<vmem>>
            %dma_wait3A_94 = arith.constant 0 : i32
            %dma_wait3A_95 = arith.constant 0 : i32
            %dma_wait3A_96 = tpu.memref_slice %arg2[%scan3A_16, %dma_wait3A_94, %dma_wait3A_95] : memref<2x6250x128xi32, #tpu.memory_space<hbm>> -> memref<1x6250x128xi32, #tpu.memory_space<hbm>>
            %dma_wait3A_97 = tpu.memref_squeeze %dma_wait3A_96 : memref<1x6250x128xi32, #tpu.memory_space<hbm>> -> memref<6250x128xi32, #tpu.memory_space<hbm>>
            %dma_wait3A_98 = arith.constant 0 : i32
            %dma_wait3A_99 = tpu.memref_slice %dma_wait3A_97[%add3A_63, %dma_wait3A_98] : memref<6250x128xi32, #tpu.memory_space<hbm>> -> memref<1x128xi32, #tpu.memory_space<hbm>>
            tpu.wait_dma2 semaphore(%run_scoped3A_65 : memref<!tpu.dma_semaphore, #tpu.memory_space<semaphore_mem>>) src(%dma_wait3A_99 : memref<1x128xi32, #tpu.memory_space<hbm>>) dst(%dma_wait3A_93 : memref<1x128xi32, #tpu.memory_space<vmem>>)
            tpu.yield
          }) : () -> ()
          %run_scoped3A = arith.constant 0 : i32
          "tpu.region"() ({
            %run_scoped3A_65 = tpu.sem_alloc : memref<!tpu.dma_semaphore, #tpu.memory_space<semaphore_mem>>
            %dma_start3A = arith.constant 0 : i32
            %dma_start3A_66 = tpu.memref_slice %arg5[%run_scoped3A, %dma_start3A] : memref<4x128xi32, #tpu.memory_space<vmem>> -> memref<1x128xi32, #tpu.memory_space<vmem>>
            %dma_start3A_67 = tpu.memref_squeeze %dma_start3A_66 : memref<1x128xi32, #tpu.memory_space<vmem>> -> memref<128xi32, #tpu.memory_space<vmem>>
            %dma_start3A_68 = arith.constant 0 : i32
            %dma_start3A_69 = tpu.memref_slice %arg4[%dma_start3A_68] : memref<51200xf32, #tpu.memory_space<vmem_shared>> -> memref<51200xf32, #tpu.memory_space<vmem_shared>>
            tpu.enqueue_indirect_dma source(%arg6 : memref<128xf32, #tpu.memory_space<vmem>>) target(%dma_start3A_69 : memref<51200xf32, #tpu.memory_space<vmem_shared>>) offsets(%dma_start3A_67 : memref<128xi32, #tpu.memory_space<vmem>>) semaphore(%run_scoped3A_65 : memref<!tpu.dma_semaphore, #tpu.memory_space<semaphore_mem>>) {add = true}
            %dma_wait3A = arith.constant 0 : i32
            %dma_wait3A_70 = tpu.memref_slice %arg5[%run_scoped3A, %dma_wait3A] : memref<4x128xi32, #tpu.memory_space<vmem>> -> memref<1x128xi32, #tpu.memory_space<vmem>>
            %dma_wait3A_71 = tpu.memref_squeeze %dma_wait3A_70 : memref<1x128xi32, #tpu.memory_space<vmem>> -> memref<128xi32, #tpu.memory_space<vmem>>
            %dma_wait3A_72 = arith.constant 0 : i32
            %dma_wait3A_73 = tpu.memref_slice %arg4[%dma_wait3A_72] : memref<51200xf32, #tpu.memory_space<vmem_shared>> -> memref<51200xf32, #tpu.memory_space<vmem_shared>>
            tpu.wait_indirect_dma semaphore(%run_scoped3A_65 : memref<!tpu.dma_semaphore, #tpu.memory_space<semaphore_mem>>) src(%arg6 : memref<128xf32, #tpu.memory_space<vmem>>) dst(%dma_wait3A_73 : memref<51200xf32, #tpu.memory_space<vmem_shared>>)
            tpu.yield
          }) : () -> ()
          %while3A_64 = arith.constant 0 : i32
          scf.yield %while3A_64 : i32
        }
        %while3A_59 = arith.constant 1 : i32
        %while3A_60 = scf.for %while3A_61 = %while3A_56 to %while3A_52 step %while3A_59 iter_args(%while3A_62 = %while3A_58) -> (i32)  : i32 {
          %add3A_63 = arith.addi %add3A_36, %while3A_61 : i32
          "tpu.region"() ({
            %run_scoped3A_65 = tpu.sem_alloc : memref<!tpu.dma_semaphore, #tpu.memory_space<semaphore_mem>>
            %dma_start3A = arith.constant 0 : i32
            %dma_start3A_66 = arith.constant 0 : i32
            %dma_start3A_67 = tpu.memref_slice %arg5[%dma_start3A, %dma_start3A_66] : memref<4x128xi32, #tpu.memory_space<vmem>> -> memref<1x128xi32, #tpu.memory_space<vmem>>
            %dma_start3A_68 = arith.constant 0 : i32
            %dma_start3A_69 = arith.constant 0 : i32
            %dma_start3A_70 = tpu.memref_slice %arg2[%scan3A_16, %dma_start3A_68, %dma_start3A_69] : memref<2x6250x128xi32, #tpu.memory_space<hbm>> -> memref<1x6250x128xi32, #tpu.memory_space<hbm>>
            %dma_start3A_71 = tpu.memref_squeeze %dma_start3A_70 : memref<1x6250x128xi32, #tpu.memory_space<hbm>> -> memref<6250x128xi32, #tpu.memory_space<hbm>>
            %dma_start3A_72 = arith.constant 0 : i32
            %dma_start3A_73 = tpu.memref_slice %dma_start3A_71[%add3A_63, %dma_start3A_72] : memref<6250x128xi32, #tpu.memory_space<hbm>> -> memref<1x128xi32, #tpu.memory_space<hbm>>
            %dma_start3A_74 = arith.constant 0 : i32
            %dma_start3A_75 = arith.constant 0 : i32
            %dma_start3A_76 = tpu.memref_slice %arg5[%dma_start3A_74, %dma_start3A_75] : memref<4x128xi32, #tpu.memory_space<vmem>> -> memref<1x128xi32, #tpu.memory_space<vmem>>
            %dma_start3A_77 = arith.constant 0 : i32
            %dma_start3A_78 = arith.constant 0 : i32
            %dma_start3A_79 = tpu.memref_slice %arg2[%scan3A_16, %dma_start3A_77, %dma_start3A_78] : memref<2x6250x128xi32, #tpu.memory_space<hbm>> -> memref<1x6250x128xi32, #tpu.memory_space<hbm>>
            %dma_start3A_80 = tpu.memref_squeeze %dma_start3A_79 : memref<1x6250x128xi32, #tpu.memory_space<hbm>> -> memref<6250x128xi32, #tpu.memory_space<hbm>>
            %dma_start3A_81 = arith.constant 0 : i32
            %dma_start3A_82 = tpu.memref_slice %dma_start3A_80[%add3A_63, %dma_start3A_81] : memref<6250x128xi32, #tpu.memory_space<hbm>> -> memref<1x128xi32, #tpu.memory_space<hbm>>
            tpu.enqueue_dma source(%dma_start3A_82 : memref<1x128xi32, #tpu.memory_space<hbm>>) target(%dma_start3A_76 : memref<1x128xi32, #tpu.memory_space<vmem>>) target_semaphore(%run_scoped3A_65 : memref<!tpu.dma_semaphore, #tpu.memory_space<semaphore_mem>>)
            %dma_wait3A = arith.constant 0 : i32
            %dma_wait3A_83 = arith.constant 0 : i32
            %dma_wait3A_84 = tpu.memref_slice %arg5[%dma_wait3A, %dma_wait3A_83] : memref<4x128xi32, #tpu.memory_space<vmem>> -> memref<1x128xi32, #tpu.memory_space<vmem>>
            %dma_wait3A_85 = arith.constant 0 : i32
            %dma_wait3A_86 = arith.constant 0 : i32
            %dma_wait3A_87 = tpu.memref_slice %arg2[%scan3A_16, %dma_wait3A_85, %dma_wait3A_86] : memref<2x6250x128xi32, #tpu.memory_space<hbm>> -> memref<1x6250x128xi32, #tpu.memory_space<hbm>>
            %dma_wait3A_88 = tpu.memref_squeeze %dma_wait3A_87 : memref<1x6250x128xi32, #tpu.memory_space<hbm>> -> memref<6250x128xi32, #tpu.memory_space<hbm>>
            %dma_wait3A_89 = arith.constant 0 : i32
            %dma_wait3A_90 = tpu.memref_slice %dma_wait3A_88[%add3A_63, %dma_wait3A_89] : memref<6250x128xi32, #tpu.memory_space<hbm>> -> memref<1x128xi32, #tpu.memory_space<hbm>>
            %dma_wait3A_91 = arith.constant 0 : i32
            %dma_wait3A_92 = arith.constant 0 : i32
            %dma_wait3A_93 = tpu.memref_slice %arg5[%dma_wait3A_91, %dma_wait3A_92] : memref<4x128xi32, #tpu.memory_space<vmem>> -> memref<1x128xi32, #tpu.memory_space<vmem>>
            %dma_wait3A_94 = arith.constant 0 : i32
            %dma_wait3A_95 = arith.constant 0 : i32
            %dma_wait3A_96 = tpu.memref_slice %arg2[%scan3A_16, %dma_wait3A_94, %dma_wait3A_95] : memref<2x6250x128xi32, #tpu.memory_space<hbm>> -> memref<1x6250x128xi32, #tpu.memory_space<hbm>>
            %dma_wait3A_97 = tpu.memref_squeeze %dma_wait3A_96 : memref<1x6250x128xi32, #tpu.memory_space<hbm>> -> memref<6250x128xi32, #tpu.memory_space<hbm>>
            %dma_wait3A_98 = arith.constant 0 : i32
            %dma_wait3A_99 = tpu.memref_slice %dma_wait3A_97[%add3A_63, %dma_wait3A_98] : memref<6250x128xi32, #tpu.memory_space<hbm>> -> memref<1x128xi32, #tpu.memory_space<hbm>>
            tpu.wait_dma2 semaphore(%run_scoped3A_65 : memref<!tpu.dma_semaphore, #tpu.memory_space<semaphore_mem>>) src(%dma_wait3A_99 : memref<1x128xi32, #tpu.memory_space<hbm>>) dst(%dma_wait3A_93 : memref<1x128xi32, #tpu.memory_space<vmem>>)
            tpu.yield
          }) : () -> ()
          %run_scoped3A = arith.constant 0 : i32
          "tpu.region"() ({
            %run_scoped3A_65 = tpu.sem_alloc : memref<!tpu.dma_semaphore, #tpu.memory_space<semaphore_mem>>
            %dma_start3A = arith.constant 0 : i32
            %dma_start3A_66 = tpu.memref_slice %arg5[%run_scoped3A, %dma_start3A] : memref<4x128xi32, #tpu.memory_space<vmem>> -> memref<1x128xi32, #tpu.memory_space<vmem>>
            %dma_start3A_67 = tpu.memref_squeeze %dma_start3A_66 : memref<1x128xi32, #tpu.memory_space<vmem>> -> memref<128xi32, #tpu.memory_space<vmem>>
            %dma_start3A_68 = arith.constant 0 : i32
            %dma_start3A_69 = tpu.memref_slice %arg4[%dma_start3A_68] : memref<51200xf32, #tpu.memory_space<vmem_shared>> -> memref<51200xf32, #tpu.memory_space<vmem_shared>>
            tpu.enqueue_indirect_dma source(%arg6 : memref<128xf32, #tpu.memory_space<vmem>>) target(%dma_start3A_69 : memref<51200xf32, #tpu.memory_space<vmem_shared>>) offsets(%dma_start3A_67 : memref<128xi32, #tpu.memory_space<vmem>>) semaphore(%run_scoped3A_65 : memref<!tpu.dma_semaphore, #tpu.memory_space<semaphore_mem>>) {add = true}
            %dma_wait3A = arith.constant 0 : i32
            %dma_wait3A_70 = tpu.memref_slice %arg5[%run_scoped3A, %dma_wait3A] : memref<4x128xi32, #tpu.memory_space<vmem>> -> memref<1x128xi32, #tpu.memory_space<vmem>>
            %dma_wait3A_71 = tpu.memref_squeeze %dma_wait3A_70 : memref<1x128xi32, #tpu.memory_space<vmem>> -> memref<128xi32, #tpu.memory_space<vmem>>
            %dma_wait3A_72 = arith.constant 0 : i32
            %dma_wait3A_73 = tpu.memref_slice %arg4[%dma_wait3A_72] : memref<51200xf32, #tpu.memory_space<vmem_shared>> -> memref<51200xf32, #tpu.memory_space<vmem_shared>>
            tpu.wait_indirect_dma semaphore(%run_scoped3A_65 : memref<!tpu.dma_semaphore, #tpu.memory_space<semaphore_mem>>) src(%arg6 : memref<128xf32, #tpu.memory_space<vmem>>) dst(%dma_wait3A_73 : memref<51200xf32, #tpu.memory_space<vmem_shared>>)
            tpu.yield
          }) : () -> ()
          %while3A_64 = arith.constant 0 : i32
          scf.yield %while3A_64 : i32
        }
      } else {
      }
      %scan3A_48 = arith.constant 0 : i32
      scf.yield %scan3A_48 : i32
    }
    %scan3A_23 = arith.constant 49 : i32
    %barrier3A_24 = arith.constant 0 : index
    tpu.barrier barrier_id(%barrier3A_24)
    %scan3A_25 = arith.constant 0 : i32
    %scan3A_26 = arith.constant 0 : i32
    %scan3A_27 = arith.constant 25 : i32
    %scan3A_28 = arith.addi %scan3A_26, %scan3A_27 : i32
    %scan3A_29 = arith.constant 1 : i32
    %scan3A_30 = scf.for %scan3A_32 = %scan3A_26 to %scan3A_28 step %scan3A_29 iter_args(%scan3A_33 = %scan3A_25) -> (i32)  : i32 {
      %mul3A_34 = arith.constant 25 : i32
      %mul3A_35 = arith.muli %arg1, %mul3A_34 : i32
      %add3A_36 = arith.addi %mul3A_35, %scan3A_32 : i32
      %mul3A_37 = arith.constant 128 : i32
      %mul3A_38 = arith.muli %add3A_36, %mul3A_37 : i32
      "tpu.region"() ({
        %run_scoped3A = tpu.sem_alloc : memref<!tpu.dma_semaphore, #tpu.memory_space<semaphore_mem>>
        %dma_start3A = tpu.memref_slice %arg3[%arg0, %mul3A_38] : memref<2x51200xf32, #tpu.memory_space<hbm>> -> memref<1x128xf32, #tpu.memory_space<hbm>>
        %dma_start3A_40 = tpu.memref_squeeze %dma_start3A : memref<1x128xf32, #tpu.memory_space<hbm>> -> memref<128xf32, #tpu.memory_space<hbm>>
        %dma_start3A_41 = tpu.memref_slice %arg4[%mul3A_38] : memref<51200xf32, #tpu.memory_space<vmem_shared>> -> memref<128xf32, #tpu.memory_space<vmem_shared>>
        tpu.enqueue_dma source(%dma_start3A_41 : memref<128xf32, #tpu.memory_space<vmem_shared>>) target(%dma_start3A_40 : memref<128xf32, #tpu.memory_space<hbm>>) target_semaphore(%run_scoped3A : memref<!tpu.dma_semaphore, #tpu.memory_space<semaphore_mem>>)
        %dma_wait3A = tpu.memref_slice %arg3[%arg0, %mul3A_38] : memref<2x51200xf32, #tpu.memory_space<hbm>> -> memref<1x128xf32, #tpu.memory_space<hbm>>
        %dma_wait3A_42 = tpu.memref_squeeze %dma_wait3A : memref<1x128xf32, #tpu.memory_space<hbm>> -> memref<128xf32, #tpu.memory_space<hbm>>
        %dma_wait3A_43 = tpu.memref_slice %arg4[%mul3A_38] : memref<51200xf32, #tpu.memory_space<vmem_shared>> -> memref<128xf32, #tpu.memory_space<vmem_shared>>
        tpu.wait_dma2 semaphore(%run_scoped3A : memref<!tpu.dma_semaphore, #tpu.memory_space<semaphore_mem>>) src(%dma_wait3A_43 : memref<128xf32, #tpu.memory_space<vmem_shared>>) dst(%dma_wait3A_42 : memref<128xf32, #tpu.memory_space<hbm>>)
        tpu.yield
      }) : () -> ()
      %scan3A_39 = arith.constant 0 : i32
      scf.yield %scan3A_39 : i32
    }
    %scan3A_31 = arith.constant 25 : i32
    return
  }
}

#map = affine_map<(d0, d1) -> (0, 0, 0)>
#map1 = affine_map<(d0, d1) -> (0, 0)>
module attributes {stable_mosaic.version = 14 : i64} {
  func.func @agg_kernel(%arg0: i32, %arg1: i32, %arg2: memref<2x6272x128xi32, #tpu.memory_space<hbm>>, %arg3: memref<6272x128xi32, #tpu.memory_space<hbm>>, %arg4: memref<100000x32xf32, #tpu.memory_space<hbm>>, %arg5: memref<2x51200x128xf32, #tpu.memory_space<hbm>>, %arg6: memref<51200x32xf32, #tpu.memory_space<vmem_shared>>, %arg7: memref<4x128xi32, #tpu.memory_space<vmem>>, %arg8: memref<4x128xi32, #tpu.memory_space<vmem>>, %arg9: memref<4x128x32xf32, #tpu.memory_space<vmem>>, %arg10: memref<!tpu.dma_semaphore, #tpu.memory_space<semaphore_mem>>, %arg11: memref<!tpu.dma_semaphore, #tpu.memory_space<semaphore_mem>>) attributes {dimension_semantics = [#tpu.dimension_semantics<core_parallel>, #tpu.dimension_semantics<subcore_parallel>], iteration_bounds = array<i64: 2, 16>, scalar_prefetch = 0 : i64, scratch_operands = 6 : i64, tpu.core_type = #tpu.core_type<sc_vector_subcore>, window_params = [{transform_indices = #map}, {transform_indices = #map1}, {transform_indices = #map1}, {transform_indices = #map}]} {
    %scan3A = arith.constant 0 : i32
    %scan3A_0 = arith.constant 0 : i32
    %scan3A_1 = arith.constant 128 : i32
    %scan3A_2 = arith.addi %scan3A_0, %scan3A_1 : i32
    %scan3A_3 = arith.constant 1 : i32
    %scan3A_4 = scf.for %scan3A_29 = %scan3A_0 to %scan3A_2 step %scan3A_3 iter_args(%scan3A_30 = %scan3A) -> (i32)  : i32 {
      %broadcast_in_dim3A = arith.constant 0.000000e+00 : f32
      %broadcast_in_dim3A_31 = vector.broadcast %broadcast_in_dim3A : f32 to vector<16xf32>
      %swap3A = arith.constant 0 : i32
      %swap3A_32 = arith.index_cast %swap3A : i32 to index
      %swap3A_33 = arith.index_cast %scan3A_29 : i32 to index
      %swap3A_34 = arith.constant 0 : index
      %swap3A_35 = tpu.vector_load %arg9[%swap3A_32, %swap3A_33, %swap3A_34] {strides = array<i32>} : memref<4x128x32xf32, #tpu.memory_space<vmem>>, vector<1x1x16xf32>,
      %swap3A_36 = vector.shape_cast %swap3A_35 : vector<1x1x16xf32> to vector<16xf32>
      %swap3A_37 = vector.shape_cast %broadcast_in_dim3A_31 : vector<16xf32> to vector<1x1x16xf32>
      tpu.vector_store %arg9[%swap3A_32, %swap3A_33, %swap3A_34], %swap3A_37 {strides = array<i32>} : memref<4x128x32xf32, #tpu.memory_space<vmem>>, vector<1x1x16xf32>,
      %broadcast_in_dim3A_38 = arith.constant 0.000000e+00 : f32
      %broadcast_in_dim3A_39 = vector.broadcast %broadcast_in_dim3A_38 : f32 to vector<16xf32>
      %swap3A_40 = arith.constant 0 : i32
      %swap3A_41 = arith.index_cast %swap3A_40 : i32 to index
      %swap3A_42 = arith.index_cast %scan3A_29 : i32 to index
      %swap3A_43 = arith.constant 16 : index
      %swap3A_44 = tpu.vector_load %arg9[%swap3A_41, %swap3A_42, %swap3A_43] {strides = array<i32>} : memref<4x128x32xf32, #tpu.memory_space<vmem>>, vector<1x1x16xf32>,
      %swap3A_45 = vector.shape_cast %swap3A_44 : vector<1x1x16xf32> to vector<16xf32>
      %swap3A_46 = vector.shape_cast %broadcast_in_dim3A_39 : vector<16xf32> to vector<1x1x16xf32>
      tpu.vector_store %arg9[%swap3A_41, %swap3A_42, %swap3A_43], %swap3A_46 {strides = array<i32>} : memref<4x128x32xf32, #tpu.memory_space<vmem>>, vector<1x1x16xf32>,
      %scan3A_47 = arith.constant 0 : i32
      scf.yield %scan3A_47 : i32
    }
    %scan3A_5 = arith.constant 128 : i32
    %scan3A_6 = arith.constant 0 : i32
    %scan3A_7 = arith.constant 0 : i32
    %scan3A_8 = arith.constant 5 : i32
    %scan3A_9 = arith.addi %scan3A_7, %scan3A_8 : i32
    %scan3A_10 = arith.constant 1 : i32
    %scan3A_11 = scf.for %scan3A_29 = %scan3A_7 to %scan3A_9 step %scan3A_10 iter_args(%scan3A_30 = %scan3A_6) -> (i32)  : i32 {
      %mul3A_31 = arith.constant 5 : i32
      %mul3A_32 = arith.muli %arg1, %mul3A_31 : i32
      %add3A = arith.addi %mul3A_32, %scan3A_29 : i32
      %mul3A_33 = arith.constant 5 : i32
      %mul3A_34 = arith.muli %add3A, %mul3A_33 : i32
      %add3A_35 = arith.constant 0 : i32
      %add3A_36 = arith.addi %mul3A_34, %add3A_35 : i32
      %mul3A_37 = arith.constant 128 : i32
      %mul3A_38 = arith.muli %add3A_36, %mul3A_37 : i32
      %dma_start3A = arith.constant 0 : i32
      %dma_start3A_39 = arith.constant 0 : i32
      %dma_start3A_40 = arith.constant 0 : i32
      %dma_start3A_41 = tpu.memref_slice %arg9[%dma_start3A, %dma_start3A_39, %dma_start3A_40] : memref<4x128x32xf32, #tpu.memory_space<vmem>> -> memref<1x128x32xf32, #tpu.memory_space<vmem>>
      %dma_start3A_42 = tpu.memref_squeeze %dma_start3A_41 : memref<1x128x32xf32, #tpu.memory_space<vmem>> -> memref<128x32xf32, #tpu.memory_space<vmem>>
      %dma_start3A_43 = arith.constant 0 : i32
      %dma_start3A_44 = tpu.memref_slice %arg6[%mul3A_38, %dma_start3A_43] : memref<51200x32xf32, #tpu.memory_space<vmem_shared>> -> memref<128x32xf32, #tpu.memory_space<vmem_shared>>
      %dma_start3A_45 = arith.constant 0 : i32
      %dma_start3A_46 = tpu.memref_slice %arg6[%mul3A_38, %dma_start3A_45] : memref<51200x32xf32, #tpu.memory_space<vmem_shared>> -> memref<128x32xf32, #tpu.memory_space<vmem_shared>>
      %dma_start3A_47 = arith.constant 0 : i32
      %dma_start3A_48 = arith.constant 0 : i32
      %dma_start3A_49 = tpu.memref_slice %arg9[%dma_start3A, %dma_start3A_47, %dma_start3A_48] : memref<4x128x32xf32, #tpu.memory_space<vmem>> -> memref<1x128x32xf32, #tpu.memory_space<vmem>>
      %dma_start3A_50 = tpu.memref_squeeze %dma_start3A_49 : memref<1x128x32xf32, #tpu.memory_space<vmem>> -> memref<128x32xf32, #tpu.memory_space<vmem>>
      tpu.enqueue_dma source(%dma_start3A_50 : memref<128x32xf32, #tpu.memory_space<vmem>>) target(%dma_start3A_46 : memref<128x32xf32, #tpu.memory_space<vmem_shared>>) target_semaphore(%arg11 : memref<!tpu.dma_semaphore, #tpu.memory_space<semaphore_mem>>)
      %mul3A_51 = arith.constant 5 : i32
      %mul3A_52 = arith.muli %arg1, %mul3A_51 : i32
      %add3A_53 = arith.addi %mul3A_52, %scan3A_29 : i32
      %mul3A_54 = arith.constant 5 : i32
      %mul3A_55 = arith.muli %add3A_53, %mul3A_54 : i32
      %add3A_56 = arith.constant 1 : i32
      %add3A_57 = arith.addi %mul3A_55, %add3A_56 : i32
      %mul3A_58 = arith.constant 128 : i32
      %mul3A_59 = arith.muli %add3A_57, %mul3A_58 : i32
      %dma_start3A_60 = arith.constant 0 : i32
      %dma_start3A_61 = arith.constant 0 : i32
      %dma_start3A_62 = arith.constant 0 : i32
      %dma_start3A_63 = tpu.memref_slice %arg9[%dma_start3A_60, %dma_start3A_61, %dma_start3A_62] : memref<4x128x32xf32, #tpu.memory_space<vmem>> -> memref<1x128x32xf32, #tpu.memory_space<vmem>>
      %dma_start3A_64 = tpu.memref_squeeze %dma_start3A_63 : memref<1x128x32xf32, #tpu.memory_space<vmem>> -> memref<128x32xf32, #tpu.memory_space<vmem>>
      %dma_start3A_65 = arith.constant 0 : i32
      %dma_start3A_66 = tpu.memref_slice %arg6[%mul3A_59, %dma_start3A_65] : memref<51200x32xf32, #tpu.memory_space<vmem_shared>> -> memref<128x32xf32, #tpu.memory_space<vmem_shared>>
      %dma_start3A_67 = arith.constant 0 : i32
      %dma_start3A_68 = tpu.memref_slice %arg6[%mul3A_59, %dma_start3A_67] : memref<51200x32xf32, #tpu.memory_space<vmem_shared>> -> memref<128x32xf32, #tpu.memory_space<vmem_shared>>
      %dma_start3A_69 = arith.constant 0 : i32
      %dma_start3A_70 = arith.constant 0 : i32
      %dma_start3A_71 = tpu.memref_slice %arg9[%dma_start3A_60, %dma_start3A_69, %dma_start3A_70] : memref<4x128x32xf32, #tpu.memory_space<vmem>> -> memref<1x128x32xf32, #tpu.memory_space<vmem>>
      %dma_start3A_72 = tpu.memref_squeeze %dma_start3A_71 : memref<1x128x32xf32, #tpu.memory_space<vmem>> -> memref<128x32xf32, #tpu.memory_space<vmem>>
      tpu.enqueue_dma source(%dma_start3A_72 : memref<128x32xf32, #tpu.memory_space<vmem>>) target(%dma_start3A_68 : memref<128x32xf32, #tpu.memory_space<vmem_shared>>) target_semaphore(%arg11 : memref<!tpu.dma_semaphore, #tpu.memory_space<semaphore_mem>>)
      %mul3A_73 = arith.constant 5 : i32
      %mul3A_74 = arith.muli %arg1, %mul3A_73 : i32
      %add3A_75 = arith.addi %mul3A_74, %scan3A_29 : i32
      %mul3A_76 = arith.constant 5 : i32
      %mul3A_77 = arith.muli %add3A_75, %mul3A_76 : i32
      %add3A_78 = arith.constant 2 : i32
      %add3A_79 = arith.addi %mul3A_77, %add3A_78 : i32
      %mul3A_80 = arith.constant 128 : i32
      %mul3A_81 = arith.muli %add3A_79, %mul3A_80 : i32
      %dma_start3A_82 = arith.constant 0 : i32
      %dma_start3A_83 = arith.constant 0 : i32
      %dma_start3A_84 = arith.constant 0 : i32
      %dma_start3A_85 = tpu.memref_slice %arg9[%dma_start3A_82, %dma_start3A_83, %dma_start3A_84] : memref<4x128x32xf32, #tpu.memory_space<vmem>> -> memref<1x128x32xf32, #tpu.memory_space<vmem>>
      %dma_start3A_86 = tpu.memref_squeeze %dma_start3A_85 : memref<1x128x32xf32, #tpu.memory_space<vmem>> -> memref<128x32xf32, #tpu.memory_space<vmem>>
      %dma_start3A_87 = arith.constant 0 : i32
      %dma_start3A_88 = tpu.memref_slice %arg6[%mul3A_81, %dma_start3A_87] : memref<51200x32xf32, #tpu.memory_space<vmem_shared>> -> memref<128x32xf32, #tpu.memory_space<vmem_shared>>
      %dma_start3A_89 = arith.constant 0 : i32
      %dma_start3A_90 = tpu.memref_slice %arg6[%mul3A_81, %dma_start3A_89] : memref<51200x32xf32, #tpu.memory_space<vmem_shared>> -> memref<128x32xf32, #tpu.memory_space<vmem_shared>>
      %dma_start3A_91 = arith.constant 0 : i32
      %dma_start3A_92 = arith.constant 0 : i32
      %dma_start3A_93 = tpu.memref_slice %arg9[%dma_start3A_82, %dma_start3A_91, %dma_start3A_92] : memref<4x128x32xf32, #tpu.memory_space<vmem>> -> memref<1x128x32xf32, #tpu.memory_space<vmem>>
      %dma_start3A_94 = tpu.memref_squeeze %dma_start3A_93 : memref<1x128x32xf32, #tpu.memory_space<vmem>> -> memref<128x32xf32, #tpu.memory_space<vmem>>
      tpu.enqueue_dma source(%dma_start3A_94 : memref<128x32xf32, #tpu.memory_space<vmem>>) target(%dma_start3A_90 : memref<128x32xf32, #tpu.memory_space<vmem_shared>>) target_semaphore(%arg11 : memref<!tpu.dma_semaphore, #tpu.memory_space<semaphore_mem>>)
      %mul3A_95 = arith.constant 5 : i32
      %mul3A_96 = arith.muli %arg1, %mul3A_95 : i32
      %add3A_97 = arith.addi %mul3A_96, %scan3A_29 : i32
      %mul3A_98 = arith.constant 5 : i32
      %mul3A_99 = arith.muli %add3A_97, %mul3A_98 : i32
      %add3A_100 = arith.constant 3 : i32
      %add3A_101 = arith.addi %mul3A_99, %add3A_100 : i32
      %mul3A_102 = arith.constant 128 : i32
      %mul3A_103 = arith.muli %add3A_101, %mul3A_102 : i32
      %dma_start3A_104 = arith.constant 0 : i32
      %dma_start3A_105 = arith.constant 0 : i32
      %dma_start3A_106 = arith.constant 0 : i32
      %dma_start3A_107 = tpu.memref_slice %arg9[%dma_start3A_104, %dma_start3A_105, %dma_start3A_106] : memref<4x128x32xf32, #tpu.memory_space<vmem>> -> memref<1x128x32xf32, #tpu.memory_space<vmem>>
      %dma_start3A_108 = tpu.memref_squeeze %dma_start3A_107 : memref<1x128x32xf32, #tpu.memory_space<vmem>> -> memref<128x32xf32, #tpu.memory_space<vmem>>
      %dma_start3A_109 = arith.constant 0 : i32
      %dma_start3A_110 = tpu.memref_slice %arg6[%mul3A_103, %dma_start3A_109] : memref<51200x32xf32, #tpu.memory_space<vmem_shared>> -> memref<128x32xf32, #tpu.memory_space<vmem_shared>>
      %dma_start3A_111 = arith.constant 0 : i32
      %dma_start3A_112 = tpu.memref_slice %arg6[%mul3A_103, %dma_start3A_111] : memref<51200x32xf32, #tpu.memory_space<vmem_shared>> -> memref<128x32xf32, #tpu.memory_space<vmem_shared>>
      %dma_start3A_113 = arith.constant 0 : i32
      %dma_start3A_114 = arith.constant 0 : i32
      %dma_start3A_115 = tpu.memref_slice %arg9[%dma_start3A_104, %dma_start3A_113, %dma_start3A_114] : memref<4x128x32xf32, #tpu.memory_space<vmem>> -> memref<1x128x32xf32, #tpu.memory_space<vmem>>
      %dma_start3A_116 = tpu.memref_squeeze %dma_start3A_115 : memref<1x128x32xf32, #tpu.memory_space<vmem>> -> memref<128x32xf32, #tpu.memory_space<vmem>>
      tpu.enqueue_dma source(%dma_start3A_116 : memref<128x32xf32, #tpu.memory_space<vmem>>) target(%dma_start3A_112 : memref<128x32xf32, #tpu.memory_space<vmem_shared>>) target_semaphore(%arg11 : memref<!tpu.dma_semaphore, #tpu.memory_space<semaphore_mem>>)
      %mul3A_117 = arith.constant 5 : i32
      %mul3A_118 = arith.muli %arg1, %mul3A_117 : i32
      %add3A_119 = arith.addi %mul3A_118, %scan3A_29 : i32
      %mul3A_120 = arith.constant 5 : i32
      %mul3A_121 = arith.muli %add3A_119, %mul3A_120 : i32
      %add3A_122 = arith.constant 4 : i32
      %add3A_123 = arith.addi %mul3A_121, %add3A_122 : i32
      %mul3A_124 = arith.constant 128 : i32
      %mul3A_125 = arith.muli %add3A_123, %mul3A_124 : i32
      %dma_start3A_126 = arith.constant 0 : i32
      %dma_start3A_127 = arith.constant 0 : i32
      %dma_start3A_128 = arith.constant 0 : i32
      %dma_start3A_129 = tpu.memref_slice %arg9[%dma_start3A_126, %dma_start3A_127, %dma_start3A_128] : memref<4x128x32xf32, #tpu.memory_space<vmem>> -> memref<1x128x32xf32, #tpu.memory_space<vmem>>
      %dma_start3A_130 = tpu.memref_squeeze %dma_start3A_129 : memref<1x128x32xf32, #tpu.memory_space<vmem>> -> memref<128x32xf32, #tpu.memory_space<vmem>>
      %dma_start3A_131 = arith.constant 0 : i32
      %dma_start3A_132 = tpu.memref_slice %arg6[%mul3A_125, %dma_start3A_131] : memref<51200x32xf32, #tpu.memory_space<vmem_shared>> -> memref<128x32xf32, #tpu.memory_space<vmem_shared>>
      %dma_start3A_133 = arith.constant 0 : i32
      %dma_start3A_134 = tpu.memref_slice %arg6[%mul3A_125, %dma_start3A_133] : memref<51200x32xf32, #tpu.memory_space<vmem_shared>> -> memref<128x32xf32, #tpu.memory_space<vmem_shared>>
      %dma_start3A_135 = arith.constant 0 : i32
      %dma_start3A_136 = arith.constant 0 : i32
      %dma_start3A_137 = tpu.memref_slice %arg9[%dma_start3A_126, %dma_start3A_135, %dma_start3A_136] : memref<4x128x32xf32, #tpu.memory_space<vmem>> -> memref<1x128x32xf32, #tpu.memory_space<vmem>>
      %dma_start3A_138 = tpu.memref_squeeze %dma_start3A_137 : memref<1x128x32xf32, #tpu.memory_space<vmem>> -> memref<128x32xf32, #tpu.memory_space<vmem>>
      tpu.enqueue_dma source(%dma_start3A_138 : memref<128x32xf32, #tpu.memory_space<vmem>>) target(%dma_start3A_134 : memref<128x32xf32, #tpu.memory_space<vmem_shared>>) target_semaphore(%arg11 : memref<!tpu.dma_semaphore, #tpu.memory_space<semaphore_mem>>)
      %dma_wait3A = arith.constant 0 : i32
      %dma_wait3A_139 = arith.constant 0 : i32
      %dma_wait3A_140 = arith.constant 0 : i32
      %dma_wait3A_141 = tpu.memref_slice %arg9[%dma_wait3A, %dma_wait3A_139, %dma_wait3A_140] : memref<4x128x32xf32, #tpu.memory_space<vmem>> -> memref<1x128x32xf32, #tpu.memory_space<vmem>>
      %dma_wait3A_142 = tpu.memref_squeeze %dma_wait3A_141 : memref<1x128x32xf32, #tpu.memory_space<vmem>> -> memref<128x32xf32, #tpu.memory_space<vmem>>
      %dma_wait3A_143 = arith.constant 0 : i32
      %dma_wait3A_144 = tpu.memref_slice %arg6[%mul3A_38, %dma_wait3A_143] : memref<51200x32xf32, #tpu.memory_space<vmem_shared>> -> memref<128x32xf32, #tpu.memory_space<vmem_shared>>
      %dma_wait3A_145 = arith.constant 0 : i32
      %dma_wait3A_146 = tpu.memref_slice %arg6[%mul3A_38, %dma_wait3A_145] : memref<51200x32xf32, #tpu.memory_space<vmem_shared>> -> memref<128x32xf32, #tpu.memory_space<vmem_shared>>
      %dma_wait3A_147 = arith.constant 0 : i32
      %dma_wait3A_148 = arith.constant 0 : i32
      %dma_wait3A_149 = tpu.memref_slice %arg9[%dma_wait3A, %dma_wait3A_147, %dma_wait3A_148] : memref<4x128x32xf32, #tpu.memory_space<vmem>> -> memref<1x128x32xf32, #tpu.memory_space<vmem>>
      %dma_wait3A_150 = tpu.memref_squeeze %dma_wait3A_149 : memref<1x128x32xf32, #tpu.memory_space<vmem>> -> memref<128x32xf32, #tpu.memory_space<vmem>>
      tpu.wait_dma2 semaphore(%arg11 : memref<!tpu.dma_semaphore, #tpu.memory_space<semaphore_mem>>) src(%dma_wait3A_150 : memref<128x32xf32, #tpu.memory_space<vmem>>) dst(%dma_wait3A_146 : memref<128x32xf32, #tpu.memory_space<vmem_shared>>)
      %dma_wait3A_151 = arith.constant 0 : i32
      %dma_wait3A_152 = arith.constant 0 : i32
      %dma_wait3A_153 = arith.constant 0 : i32
      %dma_wait3A_154 = tpu.memref_slice %arg9[%dma_wait3A_151, %dma_wait3A_152, %dma_wait3A_153] : memref<4x128x32xf32, #tpu.memory_space<vmem>> -> memref<1x128x32xf32, #tpu.memory_space<vmem>>
      %dma_wait3A_155 = tpu.memref_squeeze %dma_wait3A_154 : memref<1x128x32xf32, #tpu.memory_space<vmem>> -> memref<128x32xf32, #tpu.memory_space<vmem>>
      %dma_wait3A_156 = arith.constant 0 : i32
      %dma_wait3A_157 = tpu.memref_slice %arg6[%mul3A_59, %dma_wait3A_156] : memref<51200x32xf32, #tpu.memory_space<vmem_shared>> -> memref<128x32xf32, #tpu.memory_space<vmem_shared>>
      %dma_wait3A_158 = arith.constant 0 : i32
      %dma_wait3A_159 = tpu.memref_slice %arg6[%mul3A_59, %dma_wait3A_158] : memref<51200x32xf32, #tpu.memory_space<vmem_shared>> -> memref<128x32xf32, #tpu.memory_space<vmem_shared>>
      %dma_wait3A_160 = arith.constant 0 : i32
      %dma_wait3A_161 = arith.constant 0 : i32
      %dma_wait3A_162 = tpu.memref_slice %arg9[%dma_wait3A_151, %dma_wait3A_160, %dma_wait3A_161] : memref<4x128x32xf32, #tpu.memory_space<vmem>> -> memref<1x128x32xf32, #tpu.memory_space<vmem>>
      %dma_wait3A_163 = tpu.memref_squeeze %dma_wait3A_162 : memref<1x128x32xf32, #tpu.memory_space<vmem>> -> memref<128x32xf32, #tpu.memory_space<vmem>>
      tpu.wait_dma2 semaphore(%arg11 : memref<!tpu.dma_semaphore, #tpu.memory_space<semaphore_mem>>) src(%dma_wait3A_163 : memref<128x32xf32, #tpu.memory_space<vmem>>) dst(%dma_wait3A_159 : memref<128x32xf32, #tpu.memory_space<vmem_shared>>)
      %dma_wait3A_164 = arith.constant 0 : i32
      %dma_wait3A_165 = arith.constant 0 : i32
      %dma_wait3A_166 = arith.constant 0 : i32
      %dma_wait3A_167 = tpu.memref_slice %arg9[%dma_wait3A_164, %dma_wait3A_165, %dma_wait3A_166] : memref<4x128x32xf32, #tpu.memory_space<vmem>> -> memref<1x128x32xf32, #tpu.memory_space<vmem>>
      %dma_wait3A_168 = tpu.memref_squeeze %dma_wait3A_167 : memref<1x128x32xf32, #tpu.memory_space<vmem>> -> memref<128x32xf32, #tpu.memory_space<vmem>>
      %dma_wait3A_169 = arith.constant 0 : i32
      %dma_wait3A_170 = tpu.memref_slice %arg6[%mul3A_81, %dma_wait3A_169] : memref<51200x32xf32, #tpu.memory_space<vmem_shared>> -> memref<128x32xf32, #tpu.memory_space<vmem_shared>>
      %dma_wait3A_171 = arith.constant 0 : i32
      %dma_wait3A_172 = tpu.memref_slice %arg6[%mul3A_81, %dma_wait3A_171] : memref<51200x32xf32, #tpu.memory_space<vmem_shared>> -> memref<128x32xf32, #tpu.memory_space<vmem_shared>>
      %dma_wait3A_173 = arith.constant 0 : i32
      %dma_wait3A_174 = arith.constant 0 : i32
      %dma_wait3A_175 = tpu.memref_slice %arg9[%dma_wait3A_164, %dma_wait3A_173, %dma_wait3A_174] : memref<4x128x32xf32, #tpu.memory_space<vmem>> -> memref<1x128x32xf32, #tpu.memory_space<vmem>>
      %dma_wait3A_176 = tpu.memref_squeeze %dma_wait3A_175 : memref<1x128x32xf32, #tpu.memory_space<vmem>> -> memref<128x32xf32, #tpu.memory_space<vmem>>
      tpu.wait_dma2 semaphore(%arg11 : memref<!tpu.dma_semaphore, #tpu.memory_space<semaphore_mem>>) src(%dma_wait3A_176 : memref<128x32xf32, #tpu.memory_space<vmem>>) dst(%dma_wait3A_172 : memref<128x32xf32, #tpu.memory_space<vmem_shared>>)
      %dma_wait3A_177 = arith.constant 0 : i32
      %dma_wait3A_178 = arith.constant 0 : i32
      %dma_wait3A_179 = arith.constant 0 : i32
      %dma_wait3A_180 = tpu.memref_slice %arg9[%dma_wait3A_177, %dma_wait3A_178, %dma_wait3A_179] : memref<4x128x32xf32, #tpu.memory_space<vmem>> -> memref<1x128x32xf32, #tpu.memory_space<vmem>>
      %dma_wait3A_181 = tpu.memref_squeeze %dma_wait3A_180 : memref<1x128x32xf32, #tpu.memory_space<vmem>> -> memref<128x32xf32, #tpu.memory_space<vmem>>
      %dma_wait3A_182 = arith.constant 0 : i32
      %dma_wait3A_183 = tpu.memref_slice %arg6[%mul3A_103, %dma_wait3A_182] : memref<51200x32xf32, #tpu.memory_space<vmem_shared>> -> memref<128x32xf32, #tpu.memory_space<vmem_shared>>
      %dma_wait3A_184 = arith.constant 0 : i32
      %dma_wait3A_185 = tpu.memref_slice %arg6[%mul3A_103, %dma_wait3A_184] : memref<51200x32xf32, #tpu.memory_space<vmem_shared>> -> memref<128x32xf32, #tpu.memory_space<vmem_shared>>
      %dma_wait3A_186 = arith.constant 0 : i32
      %dma_wait3A_187 = arith.constant 0 : i32
      %dma_wait3A_188 = tpu.memref_slice %arg9[%dma_wait3A_177, %dma_wait3A_186, %dma_wait3A_187] : memref<4x128x32xf32, #tpu.memory_space<vmem>> -> memref<1x128x32xf32, #tpu.memory_space<vmem>>
      %dma_wait3A_189 = tpu.memref_squeeze %dma_wait3A_188 : memref<1x128x32xf32, #tpu.memory_space<vmem>> -> memref<128x32xf32, #tpu.memory_space<vmem>>
      tpu.wait_dma2 semaphore(%arg11 : memref<!tpu.dma_semaphore, #tpu.memory_space<semaphore_mem>>) src(%dma_wait3A_189 : memref<128x32xf32, #tpu.memory_space<vmem>>) dst(%dma_wait3A_185 : memref<128x32xf32, #tpu.memory_space<vmem_shared>>)
      %dma_wait3A_190 = arith.constant 0 : i32
      %dma_wait3A_191 = arith.constant 0 : i32
      %dma_wait3A_192 = arith.constant 0 : i32
      %dma_wait3A_193 = tpu.memref_slice %arg9[%dma_wait3A_190, %dma_wait3A_191, %dma_wait3A_192] : memref<4x128x32xf32, #tpu.memory_space<vmem>> -> memref<1x128x32xf32, #tpu.memory_space<vmem>>
      %dma_wait3A_194 = tpu.memref_squeeze %dma_wait3A_193 : memref<1x128x32xf32, #tpu.memory_space<vmem>> -> memref<128x32xf32, #tpu.memory_space<vmem>>
      %dma_wait3A_195 = arith.constant 0 : i32
      %dma_wait3A_196 = tpu.memref_slice %arg6[%mul3A_125, %dma_wait3A_195] : memref<51200x32xf32, #tpu.memory_space<vmem_shared>> -> memref<128x32xf32, #tpu.memory_space<vmem_shared>>
      %dma_wait3A_197 = arith.constant 0 : i32
      %dma_wait3A_198 = tpu.memref_slice %arg6[%mul3A_125, %dma_wait3A_197] : memref<51200x32xf32, #tpu.memory_space<vmem_shared>> -> memref<128x32xf32, #tpu.memory_space<vmem_shared>>
      %dma_wait3A_199 = arith.constant 0 : i32
      %dma_wait3A_200 = arith.constant 0 : i32
      %dma_wait3A_201 = tpu.memref_slice %arg9[%dma_wait3A_190, %dma_wait3A_199, %dma_wait3A_200] : memref<4x128x32xf32, #tpu.memory_space<vmem>> -> memref<1x128x32xf32, #tpu.memory_space<vmem>>
      %dma_wait3A_202 = tpu.memref_squeeze %dma_wait3A_201 : memref<1x128x32xf32, #tpu.memory_space<vmem>> -> memref<128x32xf32, #tpu.memory_space<vmem>>
      tpu.wait_dma2 semaphore(%arg11 : memref<!tpu.dma_semaphore, #tpu.memory_space<semaphore_mem>>) src(%dma_wait3A_202 : memref<128x32xf32, #tpu.memory_space<vmem>>) dst(%dma_wait3A_198 : memref<128x32xf32, #tpu.memory_space<vmem_shared>>)
      %scan3A_203 = arith.constant 0 : i32
      scf.yield %scan3A_203 : i32
    }
    %scan3A_12 = arith.constant 5 : i32
    %barrier3A = arith.constant 0 : index
    tpu.barrier barrier_id(%barrier3A)
    %mul3A = arith.constant 392 : i32
    %mul3A_13 = arith.muli %arg1, %mul3A : i32
    %scan3A_14 = arith.constant 0 : i32
    %scan3A_15 = arith.constant 0 : i32
    %scan3A_16 = arith.constant 98 : i32
    %scan3A_17 = arith.addi %scan3A_15, %scan3A_16 : i32
    %scan3A_18 = arith.constant 1 : i32
    %scan3A_19 = scf.for %scan3A_29 = %scan3A_15 to %scan3A_17 step %scan3A_18 iter_args(%scan3A_30 = %scan3A_14) -> (i32)  : i32 {
      %mul3A_31 = arith.constant 4 : i32
      %mul3A_32 = arith.muli %scan3A_29, %mul3A_31 : i32
      %add3A = arith.addi %mul3A_13, %mul3A_32 : i32
      "tpu.region"() ({
        %run_scoped3A = tpu.sem_alloc : memref<!tpu.dma_semaphore, #tpu.memory_space<semaphore_mem>>
        %dma_start3A_224 = arith.constant 0 : i32
        %dma_start3A_225 = tpu.memref_slice %arg2[%arg0, %add3A, %dma_start3A_224] : memref<2x6272x128xi32, #tpu.memory_space<hbm>> -> memref<1x4x128xi32, #tpu.memory_space<hbm>>
        %dma_start3A_226 = tpu.memref_squeeze %dma_start3A_225 : memref<1x4x128xi32, #tpu.memory_space<hbm>> -> memref<4x128xi32, #tpu.memory_space<hbm>>
        %dma_start3A_227 = arith.constant 0 : i32
        %dma_start3A_228 = tpu.memref_slice %arg2[%arg0, %add3A, %dma_start3A_227] : memref<2x6272x128xi32, #tpu.memory_space<hbm>> -> memref<1x4x128xi32, #tpu.memory_space<hbm>>
        %dma_start3A_229 = tpu.memref_squeeze %dma_start3A_228 : memref<1x4x128xi32, #tpu.memory_space<hbm>> -> memref<4x128xi32, #tpu.memory_space<hbm>>
        tpu.enqueue_dma source(%dma_start3A_229 : memref<4x128xi32, #tpu.memory_space<hbm>>) target(%arg7 : memref<4x128xi32, #tpu.memory_space<vmem>>) target_semaphore(%run_scoped3A : memref<!tpu.dma_semaphore, #tpu.memory_space<semaphore_mem>>)
        %dma_wait3A_230 = arith.constant 0 : i32
        %dma_wait3A_231 = tpu.memref_slice %arg2[%arg0, %add3A, %dma_wait3A_230] : memref<2x6272x128xi32, #tpu.memory_space<hbm>> -> memref<1x4x128xi32, #tpu.memory_space<hbm>>
        %dma_wait3A_232 = tpu.memref_squeeze %dma_wait3A_231 : memref<1x4x128xi32, #tpu.memory_space<hbm>> -> memref<4x128xi32, #tpu.memory_space<hbm>>
        %dma_wait3A_233 = arith.constant 0 : i32
        %dma_wait3A_234 = tpu.memref_slice %arg2[%arg0, %add3A, %dma_wait3A_233] : memref<2x6272x128xi32, #tpu.memory_space<hbm>> -> memref<1x4x128xi32, #tpu.memory_space<hbm>>
        %dma_wait3A_235 = tpu.memref_squeeze %dma_wait3A_234 : memref<1x4x128xi32, #tpu.memory_space<hbm>> -> memref<4x128xi32, #tpu.memory_space<hbm>>
        tpu.wait_dma2 semaphore(%run_scoped3A : memref<!tpu.dma_semaphore, #tpu.memory_space<semaphore_mem>>) src(%dma_wait3A_235 : memref<4x128xi32, #tpu.memory_space<hbm>>) dst(%arg7 : memref<4x128xi32, #tpu.memory_space<vmem>>)
        tpu.yield
      }) : () -> ()
      "tpu.region"() ({
        %run_scoped3A = tpu.sem_alloc : memref<!tpu.dma_semaphore, #tpu.memory_space<semaphore_mem>>
        %dma_start3A_224 = arith.constant 0 : i32
        %dma_start3A_225 = tpu.memref_slice %arg3[%add3A, %dma_start3A_224] : memref<6272x128xi32, #tpu.memory_space<hbm>> -> memref<4x128xi32, #tpu.memory_space<hbm>>
        %dma_start3A_226 = arith.constant 0 : i32
        %dma_start3A_227 = tpu.memref_slice %arg3[%add3A, %dma_start3A_226] : memref<6272x128xi32, #tpu.memory_space<hbm>> -> memref<4x128xi32, #tpu.memory_space<hbm>>
        tpu.enqueue_dma source(%dma_start3A_227 : memref<4x128xi32, #tpu.memory_space<hbm>>) target(%arg8 : memref<4x128xi32, #tpu.memory_space<vmem>>) target_semaphore(%run_scoped3A : memref<!tpu.dma_semaphore, #tpu.memory_space<semaphore_mem>>)
        %dma_wait3A_228 = arith.constant 0 : i32
        %dma_wait3A_229 = tpu.memref_slice %arg3[%add3A, %dma_wait3A_228] : memref<6272x128xi32, #tpu.memory_space<hbm>> -> memref<4x128xi32, #tpu.memory_space<hbm>>
        %dma_wait3A_230 = arith.constant 0 : i32
        %dma_wait3A_231 = tpu.memref_slice %arg3[%add3A, %dma_wait3A_230] : memref<6272x128xi32, #tpu.memory_space<hbm>> -> memref<4x128xi32, #tpu.memory_space<hbm>>
        tpu.wait_dma2 semaphore(%run_scoped3A : memref<!tpu.dma_semaphore, #tpu.memory_space<semaphore_mem>>) src(%dma_wait3A_231 : memref<4x128xi32, #tpu.memory_space<hbm>>) dst(%arg8 : memref<4x128xi32, #tpu.memory_space<vmem>>)
        tpu.yield
      }) : () -> ()
      %dma_start3A = arith.constant 0 : i32
      %dma_start3A_33 = arith.constant 0 : i32
      %dma_start3A_34 = arith.constant 0 : i32
      %dma_start3A_35 = arith.constant 0 : i32
      %dma_start3A_36 = tpu.memref_slice %arg9[%dma_start3A_33, %dma_start3A_34, %dma_start3A_35] : memref<4x128x32xf32, #tpu.memory_space<vmem>> -> memref<1x128x32xf32, #tpu.memory_space<vmem>>
      %dma_start3A_37 = tpu.memref_squeeze %dma_start3A_36 : memref<1x128x32xf32, #tpu.memory_space<vmem>> -> memref<128x32xf32, #tpu.memory_space<vmem>>
      %dma_start3A_38 = arith.constant 0 : i32
      %dma_start3A_39 = tpu.memref_slice %arg7[%dma_start3A, %dma_start3A_38] : memref<4x128xi32, #tpu.memory_space<vmem>> -> memref<1x128xi32, #tpu.memory_space<vmem>>
      %dma_start3A_40 = tpu.memref_squeeze %dma_start3A_39 : memref<1x128xi32, #tpu.memory_space<vmem>> -> memref<128xi32, #tpu.memory_space<vmem>>
      %dma_start3A_41 = arith.constant 0 : i32
      %dma_start3A_42 = arith.constant 0 : i32
      %dma_start3A_43 = tpu.memref_slice %arg4[%dma_start3A_41, %dma_start3A_42] : memref<100000x32xf32, #tpu.memory_space<hbm>> -> memref<100000x32xf32, #tpu.memory_space<hbm>>
      tpu.enqueue_indirect_dma source(%dma_start3A_43 : memref<100000x32xf32, #tpu.memory_space<hbm>>) target(%dma_start3A_37 : memref<128x32xf32, #tpu.memory_space<vmem>>) offsets(%dma_start3A_40 : memref<128xi32, #tpu.memory_space<vmem>>) semaphore(%arg10 : memref<!tpu.dma_semaphore, #tpu.memory_space<semaphore_mem>>)
      %dma_start3A_44 = arith.constant 1 : i32
      %dma_start3A_45 = arith.constant 1 : i32
      %dma_start3A_46 = arith.constant 0 : i32
      %dma_start3A_47 = arith.constant 0 : i32
      %dma_start3A_48 = tpu.memref_slice %arg9[%dma_start3A_45, %dma_start3A_46, %dma_start3A_47] : memref<4x128x32xf32, #tpu.memory_space<vmem>> -> memref<1x128x32xf32, #tpu.memory_space<vmem>>
      %dma_start3A_49 = tpu.memref_squeeze %dma_start3A_48 : memref<1x128x32xf32, #tpu.memory_space<vmem>> -> memref<128x32xf32, #tpu.memory_space<vmem>>
      %dma_start3A_50 = arith.constant 0 : i32
      %dma_start3A_51 = tpu.memref_slice %arg7[%dma_start3A_44, %dma_start3A_50] : memref<4x128xi32, #tpu.memory_space<vmem>> -> memref<1x128xi32, #tpu.memory_space<vmem>>
      %dma_start3A_52 = tpu.memref_squeeze %dma_start3A_51 : memref<1x128xi32, #tpu.memory_space<vmem>> -> memref<128xi32, #tpu.memory_space<vmem>>
      %dma_start3A_53 = arith.constant 0 : i32
      %dma_start3A_54 = arith.constant 0 : i32
      %dma_start3A_55 = tpu.memref_slice %arg4[%dma_start3A_53, %dma_start3A_54] : memref<100000x32xf32, #tpu.memory_space<hbm>> -> memref<100000x32xf32, #tpu.memory_space<hbm>>
      tpu.enqueue_indirect_dma source(%dma_start3A_55 : memref<100000x32xf32, #tpu.memory_space<hbm>>) target(%dma_start3A_49 : memref<128x32xf32, #tpu.memory_space<vmem>>) offsets(%dma_start3A_52 : memref<128xi32, #tpu.memory_space<vmem>>) semaphore(%arg10 : memref<!tpu.dma_semaphore, #tpu.memory_space<semaphore_mem>>)
      %dma_start3A_56 = arith.constant 2 : i32
      %dma_start3A_57 = arith.constant 2 : i32
      %dma_start3A_58 = arith.constant 0 : i32
      %dma_start3A_59 = arith.constant 0 : i32
      %dma_start3A_60 = tpu.memref_slice %arg9[%dma_start3A_57, %dma_start3A_58, %dma_start3A_59] : memref<4x128x32xf32, #tpu.memory_space<vmem>> -> memref<1x128x32xf32, #tpu.memory_space<vmem>>
      %dma_start3A_61 = tpu.memref_squeeze %dma_start3A_60 : memref<1x128x32xf32, #tpu.memory_space<vmem>> -> memref<128x32xf32, #tpu.memory_space<vmem>>
      %dma_start3A_62 = arith.constant 0 : i32
      %dma_start3A_63 = tpu.memref_slice %arg7[%dma_start3A_56, %dma_start3A_62] : memref<4x128xi32, #tpu.memory_space<vmem>> -> memref<1x128xi32, #tpu.memory_space<vmem>>
      %dma_start3A_64 = tpu.memref_squeeze %dma_start3A_63 : memref<1x128xi32, #tpu.memory_space<vmem>> -> memref<128xi32, #tpu.memory_space<vmem>>
      %dma_start3A_65 = arith.constant 0 : i32
      %dma_start3A_66 = arith.constant 0 : i32
      %dma_start3A_67 = tpu.memref_slice %arg4[%dma_start3A_65, %dma_start3A_66] : memref<100000x32xf32, #tpu.memory_space<hbm>> -> memref<100000x32xf32, #tpu.memory_space<hbm>>
      tpu.enqueue_indirect_dma source(%dma_start3A_67 : memref<100000x32xf32, #tpu.memory_space<hbm>>) target(%dma_start3A_61 : memref<128x32xf32, #tpu.memory_space<vmem>>) offsets(%dma_start3A_64 : memref<128xi32, #tpu.memory_space<vmem>>) semaphore(%arg10 : memref<!tpu.dma_semaphore, #tpu.memory_space<semaphore_mem>>)
      %dma_start3A_68 = arith.constant 3 : i32
      %dma_start3A_69 = arith.constant 3 : i32
      %dma_start3A_70 = arith.constant 0 : i32
      %dma_start3A_71 = arith.constant 0 : i32
      %dma_start3A_72 = tpu.memref_slice %arg9[%dma_start3A_69, %dma_start3A_70, %dma_start3A_71] : memref<4x128x32xf32, #tpu.memory_space<vmem>> -> memref<1x128x32xf32, #tpu.memory_space<vmem>>
      %dma_start3A_73 = tpu.memref_squeeze %dma_start3A_72 : memref<1x128x32xf32, #tpu.memory_space<vmem>> -> memref<128x32xf32, #tpu.memory_space<vmem>>
      %dma_start3A_74 = arith.constant 0 : i32
      %dma_start3A_75 = tpu.memref_slice %arg7[%dma_start3A_68, %dma_start3A_74] : memref<4x128xi32, #tpu.memory_space<vmem>> -> memref<1x128xi32, #tpu.memory_space<vmem>>
      %dma_start3A_76 = tpu.memref_squeeze %dma_start3A_75 : memref<1x128xi32, #tpu.memory_space<vmem>> -> memref<128xi32, #tpu.memory_space<vmem>>
      %dma_start3A_77 = arith.constant 0 : i32
      %dma_start3A_78 = arith.constant 0 : i32
      %dma_start3A_79 = tpu.memref_slice %arg4[%dma_start3A_77, %dma_start3A_78] : memref<100000x32xf32, #tpu.memory_space<hbm>> -> memref<100000x32xf32, #tpu.memory_space<hbm>>
      tpu.enqueue_indirect_dma source(%dma_start3A_79 : memref<100000x32xf32, #tpu.memory_space<hbm>>) target(%dma_start3A_73 : memref<128x32xf32, #tpu.memory_space<vmem>>) offsets(%dma_start3A_76 : memref<128xi32, #tpu.memory_space<vmem>>) semaphore(%arg10 : memref<!tpu.dma_semaphore, #tpu.memory_space<semaphore_mem>>)
      %dma_wait3A = arith.constant 0 : i32
      %dma_wait3A_80 = arith.constant 0 : i32
      %dma_wait3A_81 = arith.constant 0 : i32
      %dma_wait3A_82 = arith.constant 0 : i32
      %dma_wait3A_83 = tpu.memref_slice %arg9[%dma_wait3A_80, %dma_wait3A_81, %dma_wait3A_82] : memref<4x128x32xf32, #tpu.memory_space<vmem>> -> memref<1x128x32xf32, #tpu.memory_space<vmem>>
      %dma_wait3A_84 = tpu.memref_squeeze %dma_wait3A_83 : memref<1x128x32xf32, #tpu.memory_space<vmem>> -> memref<128x32xf32, #tpu.memory_space<vmem>>
      %dma_wait3A_85 = arith.constant 0 : i32
      %dma_wait3A_86 = tpu.memref_slice %arg7[%dma_wait3A, %dma_wait3A_85] : memref<4x128xi32, #tpu.memory_space<vmem>> -> memref<1x128xi32, #tpu.memory_space<vmem>>
      %dma_wait3A_87 = tpu.memref_squeeze %dma_wait3A_86 : memref<1x128xi32, #tpu.memory_space<vmem>> -> memref<128xi32, #tpu.memory_space<vmem>>
      %dma_wait3A_88 = arith.constant 0 : i32
      %dma_wait3A_89 = arith.constant 0 : i32
      %dma_wait3A_90 = tpu.memref_slice %arg4[%dma_wait3A_88, %dma_wait3A_89] : memref<100000x32xf32, #tpu.memory_space<hbm>> -> memref<100000x32xf32, #tpu.memory_space<hbm>>
      tpu.wait_indirect_dma semaphore(%arg10 : memref<!tpu.dma_semaphore, #tpu.memory_space<semaphore_mem>>) src(%dma_wait3A_90 : memref<100000x32xf32, #tpu.memory_space<hbm>>) dst(%dma_wait3A_84 : memref<128x32xf32, #tpu.memory_space<vmem>>)
      %dma_wait3A_91 = arith.constant 1 : i32
      %dma_wait3A_92 = arith.constant 1 : i32
      %dma_wait3A_93 = arith.constant 0 : i32
      %dma_wait3A_94 = arith.constant 0 : i32
      %dma_wait3A_95 = tpu.memref_slice %arg9[%dma_wait3A_92, %dma_wait3A_93, %dma_wait3A_94] : memref<4x128x32xf32, #tpu.memory_space<vmem>> -> memref<1x128x32xf32, #tpu.memory_space<vmem>>
      %dma_wait3A_96 = tpu.memref_squeeze %dma_wait3A_95 : memref<1x128x32xf32, #tpu.memory_space<vmem>> -> memref<128x32xf32, #tpu.memory_space<vmem>>
      %dma_wait3A_97 = arith.constant 0 : i32
      %dma_wait3A_98 = tpu.memref_slice %arg7[%dma_wait3A_91, %dma_wait3A_97] : memref<4x128xi32, #tpu.memory_space<vmem>> -> memref<1x128xi32, #tpu.memory_space<vmem>>
      %dma_wait3A_99 = tpu.memref_squeeze %dma_wait3A_98 : memref<1x128xi32, #tpu.memory_space<vmem>> -> memref<128xi32, #tpu.memory_space<vmem>>
      %dma_wait3A_100 = arith.constant 0 : i32
      %dma_wait3A_101 = arith.constant 0 : i32
      %dma_wait3A_102 = tpu.memref_slice %arg4[%dma_wait3A_100, %dma_wait3A_101] : memref<100000x32xf32, #tpu.memory_space<hbm>> -> memref<100000x32xf32, #tpu.memory_space<hbm>>
      tpu.wait_indirect_dma semaphore(%arg10 : memref<!tpu.dma_semaphore, #tpu.memory_space<semaphore_mem>>) src(%dma_wait3A_102 : memref<100000x32xf32, #tpu.memory_space<hbm>>) dst(%dma_wait3A_96 : memref<128x32xf32, #tpu.memory_space<vmem>>)
      %dma_wait3A_103 = arith.constant 2 : i32
      %dma_wait3A_104 = arith.constant 2 : i32
      %dma_wait3A_105 = arith.constant 0 : i32
      %dma_wait3A_106 = arith.constant 0 : i32
      %dma_wait3A_107 = tpu.memref_slice %arg9[%dma_wait3A_104, %dma_wait3A_105, %dma_wait3A_106] : memref<4x128x32xf32, #tpu.memory_space<vmem>> -> memref<1x128x32xf32, #tpu.memory_space<vmem>>
      %dma_wait3A_108 = tpu.memref_squeeze %dma_wait3A_107 : memref<1x128x32xf32, #tpu.memory_space<vmem>> -> memref<128x32xf32, #tpu.memory_space<vmem>>
      %dma_wait3A_109 = arith.constant 0 : i32
      %dma_wait3A_110 = tpu.memref_slice %arg7[%dma_wait3A_103, %dma_wait3A_109] : memref<4x128xi32, #tpu.memory_space<vmem>> -> memref<1x128xi32, #tpu.memory_space<vmem>>
      %dma_wait3A_111 = tpu.memref_squeeze %dma_wait3A_110 : memref<1x128xi32, #tpu.memory_space<vmem>> -> memref<128xi32, #tpu.memory_space<vmem>>
      %dma_wait3A_112 = arith.constant 0 : i32
      %dma_wait3A_113 = arith.constant 0 : i32
      %dma_wait3A_114 = tpu.memref_slice %arg4[%dma_wait3A_112, %dma_wait3A_113] : memref<100000x32xf32, #tpu.memory_space<hbm>> -> memref<100000x32xf32, #tpu.memory_space<hbm>>
      tpu.wait_indirect_dma semaphore(%arg10 : memref<!tpu.dma_semaphore, #tpu.memory_space<semaphore_mem>>) src(%dma_wait3A_114 : memref<100000x32xf32, #tpu.memory_space<hbm>>) dst(%dma_wait3A_108 : memref<128x32xf32, #tpu.memory_space<vmem>>)
      %dma_wait3A_115 = arith.constant 3 : i32
      %dma_wait3A_116 = arith.constant 3 : i32
      %dma_wait3A_117 = arith.constant 0 : i32
      %dma_wait3A_118 = arith.constant 0 : i32
      %dma_wait3A_119 = tpu.memref_slice %arg9[%dma_wait3A_116, %dma_wait3A_117, %dma_wait3A_118] : memref<4x128x32xf32, #tpu.memory_space<vmem>> -> memref<1x128x32xf32, #tpu.memory_space<vmem>>
      %dma_wait3A_120 = tpu.memref_squeeze %dma_wait3A_119 : memref<1x128x32xf32, #tpu.memory_space<vmem>> -> memref<128x32xf32, #tpu.memory_space<vmem>>
      %dma_wait3A_121 = arith.constant 0 : i32
      %dma_wait3A_122 = tpu.memref_slice %arg7[%dma_wait3A_115, %dma_wait3A_121] : memref<4x128xi32, #tpu.memory_space<vmem>> -> memref<1x128xi32, #tpu.memory_space<vmem>>
      %dma_wait3A_123 = tpu.memref_squeeze %dma_wait3A_122 : memref<1x128xi32, #tpu.memory_space<vmem>> -> memref<128xi32, #tpu.memory_space<vmem>>
      %dma_wait3A_124 = arith.constant 0 : i32
      %dma_wait3A_125 = arith.constant 0 : i32
      %dma_wait3A_126 = tpu.memref_slice %arg4[%dma_wait3A_124, %dma_wait3A_125] : memref<100000x32xf32, #tpu.memory_space<hbm>> -> memref<100000x32xf32, #tpu.memory_space<hbm>>
      tpu.wait_indirect_dma semaphore(%arg10 : memref<!tpu.dma_semaphore, #tpu.memory_space<semaphore_mem>>) src(%dma_wait3A_126 : memref<100000x32xf32, #tpu.memory_space<hbm>>) dst(%dma_wait3A_120 : memref<128x32xf32, #tpu.memory_space<vmem>>)
      %dma_start3A_127 = arith.constant 0 : i32
      %dma_start3A_128 = arith.constant 0 : i32
      %dma_start3A_129 = arith.constant 0 : i32
      %dma_start3A_130 = arith.constant 0 : i32
      %dma_start3A_131 = tpu.memref_slice %arg9[%dma_start3A_127, %dma_start3A_129, %dma_start3A_130] : memref<4x128x32xf32, #tpu.memory_space<vmem>> -> memref<1x128x32xf32, #tpu.memory_space<vmem>>
      %dma_start3A_132 = tpu.memref_squeeze %dma_start3A_131 : memref<1x128x32xf32, #tpu.memory_space<vmem>> -> memref<128x32xf32, #tpu.memory_space<vmem>>
      %dma_start3A_133 = arith.constant 0 : i32
      %dma_start3A_134 = tpu.memref_slice %arg8[%dma_start3A_128, %dma_start3A_133] : memref<4x128xi32, #tpu.memory_space<vmem>> -> memref<1x128xi32, #tpu.memory_space<vmem>>
      %dma_start3A_135 = tpu.memref_squeeze %dma_start3A_134 : memref<1x128xi32, #tpu.memory_space<vmem>> -> memref<128xi32, #tpu.memory_space<vmem>>
      %dma_start3A_136 = arith.constant 0 : i32
      %dma_start3A_137 = arith.constant 0 : i32
      %dma_start3A_138 = tpu.memref_slice %arg6[%dma_start3A_136, %dma_start3A_137] : memref<51200x32xf32, #tpu.memory_space<vmem_shared>> -> memref<51200x32xf32, #tpu.memory_space<vmem_shared>>
      tpu.enqueue_indirect_dma source(%dma_start3A_132 : memref<128x32xf32, #tpu.memory_space<vmem>>) target(%dma_start3A_138 : memref<51200x32xf32, #tpu.memory_space<vmem_shared>>) offsets(%dma_start3A_135 : memref<128xi32, #tpu.memory_space<vmem>>) semaphore(%arg11 : memref<!tpu.dma_semaphore, #tpu.memory_space<semaphore_mem>>) {add = true}
      %dma_start3A_139 = arith.constant 1 : i32
      %dma_start3A_140 = arith.constant 1 : i32
      %dma_start3A_141 = arith.constant 0 : i32
      %dma_start3A_142 = arith.constant 0 : i32
      %dma_start3A_143 = tpu.memref_slice %arg9[%dma_start3A_139, %dma_start3A_141, %dma_start3A_142] : memref<4x128x32xf32, #tpu.memory_space<vmem>> -> memref<1x128x32xf32, #tpu.memory_space<vmem>>
      %dma_start3A_144 = tpu.memref_squeeze %dma_start3A_143 : memref<1x128x32xf32, #tpu.memory_space<vmem>> -> memref<128x32xf32, #tpu.memory_space<vmem>>
      %dma_start3A_145 = arith.constant 0 : i32
      %dma_start3A_146 = tpu.memref_slice %arg8[%dma_start3A_140, %dma_start3A_145] : memref<4x128xi32, #tpu.memory_space<vmem>> -> memref<1x128xi32, #tpu.memory_space<vmem>>
      %dma_start3A_147 = tpu.memref_squeeze %dma_start3A_146 : memref<1x128xi32, #tpu.memory_space<vmem>> -> memref<128xi32, #tpu.memory_space<vmem>>
      %dma_start3A_148 = arith.constant 0 : i32
      %dma_start3A_149 = arith.constant 0 : i32
      %dma_start3A_150 = tpu.memref_slice %arg6[%dma_start3A_148, %dma_start3A_149] : memref<51200x32xf32, #tpu.memory_space<vmem_shared>> -> memref<51200x32xf32, #tpu.memory_space<vmem_shared>>
      tpu.enqueue_indirect_dma source(%dma_start3A_144 : memref<128x32xf32, #tpu.memory_space<vmem>>) target(%dma_start3A_150 : memref<51200x32xf32, #tpu.memory_space<vmem_shared>>) offsets(%dma_start3A_147 : memref<128xi32, #tpu.memory_space<vmem>>) semaphore(%arg11 : memref<!tpu.dma_semaphore, #tpu.memory_space<semaphore_mem>>) {add = true}
      %dma_start3A_151 = arith.constant 2 : i32
      %dma_start3A_152 = arith.constant 2 : i32
      %dma_start3A_153 = arith.constant 0 : i32
      %dma_start3A_154 = arith.constant 0 : i32
      %dma_start3A_155 = tpu.memref_slice %arg9[%dma_start3A_151, %dma_start3A_153, %dma_start3A_154] : memref<4x128x32xf32, #tpu.memory_space<vmem>> -> memref<1x128x32xf32, #tpu.memory_space<vmem>>
      %dma_start3A_156 = tpu.memref_squeeze %dma_start3A_155 : memref<1x128x32xf32, #tpu.memory_space<vmem>> -> memref<128x32xf32, #tpu.memory_space<vmem>>
      %dma_start3A_157 = arith.constant 0 : i32
      %dma_start3A_158 = tpu.memref_slice %arg8[%dma_start3A_152, %dma_start3A_157] : memref<4x128xi32, #tpu.memory_space<vmem>> -> memref<1x128xi32, #tpu.memory_space<vmem>>
      %dma_start3A_159 = tpu.memref_squeeze %dma_start3A_158 : memref<1x128xi32, #tpu.memory_space<vmem>> -> memref<128xi32, #tpu.memory_space<vmem>>
      %dma_start3A_160 = arith.constant 0 : i32
      %dma_start3A_161 = arith.constant 0 : i32
      %dma_start3A_162 = tpu.memref_slice %arg6[%dma_start3A_160, %dma_start3A_161] : memref<51200x32xf32, #tpu.memory_space<vmem_shared>> -> memref<51200x32xf32, #tpu.memory_space<vmem_shared>>
      tpu.enqueue_indirect_dma source(%dma_start3A_156 : memref<128x32xf32, #tpu.memory_space<vmem>>) target(%dma_start3A_162 : memref<51200x32xf32, #tpu.memory_space<vmem_shared>>) offsets(%dma_start3A_159 : memref<128xi32, #tpu.memory_space<vmem>>) semaphore(%arg11 : memref<!tpu.dma_semaphore, #tpu.memory_space<semaphore_mem>>) {add = true}
      %dma_start3A_163 = arith.constant 3 : i32
      %dma_start3A_164 = arith.constant 3 : i32
      %dma_start3A_165 = arith.constant 0 : i32
      %dma_start3A_166 = arith.constant 0 : i32
      %dma_start3A_167 = tpu.memref_slice %arg9[%dma_start3A_163, %dma_start3A_165, %dma_start3A_166] : memref<4x128x32xf32, #tpu.memory_space<vmem>> -> memref<1x128x32xf32, #tpu.memory_space<vmem>>
      %dma_start3A_168 = tpu.memref_squeeze %dma_start3A_167 : memref<1x128x32xf32, #tpu.memory_space<vmem>> -> memref<128x32xf32, #tpu.memory_space<vmem>>
      %dma_start3A_169 = arith.constant 0 : i32
      %dma_start3A_170 = tpu.memref_slice %arg8[%dma_start3A_164, %dma_start3A_169] : memref<4x128xi32, #tpu.memory_space<vmem>> -> memref<1x128xi32, #tpu.memory_space<vmem>>
      %dma_start3A_171 = tpu.memref_squeeze %dma_start3A_170 : memref<1x128xi32, #tpu.memory_space<vmem>> -> memref<128xi32, #tpu.memory_space<vmem>>
      %dma_start3A_172 = arith.constant 0 : i32
      %dma_start3A_173 = arith.constant 0 : i32
      %dma_start3A_174 = tpu.memref_slice %arg6[%dma_start3A_172, %dma_start3A_173] : memref<51200x32xf32, #tpu.memory_space<vmem_shared>> -> memref<51200x32xf32, #tpu.memory_space<vmem_shared>>
      tpu.enqueue_indirect_dma source(%dma_start3A_168 : memref<128x32xf32, #tpu.memory_space<vmem>>) target(%dma_start3A_174 : memref<51200x32xf32, #tpu.memory_space<vmem_shared>>) offsets(%dma_start3A_171 : memref<128xi32, #tpu.memory_space<vmem>>) semaphore(%arg11 : memref<!tpu.dma_semaphore, #tpu.memory_space<semaphore_mem>>) {add = true}
      %dma_wait3A_175 = arith.constant 0 : i32
      %dma_wait3A_176 = arith.constant 0 : i32
      %dma_wait3A_177 = arith.constant 0 : i32
      %dma_wait3A_178 = arith.constant 0 : i32
      %dma_wait3A_179 = tpu.memref_slice %arg9[%dma_wait3A_175, %dma_wait3A_177, %dma_wait3A_178] : memref<4x128x32xf32, #tpu.memory_space<vmem>> -> memref<1x128x32xf32, #tpu.memory_space<vmem>>
      %dma_wait3A_180 = tpu.memref_squeeze %dma_wait3A_179 : memref<1x128x32xf32, #tpu.memory_space<vmem>> -> memref<128x32xf32, #tpu.memory_space<vmem>>
      %dma_wait3A_181 = arith.constant 0 : i32
      %dma_wait3A_182 = tpu.memref_slice %arg8[%dma_wait3A_176, %dma_wait3A_181] : memref<4x128xi32, #tpu.memory_space<vmem>> -> memref<1x128xi32, #tpu.memory_space<vmem>>
      %dma_wait3A_183 = tpu.memref_squeeze %dma_wait3A_182 : memref<1x128xi32, #tpu.memory_space<vmem>> -> memref<128xi32, #tpu.memory_space<vmem>>
      %dma_wait3A_184 = arith.constant 0 : i32
      %dma_wait3A_185 = arith.constant 0 : i32
      %dma_wait3A_186 = tpu.memref_slice %arg6[%dma_wait3A_184, %dma_wait3A_185] : memref<51200x32xf32, #tpu.memory_space<vmem_shared>> -> memref<51200x32xf32, #tpu.memory_space<vmem_shared>>
      tpu.wait_indirect_dma semaphore(%arg11 : memref<!tpu.dma_semaphore, #tpu.memory_space<semaphore_mem>>) src(%dma_wait3A_180 : memref<128x32xf32, #tpu.memory_space<vmem>>) dst(%dma_wait3A_186 : memref<51200x32xf32, #tpu.memory_space<vmem_shared>>)
      %dma_wait3A_187 = arith.constant 1 : i32
      %dma_wait3A_188 = arith.constant 1 : i32
      %dma_wait3A_189 = arith.constant 0 : i32
      %dma_wait3A_190 = arith.constant 0 : i32
      %dma_wait3A_191 = tpu.memref_slice %arg9[%dma_wait3A_187, %dma_wait3A_189, %dma_wait3A_190] : memref<4x128x32xf32, #tpu.memory_space<vmem>> -> memref<1x128x32xf32, #tpu.memory_space<vmem>>
      %dma_wait3A_192 = tpu.memref_squeeze %dma_wait3A_191 : memref<1x128x32xf32, #tpu.memory_space<vmem>> -> memref<128x32xf32, #tpu.memory_space<vmem>>
      %dma_wait3A_193 = arith.constant 0 : i32
      %dma_wait3A_194 = tpu.memref_slice %arg8[%dma_wait3A_188, %dma_wait3A_193] : memref<4x128xi32, #tpu.memory_space<vmem>> -> memref<1x128xi32, #tpu.memory_space<vmem>>
      %dma_wait3A_195 = tpu.memref_squeeze %dma_wait3A_194 : memref<1x128xi32, #tpu.memory_space<vmem>> -> memref<128xi32, #tpu.memory_space<vmem>>
      %dma_wait3A_196 = arith.constant 0 : i32
      %dma_wait3A_197 = arith.constant 0 : i32
      %dma_wait3A_198 = tpu.memref_slice %arg6[%dma_wait3A_196, %dma_wait3A_197] : memref<51200x32xf32, #tpu.memory_space<vmem_shared>> -> memref<51200x32xf32, #tpu.memory_space<vmem_shared>>
      tpu.wait_indirect_dma semaphore(%arg11 : memref<!tpu.dma_semaphore, #tpu.memory_space<semaphore_mem>>) src(%dma_wait3A_192 : memref<128x32xf32, #tpu.memory_space<vmem>>) dst(%dma_wait3A_198 : memref<51200x32xf32, #tpu.memory_space<vmem_shared>>)
      %dma_wait3A_199 = arith.constant 2 : i32
      %dma_wait3A_200 = arith.constant 2 : i32
      %dma_wait3A_201 = arith.constant 0 : i32
      %dma_wait3A_202 = arith.constant 0 : i32
      %dma_wait3A_203 = tpu.memref_slice %arg9[%dma_wait3A_199, %dma_wait3A_201, %dma_wait3A_202] : memref<4x128x32xf32, #tpu.memory_space<vmem>> -> memref<1x128x32xf32, #tpu.memory_space<vmem>>
      %dma_wait3A_204 = tpu.memref_squeeze %dma_wait3A_203 : memref<1x128x32xf32, #tpu.memory_space<vmem>> -> memref<128x32xf32, #tpu.memory_space<vmem>>
      %dma_wait3A_205 = arith.constant 0 : i32
      %dma_wait3A_206 = tpu.memref_slice %arg8[%dma_wait3A_200, %dma_wait3A_205] : memref<4x128xi32, #tpu.memory_space<vmem>> -> memref<1x128xi32, #tpu.memory_space<vmem>>
      %dma_wait3A_207 = tpu.memref_squeeze %dma_wait3A_206 : memref<1x128xi32, #tpu.memory_space<vmem>> -> memref<128xi32, #tpu.memory_space<vmem>>
      %dma_wait3A_208 = arith.constant 0 : i32
      %dma_wait3A_209 = arith.constant 0 : i32
      %dma_wait3A_210 = tpu.memref_slice %arg6[%dma_wait3A_208, %dma_wait3A_209] : memref<51200x32xf32, #tpu.memory_space<vmem_shared>> -> memref<51200x32xf32, #tpu.memory_space<vmem_shared>>
      tpu.wait_indirect_dma semaphore(%arg11 : memref<!tpu.dma_semaphore, #tpu.memory_space<semaphore_mem>>) src(%dma_wait3A_204 : memref<128x32xf32, #tpu.memory_space<vmem>>) dst(%dma_wait3A_210 : memref<51200x32xf32, #tpu.memory_space<vmem_shared>>)
      %dma_wait3A_211 = arith.constant 3 : i32
      %dma_wait3A_212 = arith.constant 3 : i32
      %dma_wait3A_213 = arith.constant 0 : i32
      %dma_wait3A_214 = arith.constant 0 : i32
      %dma_wait3A_215 = tpu.memref_slice %arg9[%dma_wait3A_211, %dma_wait3A_213, %dma_wait3A_214] : memref<4x128x32xf32, #tpu.memory_space<vmem>> -> memref<1x128x32xf32, #tpu.memory_space<vmem>>
      %dma_wait3A_216 = tpu.memref_squeeze %dma_wait3A_215 : memref<1x128x32xf32, #tpu.memory_space<vmem>> -> memref<128x32xf32, #tpu.memory_space<vmem>>
      %dma_wait3A_217 = arith.constant 0 : i32
      %dma_wait3A_218 = tpu.memref_slice %arg8[%dma_wait3A_212, %dma_wait3A_217] : memref<4x128xi32, #tpu.memory_space<vmem>> -> memref<1x128xi32, #tpu.memory_space<vmem>>
      %dma_wait3A_219 = tpu.memref_squeeze %dma_wait3A_218 : memref<1x128xi32, #tpu.memory_space<vmem>> -> memref<128xi32, #tpu.memory_space<vmem>>
      %dma_wait3A_220 = arith.constant 0 : i32
      %dma_wait3A_221 = arith.constant 0 : i32
      %dma_wait3A_222 = tpu.memref_slice %arg6[%dma_wait3A_220, %dma_wait3A_221] : memref<51200x32xf32, #tpu.memory_space<vmem_shared>> -> memref<51200x32xf32, #tpu.memory_space<vmem_shared>>
      tpu.wait_indirect_dma semaphore(%arg11 : memref<!tpu.dma_semaphore, #tpu.memory_space<semaphore_mem>>) src(%dma_wait3A_216 : memref<128x32xf32, #tpu.memory_space<vmem>>) dst(%dma_wait3A_222 : memref<51200x32xf32, #tpu.memory_space<vmem_shared>>)
      %scan3A_223 = arith.constant 0 : i32
      scf.yield %scan3A_223 : i32
    }
    %scan3A_20 = arith.constant 98 : i32
    %barrier3A_21 = arith.constant 0 : index
    tpu.barrier barrier_id(%barrier3A_21)
    %scan3A_22 = arith.constant 0 : i32
    %scan3A_23 = arith.constant 0 : i32
    %scan3A_24 = arith.constant 25 : i32
    %scan3A_25 = arith.addi %scan3A_23, %scan3A_24 : i32
    %scan3A_26 = arith.constant 1 : i32
    %scan3A_27 = scf.for %scan3A_29 = %scan3A_23 to %scan3A_25 step %scan3A_26 iter_args(%scan3A_30 = %scan3A_22) -> (i32)  : i32 {
      %mul3A_31 = arith.constant 25 : i32
      %mul3A_32 = arith.muli %arg1, %mul3A_31 : i32
      %add3A = arith.addi %mul3A_32, %scan3A_29 : i32
      %mul3A_33 = arith.constant 128 : i32
      %mul3A_34 = arith.muli %add3A, %mul3A_33 : i32
      "tpu.region"() ({
        %run_scoped3A = tpu.sem_alloc : memref<!tpu.dma_semaphore, #tpu.memory_space<semaphore_mem>>
        %dma_start3A = arith.constant 0 : i32
        %dma_start3A_36 = tpu.memref_slice %arg5[%arg0, %mul3A_34, %dma_start3A] : memref<2x51200x128xf32, #tpu.memory_space<hbm>> -> memref<1x128x32xf32, #tpu.memory_space<hbm>>
        %dma_start3A_37 = tpu.memref_squeeze %dma_start3A_36 : memref<1x128x32xf32, #tpu.memory_space<hbm>> -> memref<128x32xf32, #tpu.memory_space<hbm>>
        %dma_start3A_38 = arith.constant 0 : i32
        %dma_start3A_39 = tpu.memref_slice %arg6[%mul3A_34, %dma_start3A_38] : memref<51200x32xf32, #tpu.memory_space<vmem_shared>> -> memref<128x32xf32, #tpu.memory_space<vmem_shared>>
        tpu.enqueue_dma source(%dma_start3A_39 : memref<128x32xf32, #tpu.memory_space<vmem_shared>>) target(%dma_start3A_37 : memref<128x32xf32, #tpu.memory_space<hbm>>) target_semaphore(%run_scoped3A : memref<!tpu.dma_semaphore, #tpu.memory_space<semaphore_mem>>)
        %dma_wait3A = arith.constant 0 : i32
        %dma_wait3A_40 = tpu.memref_slice %arg5[%arg0, %mul3A_34, %dma_wait3A] : memref<2x51200x128xf32, #tpu.memory_space<hbm>> -> memref<1x128x32xf32, #tpu.memory_space<hbm>>
        %dma_wait3A_41 = tpu.memref_squeeze %dma_wait3A_40 : memref<1x128x32xf32, #tpu.memory_space<hbm>> -> memref<128x32xf32, #tpu.memory_space<hbm>>
        %dma_wait3A_42 = arith.constant 0 : i32
        %dma_wait3A_43 = tpu.memref_slice %arg6[%mul3A_34, %dma_wait3A_42] : memref<51200x32xf32, #tpu.memory_space<vmem_shared>> -> memref<128x32xf32, #tpu.memory_space<vmem_shared>>
        tpu.wait_dma2 semaphore(%run_scoped3A : memref<!tpu.dma_semaphore, #tpu.memory_space<semaphore_mem>>) src(%dma_wait3A_43 : memref<128x32xf32, #tpu.memory_space<vmem_shared>>) dst(%dma_wait3A_41 : memref<128x32xf32, #tpu.memory_space<hbm>>)
        tpu.yield
      }) : () -> ()
      %scan3A_35 = arith.constant 0 : i32
      scf.yield %scan3A_35 : i32
    }
    %scan3A_28 = arith.constant 25 : i32
    return
  }
}

module attributes {stable_mosaic.version = 14 : i64} {
  func.func @_fusion_body(%arg0: i32, %arg1: memref<1024x768xf32, #tpu.memory_space<vmem>>, %arg2: memref<1024x768xf32, #tpu.memory_space<vmem>>, %arg3: memref<1024x6xf32, #tpu.memory_space<vmem>>, %arg4: memref<1024x11xf32, #tpu.memory_space<vmem>>, %arg5: memref<768x16xf32, #tpu.memory_space<vmem>>, %arg6: memref<1x16xf32, #tpu.memory_space<vmem>>, %arg7: memref<768x16xf32, #tpu.memory_space<vmem>>, %arg8: memref<1x16xf32, #tpu.memory_space<vmem>>, %arg9: memref<6x16xf32, #tpu.memory_space<vmem>>, %arg10: memref<1x16xf32, #tpu.memory_space<vmem>>, %arg11: memref<11x16xf32, #tpu.memory_space<vmem>>, %arg12: memref<1x16xf32, #tpu.memory_space<vmem>>, %arg13: memref<64x64xf32, #tpu.memory_space<vmem>>, %arg14: memref<1x64xf32, #tpu.memory_space<vmem>>, %arg15: memref<64x64xf32, #tpu.memory_space<vmem>>, %arg16: memref<2x1024xf32, #tpu.memory_space<vmem>>, %arg17: memref<2x1024x32xf32, #tpu.memory_space<vmem>>) attributes {dimension_semantics = [#tpu.dimension_semantics<arbitrary>], iteration_bounds = array<i64: 49>, scalar_prefetch = 0 : i64, scratch_operands = 0 : i64, tpu.core_type = #tpu.core_type<tc>, window_params = [{transform_indices = @transform_0, window_bounds = array<i64: 1024, 768>}, {transform_indices = @transform_1, window_bounds = array<i64: 1024, 768>}, {transform_indices = @transform_2, window_bounds = array<i64: 1024, 6>}, {transform_indices = @transform_3, window_bounds = array<i64: 1024, 11>}, {pipeline_mode = #tpu.pipeline_mode<synchronous>, transform_indices = @transform_4, window_bounds = array<i64: 768, 16>}, {pipeline_mode = #tpu.pipeline_mode<synchronous>, transform_indices = @transform_5, window_bounds = array<i64: 1, 16>}, {pipeline_mode = #tpu.pipeline_mode<synchronous>, transform_indices = @transform_6, window_bounds = array<i64: 768, 16>}, {pipeline_mode = #tpu.pipeline_mode<synchronous>, transform_indices = @transform_7, window_bounds = array<i64: 1, 16>}, {pipeline_mode = #tpu.pipeline_mode<synchronous>, transform_indices = @transform_8, window_bounds = array<i64: 6, 16>}, {pipeline_mode = #tpu.pipeline_mode<synchronous>, transform_indices = @transform_9, window_bounds = array<i64: 1, 16>}, {pipeline_mode = #tpu.pipeline_mode<synchronous>, transform_indices = @transform_10, window_bounds = array<i64: 11, 16>}, {pipeline_mode = #tpu.pipeline_mode<synchronous>, transform_indices = @transform_11, window_bounds = array<i64: 1, 16>}, {pipeline_mode = #tpu.pipeline_mode<synchronous>, transform_indices = @transform_12, window_bounds = array<i64: 64, 64>}, {pipeline_mode = #tpu.pipeline_mode<synchronous>, transform_indices = @transform_13, window_bounds = array<i64: 1, 64>}, {pipeline_mode = #tpu.pipeline_mode<synchronous>, transform_indices = @transform_14, window_bounds = array<i64: 64, 64>}, {transform_indices = @transform_15, window_bounds = array<i64: 2, 1024>}, {transform_indices = @transform_16, window_bounds = array<i64: 2, 1024, 32>}]} {
    %get3A = arith.constant 0 : index
    %get3A_0 = arith.constant 0 : index
    %get3A_1 = vector.load %arg1[%get3A, %get3A_0] : memref<1024x768xf32, #tpu.memory_space<vmem>>, vector<1024x768xf32>
    %get3A_2 = arith.constant 0 : index
    %get3A_3 = arith.constant 0 : index
    %get3A_4 = vector.load %arg5[%get3A_2, %get3A_3] : memref<768x16xf32, #tpu.memory_space<vmem>>, vector<768x16xf32>
    %dot_general3A = arith.constant dense<0.000000e+00> : vector<1024x16xf32>
    %dot_general3A_5 = tpu.matmul %get3A_1, %get3A_4, %dot_general3A {dimension_numbers = #tpu.dot_dimension_numbers<[1], [0], [0], [1], [0, 0, 1, 1], [], []>, transpose_lhs_hint = false} : vector<1024x768xf32>, vector<768x16xf32>, vector<1024x16xf32> -> vector<1024x16xf32>
    %get3A_6 = arith.constant 0 : index
    %get3A_7 = arith.constant 0 : index
    %get3A_8 = vector.load %arg6[%get3A_6, %get3A_7] : memref<1x16xf32, #tpu.memory_space<vmem>>, vector<1x16xf32>
    %add3A = vector.broadcast %get3A_8 : vector<1x16xf32> to vector<1024x16xf32>
    %add3A_9 = arith.addf %dot_general3A_5, %add3A : vector<1024x16xf32>
    %ge3A = arith.constant 0.000000e+00 : f32
    %ge3A_10 = vector.broadcast %ge3A : f32 to vector<1024x16xf32>
    %ge3A_11 = arith.cmpf oge, %add3A_9, %ge3A_10 : vector<1024x16xf32>
    %mul3A = arith.constant 0.00999999977 : f32
    %mul3A_12 = vector.broadcast %mul3A : f32 to vector<1024x16xf32>
    %mul3A_13 = arith.mulf %mul3A_12, %add3A_9 : vector<1024x16xf32>
    %select_n3A = arith.select %ge3A_11, %add3A_9, %mul3A_13 : vector<1024x16xi1>, vector<1024x16xf32>
    %get3A_14 = arith.constant 0 : index
    %get3A_15 = arith.constant 0 : index
    %get3A_16 = vector.load %arg2[%get3A_14, %get3A_15] : memref<1024x768xf32, #tpu.memory_space<vmem>>, vector<1024x768xf32>
    %get3A_17 = arith.constant 0 : index
    %get3A_18 = arith.constant 0 : index
    %get3A_19 = vector.load %arg7[%get3A_17, %get3A_18] : memref<768x16xf32, #tpu.memory_space<vmem>>, vector<768x16xf32>
    %dot_general3A_20 = arith.constant dense<0.000000e+00> : vector<1024x16xf32>
    %dot_general3A_21 = tpu.matmul %get3A_16, %get3A_19, %dot_general3A_20 {dimension_numbers = #tpu.dot_dimension_numbers<[1], [0], [0], [1], [0, 0, 1, 1], [], []>, transpose_lhs_hint = false} : vector<1024x768xf32>, vector<768x16xf32>, vector<1024x16xf32> -> vector<1024x16xf32>
    %get3A_22 = arith.constant 0 : index
    %get3A_23 = arith.constant 0 : index
    %get3A_24 = vector.load %arg8[%get3A_22, %get3A_23] : memref<1x16xf32, #tpu.memory_space<vmem>>, vector<1x16xf32>
    %add3A_25 = vector.broadcast %get3A_24 : vector<1x16xf32> to vector<1024x16xf32>
    %add3A_26 = arith.addf %dot_general3A_21, %add3A_25 : vector<1024x16xf32>
    %ge3A_27 = arith.constant 0.000000e+00 : f32
    %ge3A_28 = vector.broadcast %ge3A_27 : f32 to vector<1024x16xf32>
    %ge3A_29 = arith.cmpf oge, %add3A_26, %ge3A_28 : vector<1024x16xf32>
    %mul3A_30 = arith.constant 0.00999999977 : f32
    %mul3A_31 = vector.broadcast %mul3A_30 : f32 to vector<1024x16xf32>
    %mul3A_32 = arith.mulf %mul3A_31, %add3A_26 : vector<1024x16xf32>
    %select_n3A_33 = arith.select %ge3A_29, %add3A_26, %mul3A_32 : vector<1024x16xi1>, vector<1024x16xf32>
    %get3A_34 = arith.constant 0 : index
    %get3A_35 = arith.constant 0 : index
    %get3A_36 = vector.load %arg3[%get3A_34, %get3A_35] : memref<1024x6xf32, #tpu.memory_space<vmem>>, vector<1024x6xf32>
    %get3A_37 = arith.constant 0 : index
    %get3A_38 = arith.constant 0 : index
    %get3A_39 = vector.load %arg9[%get3A_37, %get3A_38] : memref<6x16xf32, #tpu.memory_space<vmem>>, vector<6x16xf32>
    %dot_general3A_40 = arith.constant dense<0.000000e+00> : vector<1024x16xf32>
    %dot_general3A_41 = tpu.matmul %get3A_36, %get3A_39, %dot_general3A_40 {dimension_numbers = #tpu.dot_dimension_numbers<[1], [0], [0], [1], [0, 0, 1, 1], [], []>, transpose_lhs_hint = false} : vector<1024x6xf32>, vector<6x16xf32>, vector<1024x16xf32> -> vector<1024x16xf32>
    %get3A_42 = arith.constant 0 : index
    %get3A_43 = arith.constant 0 : index
    %get3A_44 = vector.load %arg10[%get3A_42, %get3A_43] : memref<1x16xf32, #tpu.memory_space<vmem>>, vector<1x16xf32>
    %add3A_45 = vector.broadcast %get3A_44 : vector<1x16xf32> to vector<1024x16xf32>
    %add3A_46 = arith.addf %dot_general3A_41, %add3A_45 : vector<1024x16xf32>
    %ge3A_47 = arith.constant 0.000000e+00 : f32
    %ge3A_48 = vector.broadcast %ge3A_47 : f32 to vector<1024x16xf32>
    %ge3A_49 = arith.cmpf oge, %add3A_46, %ge3A_48 : vector<1024x16xf32>
    %mul3A_50 = arith.constant 0.00999999977 : f32
    %mul3A_51 = vector.broadcast %mul3A_50 : f32 to vector<1024x16xf32>
    %mul3A_52 = arith.mulf %mul3A_51, %add3A_46 : vector<1024x16xf32>
    %select_n3A_53 = arith.select %ge3A_49, %add3A_46, %mul3A_52 : vector<1024x16xi1>, vector<1024x16xf32>
    %get3A_54 = arith.constant 0 : index
    %get3A_55 = arith.constant 0 : index
    %get3A_56 = vector.load %arg4[%get3A_54, %get3A_55] : memref<1024x11xf32, #tpu.memory_space<vmem>>, vector<1024x11xf32>
    %get3A_57 = arith.constant 0 : index
    %get3A_58 = arith.constant 0 : index
    %get3A_59 = vector.load %arg11[%get3A_57, %get3A_58] : memref<11x16xf32, #tpu.memory_space<vmem>>, vector<11x16xf32>
    %dot_general3A_60 = arith.constant dense<0.000000e+00> : vector<1024x16xf32>
    %dot_general3A_61 = tpu.matmul %get3A_56, %get3A_59, %dot_general3A_60 {dimension_numbers = #tpu.dot_dimension_numbers<[1], [0], [0], [1], [0, 0, 1, 1], [], []>, transpose_lhs_hint = false} : vector<1024x11xf32>, vector<11x16xf32>, vector<1024x16xf32> -> vector<1024x16xf32>
    %get3A_62 = arith.constant 0 : index
    %get3A_63 = arith.constant 0 : index
    %get3A_64 = vector.load %arg12[%get3A_62, %get3A_63] : memref<1x16xf32, #tpu.memory_space<vmem>>, vector<1x16xf32>
    %add3A_65 = vector.broadcast %get3A_64 : vector<1x16xf32> to vector<1024x16xf32>
    %add3A_66 = arith.addf %dot_general3A_61, %add3A_65 : vector<1024x16xf32>
    %ge3A_67 = arith.constant 0.000000e+00 : f32
    %ge3A_68 = vector.broadcast %ge3A_67 : f32 to vector<1024x16xf32>
    %ge3A_69 = arith.cmpf oge, %add3A_66, %ge3A_68 : vector<1024x16xf32>
    %mul3A_70 = arith.constant 0.00999999977 : f32
    %mul3A_71 = vector.broadcast %mul3A_70 : f32 to vector<1024x16xf32>
    %mul3A_72 = arith.mulf %mul3A_71, %add3A_66 : vector<1024x16xf32>
    %select_n3A_73 = arith.select %ge3A_69, %add3A_66, %mul3A_72 : vector<1024x16xi1>, vector<1024x16xf32>
    %concatenate3A = tpu.concatenate %select_n3A, %select_n3A_33, %select_n3A_53, %select_n3A_73 in 1 : vector<1024x16xf32>, vector<1024x16xf32>, vector<1024x16xf32>, vector<1024x16xf32> -> vector<1024x64xf32>
    %get3A_74 = arith.constant 0 : index
    %get3A_75 = arith.constant 0 : index
    %get3A_76 = vector.load %arg13[%get3A_74, %get3A_75] : memref<64x64xf32, #tpu.memory_space<vmem>>, vector<64x64xf32>
    %dot_general3A_77 = arith.constant dense<0.000000e+00> : vector<1024x64xf32>
    %dot_general3A_78 = tpu.matmul %concatenate3A, %get3A_76, %dot_general3A_77 {dimension_numbers = #tpu.dot_dimension_numbers<[1], [0], [0], [1], [0, 0, 1, 1], [], []>, transpose_lhs_hint = false} : vector<1024x64xf32>, vector<64x64xf32>, vector<1024x64xf32> -> vector<1024x64xf32>
    %get3A_79 = arith.constant 0 : index
    %get3A_80 = arith.constant 0 : index
    %get3A_81 = vector.load %arg14[%get3A_79, %get3A_80] : memref<1x64xf32, #tpu.memory_space<vmem>>, vector<1x64xf32>
    %add3A_82 = vector.broadcast %get3A_81 : vector<1x64xf32> to vector<1024x64xf32>
    %add3A_83 = arith.addf %dot_general3A_78, %add3A_82 : vector<1024x64xf32>
    %ge3A_84 = arith.constant 0.000000e+00 : f32
    %ge3A_85 = vector.broadcast %ge3A_84 : f32 to vector<1024x64xf32>
    %ge3A_86 = arith.cmpf oge, %add3A_83, %ge3A_85 : vector<1024x64xf32>
    %mul3A_87 = arith.constant 0.00999999977 : f32
    %mul3A_88 = vector.broadcast %mul3A_87 : f32 to vector<1024x64xf32>
    %mul3A_89 = arith.mulf %mul3A_88, %add3A_83 : vector<1024x64xf32>
    %select_n3A_90 = arith.select %ge3A_86, %add3A_83, %mul3A_89 : vector<1024x64xi1>, vector<1024x64xf32>
    %get3A_91 = arith.constant 0 : index
    %get3A_92 = arith.constant 0 : index
    %get3A_93 = vector.load %arg15[%get3A_91, %get3A_92] : memref<64x64xf32, #tpu.memory_space<vmem>>, vector<64x64xf32>
    %dot_general3A_94 = arith.constant dense<0.000000e+00> : vector<1024x64xf32>
    %dot_general3A_95 = tpu.matmul %select_n3A_90, %get3A_93, %dot_general3A_94 {dimension_numbers = #tpu.dot_dimension_numbers<[1], [0], [0], [1], [0, 0, 1, 1], [], []>, transpose_lhs_hint = false} : vector<1024x64xf32>, vector<64x64xf32>, vector<1024x64xf32> -> vector<1024x64xf32>
    %get3A_96 = arith.constant 0 : index
    %get3A_97 = arith.constant 0 : index
    %get3A_98 = vector.load %arg16[%get3A_96, %get3A_97] : memref<2x1024xf32, #tpu.memory_space<vmem>>, vector<2x1024xf32>
    %slice3A = vector.extract_strided_slice %get3A_98 {offsets = [0, 0], sizes = [1, 1024], strides = [1, 1]} : vector<2x1024xf32> to vector<1x1024xf32>
    %squeeze3A = vector.shape_cast %slice3A : vector<1x1024xf32> to vector<1024xf32>
    %slice3A_99 = vector.extract_strided_slice %get3A_98 {offsets = [1, 0], sizes = [1, 1024], strides = [1, 1]} : vector<2x1024xf32> to vector<1x1024xf32>
    %squeeze3A_100 = vector.shape_cast %slice3A_99 : vector<1x1024xf32> to vector<1024xf32>
    %add3A_101 = arith.addf %squeeze3A, %squeeze3A_100 : vector<1024xf32>
    %add3A_102 = arith.constant 1.000000e+00 : f32
    %add3A_103 = vector.broadcast %add3A_102 : f32 to vector<1024xf32>
    %add3A_104 = arith.addf %add3A_101, %add3A_103 : vector<1024xf32>
    %rsqrt3A = math.rsqrt %add3A_104 : vector<1024xf32>
    %broadcast_in_dim3A = vector.shape_cast %rsqrt3A : vector<1024xf32> to vector<1024x1xf32>
    %mul3A_105 = vector.broadcast %broadcast_in_dim3A : vector<1024x1xf32> to vector<1024x64xf32>
    %mul3A_106 = arith.mulf %mul3A_105, %dot_general3A_95 : vector<1024x64xf32>
    %slice3A_107 = vector.extract_strided_slice %mul3A_106 {offsets = [0, 0], sizes = [1024, 32], strides = [1, 1]} : vector<1024x64xf32> to vector<1024x32xf32>
    %swap3A = arith.constant 0 : index
    %swap3A_108 = arith.constant 0 : index
    %swap3A_109 = arith.constant 0 : index
    %swap3A_110 = vector.load %arg17[%swap3A, %swap3A_108, %swap3A_109] : memref<2x1024x32xf32, #tpu.memory_space<vmem>>, vector<1x1024x32xf32>
    %swap3A_111 = vector.shape_cast %swap3A_110 : vector<1x1024x32xf32> to vector<1024x32xf32>
    %swap3A_112 = vector.shape_cast %slice3A_107 : vector<1024x32xf32> to vector<1x1024x32xf32>
    tpu.vector_store %arg17[%swap3A, %swap3A_108, %swap3A_109], %swap3A_112 {strides = array<i32>} : memref<2x1024x32xf32, #tpu.memory_space<vmem>>, vector<1x1024x32xf32>,
    %slice3A_113 = vector.extract_strided_slice %mul3A_106 {offsets = [0, 32], sizes = [1024, 32], strides = [1, 1]} : vector<1024x64xf32> to vector<1024x32xf32>
    %swap3A_114 = arith.constant 1 : index
    %swap3A_115 = arith.constant 0 : index
    %swap3A_116 = arith.constant 0 : index
    %swap3A_117 = vector.load %arg17[%swap3A_114, %swap3A_115, %swap3A_116] : memref<2x1024x32xf32, #tpu.memory_space<vmem>>, vector<1x1024x32xf32>
    %swap3A_118 = vector.shape_cast %swap3A_117 : vector<1x1024x32xf32> to vector<1024x32xf32>
    %swap3A_119 = vector.shape_cast %slice3A_113 : vector<1024x32xf32> to vector<1x1024x32xf32>
    tpu.vector_store %arg17[%swap3A_114, %swap3A_115, %swap3A_116], %swap3A_119 {strides = array<i32>} : memref<2x1024x32xf32, #tpu.memory_space<vmem>>, vector<1x1024x32xf32>,
    return
  }
  func.func @transform_0(%arg0: i32) -> (i32, i32) {
    %c0_i32 = arith.constant 0 : i32
    %c0_i32_0 = arith.constant 0 : i32
    return %arg0, %c0_i32 : i32, i32
  }
  func.func @transform_1(%arg0: i32) -> (i32, i32) {
    %c0_i32 = arith.constant 0 : i32
    %c0_i32_0 = arith.constant 0 : i32
    return %arg0, %c0_i32 : i32, i32
  }
  func.func @transform_2(%arg0: i32) -> (i32, i32) {
    %c0_i32 = arith.constant 0 : i32
    %c0_i32_0 = arith.constant 0 : i32
    return %arg0, %c0_i32 : i32, i32
  }
  func.func @transform_3(%arg0: i32) -> (i32, i32) {
    %c0_i32 = arith.constant 0 : i32
    %c0_i32_0 = arith.constant 0 : i32
    return %arg0, %c0_i32 : i32, i32
  }
  func.func @transform_4(%arg0: i32) -> (i32, i32) {
    %c0_i32 = arith.constant 0 : i32
    %c0_i32_0 = arith.constant 0 : i32
    %c0_i32_1 = arith.constant 0 : i32
    return %c0_i32, %c0_i32_0 : i32, i32
  }
  func.func @transform_5(%arg0: i32) -> (i32, i32) {
    %c0_i32 = arith.constant 0 : i32
    %c0_i32_0 = arith.constant 0 : i32
    %c0_i32_1 = arith.constant 0 : i32
    return %c0_i32, %c0_i32_0 : i32, i32
  }
  func.func @transform_6(%arg0: i32) -> (i32, i32) {
    %c0_i32 = arith.constant 0 : i32
    %c0_i32_0 = arith.constant 0 : i32
    %c0_i32_1 = arith.constant 0 : i32
    return %c0_i32, %c0_i32_0 : i32, i32
  }
  func.func @transform_7(%arg0: i32) -> (i32, i32) {
    %c0_i32 = arith.constant 0 : i32
    %c0_i32_0 = arith.constant 0 : i32
    %c0_i32_1 = arith.constant 0 : i32
    return %c0_i32, %c0_i32_0 : i32, i32
  }
  func.func @transform_8(%arg0: i32) -> (i32, i32) {
    %c0_i32 = arith.constant 0 : i32
    %c0_i32_0 = arith.constant 0 : i32
    %c0_i32_1 = arith.constant 0 : i32
    return %c0_i32, %c0_i32_0 : i32, i32
  }
  func.func @transform_9(%arg0: i32) -> (i32, i32) {
    %c0_i32 = arith.constant 0 : i32
    %c0_i32_0 = arith.constant 0 : i32
    %c0_i32_1 = arith.constant 0 : i32
    return %c0_i32, %c0_i32_0 : i32, i32
  }
  func.func @transform_10(%arg0: i32) -> (i32, i32) {
    %c0_i32 = arith.constant 0 : i32
    %c0_i32_0 = arith.constant 0 : i32
    %c0_i32_1 = arith.constant 0 : i32
    return %c0_i32, %c0_i32_0 : i32, i32
  }
  func.func @transform_11(%arg0: i32) -> (i32, i32) {
    %c0_i32 = arith.constant 0 : i32
    %c0_i32_0 = arith.constant 0 : i32
    %c0_i32_1 = arith.constant 0 : i32
    return %c0_i32, %c0_i32_0 : i32, i32
  }
  func.func @transform_12(%arg0: i32) -> (i32, i32) {
    %c0_i32 = arith.constant 0 : i32
    %c0_i32_0 = arith.constant 0 : i32
    %c0_i32_1 = arith.constant 0 : i32
    return %c0_i32, %c0_i32_0 : i32, i32
  }
  func.func @transform_13(%arg0: i32) -> (i32, i32) {
    %c0_i32 = arith.constant 0 : i32
    %c0_i32_0 = arith.constant 0 : i32
    %c0_i32_1 = arith.constant 0 : i32
    return %c0_i32, %c0_i32_0 : i32, i32
  }
  func.func @transform_14(%arg0: i32) -> (i32, i32) {
    %c0_i32 = arith.constant 0 : i32
    %c0_i32_0 = arith.constant 0 : i32
    %c0_i32_1 = arith.constant 0 : i32
    return %c0_i32, %c0_i32_0 : i32, i32
  }
  func.func @transform_15(%arg0: i32) -> (i32, i32) {
    %c0_i32 = arith.constant 0 : i32
    %c0_i32_0 = arith.constant 0 : i32
    return %c0_i32, %arg0 : i32, i32
  }
  func.func @transform_16(%arg0: i32) -> (i32, i32, i32) {
    %c0_i32 = arith.constant 0 : i32
    %c0_i32_0 = arith.constant 0 : i32
    %c0_i32_1 = arith.constant 0 : i32
    return %c0_i32, %arg0, %c0_i32_0 : i32, i32, i32
  }
}

module attributes {stable_mosaic.version = 14 : i64} {
  func.func @_mid_body(%arg0: i32, %arg1: memref<2x1024x128xf32, #tpu.memory_space<vmem>>, %arg2: memref<2x1024x32xf32, #tpu.memory_space<vmem>>, %arg3: memref<2x1024xf32, #tpu.memory_space<vmem>>, %arg4: memref<1x64xf32, #tpu.memory_space<vmem>>, %arg5: memref<64x64xf32, #tpu.memory_space<vmem>>, %arg6: memref<2x1024x32xf32, #tpu.memory_space<vmem>>) attributes {dimension_semantics = [#tpu.dimension_semantics<arbitrary>], iteration_bounds = array<i64: 49>, scalar_prefetch = 0 : i64, scratch_operands = 0 : i64, tpu.core_type = #tpu.core_type<tc>, window_params = [{transform_indices = @transform_0, window_bounds = array<i64: 2, 1024, 128>}, {transform_indices = @transform_1, window_bounds = array<i64: 2, 1024, 32>}, {transform_indices = @transform_2, window_bounds = array<i64: 2, 1024>}, {pipeline_mode = #tpu.pipeline_mode<synchronous>, transform_indices = @transform_3, window_bounds = array<i64: 1, 64>}, {pipeline_mode = #tpu.pipeline_mode<synchronous>, transform_indices = @transform_4, window_bounds = array<i64: 64, 64>}, {transform_indices = @transform_5, window_bounds = array<i64: 2, 1024, 32>}]} {
    %get3A = arith.constant 0 : index
    %get3A_0 = arith.constant 0 : index
    %get3A_1 = vector.load %arg3[%get3A, %get3A_0] : memref<2x1024xf32, #tpu.memory_space<vmem>>, vector<2x1024xf32>
    %slice3A = vector.extract_strided_slice %get3A_1 {offsets = [0, 0], sizes = [1, 1024], strides = [1, 1]} : vector<2x1024xf32> to vector<1x1024xf32>
    %squeeze3A = vector.shape_cast %slice3A : vector<1x1024xf32> to vector<1024xf32>
    %slice3A_2 = vector.extract_strided_slice %get3A_1 {offsets = [1, 0], sizes = [1, 1024], strides = [1, 1]} : vector<2x1024xf32> to vector<1x1024xf32>
    %squeeze3A_3 = vector.shape_cast %slice3A_2 : vector<1x1024xf32> to vector<1024xf32>
    %add3A = arith.addf %squeeze3A, %squeeze3A_3 : vector<1024xf32>
    %add3A_4 = arith.constant 1.000000e+00 : f32
    %add3A_5 = vector.broadcast %add3A_4 : f32 to vector<1024xf32>
    %add3A_6 = arith.addf %add3A, %add3A_5 : vector<1024xf32>
    %rsqrt3A = math.rsqrt %add3A_6 : vector<1024xf32>
    %broadcast_in_dim3A = vector.shape_cast %rsqrt3A : vector<1024xf32> to vector<1024x1xf32>
    %get3A_7 = arith.constant 0 : index
    %get3A_8 = arith.constant 0 : index
    %get3A_9 = arith.constant 0 : index
    %get3A_10 = vector.load %arg1[%get3A_7, %get3A_8, %get3A_9] : memref<2x1024x128xf32, #tpu.memory_space<vmem>>, vector<1x1024x32xf32>
    %get3A_11 = vector.shape_cast %get3A_10 : vector<1x1024x32xf32> to vector<1024x32xf32>
    %get3A_12 = arith.constant 1 : index
    %get3A_13 = arith.constant 0 : index
    %get3A_14 = arith.constant 0 : index
    %get3A_15 = vector.load %arg1[%get3A_12, %get3A_13, %get3A_14] : memref<2x1024x128xf32, #tpu.memory_space<vmem>>, vector<1x1024x32xf32>
    %get3A_16 = vector.shape_cast %get3A_15 : vector<1x1024x32xf32> to vector<1024x32xf32>
    %concatenate3A = tpu.concatenate %get3A_11, %get3A_16 in 1 : vector<1024x32xf32>, vector<1024x32xf32> -> vector<1024x64xf32>
    %get3A_17 = arith.constant 0 : index
    %get3A_18 = arith.constant 0 : index
    %get3A_19 = arith.constant 0 : index
    %get3A_20 = vector.load %arg2[%get3A_17, %get3A_18, %get3A_19] : memref<2x1024x32xf32, #tpu.memory_space<vmem>>, vector<1x1024x32xf32>
    %get3A_21 = vector.shape_cast %get3A_20 : vector<1x1024x32xf32> to vector<1024x32xf32>
    %get3A_22 = arith.constant 1 : index
    %get3A_23 = arith.constant 0 : index
    %get3A_24 = arith.constant 0 : index
    %get3A_25 = vector.load %arg2[%get3A_22, %get3A_23, %get3A_24] : memref<2x1024x32xf32, #tpu.memory_space<vmem>>, vector<1x1024x32xf32>
    %get3A_26 = vector.shape_cast %get3A_25 : vector<1x1024x32xf32> to vector<1024x32xf32>
    %concatenate3A_27 = tpu.concatenate %get3A_21, %get3A_26 in 1 : vector<1024x32xf32>, vector<1024x32xf32> -> vector<1024x64xf32>
    %add3A_28 = arith.addf %concatenate3A, %concatenate3A_27 : vector<1024x64xf32>
    %mul3A = vector.broadcast %broadcast_in_dim3A : vector<1024x1xf32> to vector<1024x64xf32>
    %mul3A_29 = arith.mulf %mul3A, %add3A_28 : vector<1024x64xf32>
    %get3A_30 = arith.constant 0 : index
    %get3A_31 = arith.constant 0 : index
    %get3A_32 = vector.load %arg4[%get3A_30, %get3A_31] : memref<1x64xf32, #tpu.memory_space<vmem>>, vector<1x64xf32>
    %add3A_33 = vector.broadcast %get3A_32 : vector<1x64xf32> to vector<1024x64xf32>
    %add3A_34 = arith.addf %mul3A_29, %add3A_33 : vector<1024x64xf32>
    %get3A_35 = arith.constant 0 : index
    %get3A_36 = arith.constant 0 : index
    %get3A_37 = vector.load %arg5[%get3A_35, %get3A_36] : memref<64x64xf32, #tpu.memory_space<vmem>>, vector<64x64xf32>
    %dot_general3A = arith.constant dense<0.000000e+00> : vector<1024x64xf32>
    %dot_general3A_38 = tpu.matmul %add3A_34, %get3A_37, %dot_general3A {dimension_numbers = #tpu.dot_dimension_numbers<[1], [0], [0], [1], [0, 0, 1, 1], [], []>, transpose_lhs_hint = false} : vector<1024x64xf32>, vector<64x64xf32>, vector<1024x64xf32> -> vector<1024x64xf32>
    %mul3A_39 = vector.broadcast %broadcast_in_dim3A : vector<1024x1xf32> to vector<1024x64xf32>
    %mul3A_40 = arith.mulf %mul3A_39, %dot_general3A_38 : vector<1024x64xf32>
    %slice3A_41 = vector.extract_strided_slice %mul3A_40 {offsets = [0, 0], sizes = [1024, 32], strides = [1, 1]} : vector<1024x64xf32> to vector<1024x32xf32>
    %swap3A = arith.constant 0 : index
    %swap3A_42 = arith.constant 0 : index
    %swap3A_43 = arith.constant 0 : index
    %swap3A_44 = vector.load %arg6[%swap3A, %swap3A_42, %swap3A_43] : memref<2x1024x32xf32, #tpu.memory_space<vmem>>, vector<1x1024x32xf32>
    %swap3A_45 = vector.shape_cast %swap3A_44 : vector<1x1024x32xf32> to vector<1024x32xf32>
    %swap3A_46 = vector.shape_cast %slice3A_41 : vector<1024x32xf32> to vector<1x1024x32xf32>
    tpu.vector_store %arg6[%swap3A, %swap3A_42, %swap3A_43], %swap3A_46 {strides = array<i32>} : memref<2x1024x32xf32, #tpu.memory_space<vmem>>, vector<1x1024x32xf32>,
    %slice3A_47 = vector.extract_strided_slice %mul3A_40 {offsets = [0, 32], sizes = [1024, 32], strides = [1, 1]} : vector<1024x64xf32> to vector<1024x32xf32>
    %swap3A_48 = arith.constant 1 : index
    %swap3A_49 = arith.constant 0 : index
    %swap3A_50 = arith.constant 0 : index
    %swap3A_51 = vector.load %arg6[%swap3A_48, %swap3A_49, %swap3A_50] : memref<2x1024x32xf32, #tpu.memory_space<vmem>>, vector<1x1024x32xf32>
    %swap3A_52 = vector.shape_cast %swap3A_51 : vector<1x1024x32xf32> to vector<1024x32xf32>
    %swap3A_53 = vector.shape_cast %slice3A_47 : vector<1024x32xf32> to vector<1x1024x32xf32>
    tpu.vector_store %arg6[%swap3A_48, %swap3A_49, %swap3A_50], %swap3A_53 {strides = array<i32>} : memref<2x1024x32xf32, #tpu.memory_space<vmem>>, vector<1x1024x32xf32>,
    return
  }
  func.func @transform_0(%arg0: i32) -> (i32, i32, i32) {
    %c0_i32 = arith.constant 0 : i32
    %c0_i32_0 = arith.constant 0 : i32
    %c0_i32_1 = arith.constant 0 : i32
    return %c0_i32, %arg0, %c0_i32_0 : i32, i32, i32
  }
  func.func @transform_1(%arg0: i32) -> (i32, i32, i32) {
    %c0_i32 = arith.constant 0 : i32
    %c0_i32_0 = arith.constant 0 : i32
    %c0_i32_1 = arith.constant 0 : i32
    return %c0_i32, %arg0, %c0_i32_0 : i32, i32, i32
  }
  func.func @transform_2(%arg0: i32) -> (i32, i32) {
    %c0_i32 = arith.constant 0 : i32
    %c0_i32_0 = arith.constant 0 : i32
    return %c0_i32, %arg0 : i32, i32
  }
  func.func @transform_3(%arg0: i32) -> (i32, i32) {
    %c0_i32 = arith.constant 0 : i32
    %c0_i32_0 = arith.constant 0 : i32
    %c0_i32_1 = arith.constant 0 : i32
    return %c0_i32, %c0_i32_0 : i32, i32
  }
  func.func @transform_4(%arg0: i32) -> (i32, i32) {
    %c0_i32 = arith.constant 0 : i32
    %c0_i32_0 = arith.constant 0 : i32
    %c0_i32_1 = arith.constant 0 : i32
    return %c0_i32, %c0_i32_0 : i32, i32
  }
  func.func @transform_5(%arg0: i32) -> (i32, i32, i32) {
    %c0_i32 = arith.constant 0 : i32
    %c0_i32_0 = arith.constant 0 : i32
    %c0_i32_1 = arith.constant 0 : i32
    return %c0_i32, %arg0, %c0_i32_0 : i32, i32, i32
  }
}

module attributes {stable_mosaic.version = 14 : i64} {
  func.func @_post_body(%arg0: i32, %arg1: memref<2x1024x128xf32, #tpu.memory_space<vmem>>, %arg2: memref<2x1024x32xf32, #tpu.memory_space<vmem>>, %arg3: memref<2x1024xf32, #tpu.memory_space<vmem>>, %arg4: memref<1x64xf32, #tpu.memory_space<vmem>>, %arg5: memref<64x64xf32, #tpu.memory_space<vmem>>, %arg6: memref<1x64xf32, #tpu.memory_space<vmem>>, %arg7: memref<64x2xf32, #tpu.memory_space<vmem>>, %arg8: memref<1x2xf32, #tpu.memory_space<vmem>>, %arg9: memref<1024x2xf32, #tpu.memory_space<vmem>>) attributes {dimension_semantics = [#tpu.dimension_semantics<arbitrary>], iteration_bounds = array<i64: 49>, scalar_prefetch = 0 : i64, scratch_operands = 0 : i64, tpu.core_type = #tpu.core_type<tc>, window_params = [{transform_indices = @transform_0, window_bounds = array<i64: 2, 1024, 128>}, {transform_indices = @transform_1, window_bounds = array<i64: 2, 1024, 32>}, {transform_indices = @transform_2, window_bounds = array<i64: 2, 1024>}, {pipeline_mode = #tpu.pipeline_mode<synchronous>, transform_indices = @transform_3, window_bounds = array<i64: 1, 64>}, {pipeline_mode = #tpu.pipeline_mode<synchronous>, transform_indices = @transform_4, window_bounds = array<i64: 64, 64>}, {pipeline_mode = #tpu.pipeline_mode<synchronous>, transform_indices = @transform_5, window_bounds = array<i64: 1, 64>}, {pipeline_mode = #tpu.pipeline_mode<synchronous>, transform_indices = @transform_6, window_bounds = array<i64: 64, 2>}, {pipeline_mode = #tpu.pipeline_mode<synchronous>, transform_indices = @transform_7, window_bounds = array<i64: 1, 2>}, {transform_indices = @transform_8, window_bounds = array<i64: 1024, 2>}]} {
    %get3A = arith.constant 0 : index
    %get3A_0 = arith.constant 0 : index
    %get3A_1 = vector.load %arg3[%get3A, %get3A_0] : memref<2x1024xf32, #tpu.memory_space<vmem>>, vector<2x1024xf32>
    %slice3A = vector.extract_strided_slice %get3A_1 {offsets = [0, 0], sizes = [1, 1024], strides = [1, 1]} : vector<2x1024xf32> to vector<1x1024xf32>
    %squeeze3A = vector.shape_cast %slice3A : vector<1x1024xf32> to vector<1024xf32>
    %slice3A_2 = vector.extract_strided_slice %get3A_1 {offsets = [1, 0], sizes = [1, 1024], strides = [1, 1]} : vector<2x1024xf32> to vector<1x1024xf32>
    %squeeze3A_3 = vector.shape_cast %slice3A_2 : vector<1x1024xf32> to vector<1024xf32>
    %add3A = arith.addf %squeeze3A, %squeeze3A_3 : vector<1024xf32>
    %add3A_4 = arith.constant 1.000000e+00 : f32
    %add3A_5 = vector.broadcast %add3A_4 : f32 to vector<1024xf32>
    %add3A_6 = arith.addf %add3A, %add3A_5 : vector<1024xf32>
    %rsqrt3A = math.rsqrt %add3A_6 : vector<1024xf32>
    %broadcast_in_dim3A = vector.shape_cast %rsqrt3A : vector<1024xf32> to vector<1024x1xf32>
    %get3A_7 = arith.constant 0 : index
    %get3A_8 = arith.constant 0 : index
    %get3A_9 = arith.constant 0 : index
    %get3A_10 = vector.load %arg1[%get3A_7, %get3A_8, %get3A_9] : memref<2x1024x128xf32, #tpu.memory_space<vmem>>, vector<1x1024x32xf32>
    %get3A_11 = vector.shape_cast %get3A_10 : vector<1x1024x32xf32> to vector<1024x32xf32>
    %get3A_12 = arith.constant 1 : index
    %get3A_13 = arith.constant 0 : index
    %get3A_14 = arith.constant 0 : index
    %get3A_15 = vector.load %arg1[%get3A_12, %get3A_13, %get3A_14] : memref<2x1024x128xf32, #tpu.memory_space<vmem>>, vector<1x1024x32xf32>
    %get3A_16 = vector.shape_cast %get3A_15 : vector<1x1024x32xf32> to vector<1024x32xf32>
    %concatenate3A = tpu.concatenate %get3A_11, %get3A_16 in 1 : vector<1024x32xf32>, vector<1024x32xf32> -> vector<1024x64xf32>
    %get3A_17 = arith.constant 0 : index
    %get3A_18 = arith.constant 0 : index
    %get3A_19 = arith.constant 0 : index
    %get3A_20 = vector.load %arg2[%get3A_17, %get3A_18, %get3A_19] : memref<2x1024x32xf32, #tpu.memory_space<vmem>>, vector<1x1024x32xf32>
    %get3A_21 = vector.shape_cast %get3A_20 : vector<1x1024x32xf32> to vector<1024x32xf32>
    %get3A_22 = arith.constant 1 : index
    %get3A_23 = arith.constant 0 : index
    %get3A_24 = arith.constant 0 : index
    %get3A_25 = vector.load %arg2[%get3A_22, %get3A_23, %get3A_24] : memref<2x1024x32xf32, #tpu.memory_space<vmem>>, vector<1x1024x32xf32>
    %get3A_26 = vector.shape_cast %get3A_25 : vector<1x1024x32xf32> to vector<1024x32xf32>
    %concatenate3A_27 = tpu.concatenate %get3A_21, %get3A_26 in 1 : vector<1024x32xf32>, vector<1024x32xf32> -> vector<1024x64xf32>
    %add3A_28 = arith.addf %concatenate3A, %concatenate3A_27 : vector<1024x64xf32>
    %mul3A = vector.broadcast %broadcast_in_dim3A : vector<1024x1xf32> to vector<1024x64xf32>
    %mul3A_29 = arith.mulf %mul3A, %add3A_28 : vector<1024x64xf32>
    %get3A_30 = arith.constant 0 : index
    %get3A_31 = arith.constant 0 : index
    %get3A_32 = vector.load %arg4[%get3A_30, %get3A_31] : memref<1x64xf32, #tpu.memory_space<vmem>>, vector<1x64xf32>
    %add3A_33 = vector.broadcast %get3A_32 : vector<1x64xf32> to vector<1024x64xf32>
    %add3A_34 = arith.addf %mul3A_29, %add3A_33 : vector<1024x64xf32>
    %get3A_35 = arith.constant 0 : index
    %get3A_36 = arith.constant 0 : index
    %get3A_37 = vector.load %arg5[%get3A_35, %get3A_36] : memref<64x64xf32, #tpu.memory_space<vmem>>, vector<64x64xf32>
    %dot_general3A = arith.constant dense<0.000000e+00> : vector<1024x64xf32>
    %dot_general3A_38 = tpu.matmul %add3A_34, %get3A_37, %dot_general3A {dimension_numbers = #tpu.dot_dimension_numbers<[1], [0], [0], [1], [0, 0, 1, 1], [], []>, transpose_lhs_hint = false} : vector<1024x64xf32>, vector<64x64xf32>, vector<1024x64xf32> -> vector<1024x64xf32>
    %get3A_39 = arith.constant 0 : index
    %get3A_40 = arith.constant 0 : index
    %get3A_41 = vector.load %arg6[%get3A_39, %get3A_40] : memref<1x64xf32, #tpu.memory_space<vmem>>, vector<1x64xf32>
    %add3A_42 = vector.broadcast %get3A_41 : vector<1x64xf32> to vector<1024x64xf32>
    %add3A_43 = arith.addf %dot_general3A_38, %add3A_42 : vector<1024x64xf32>
    %ge3A = arith.constant 0.000000e+00 : f32
    %ge3A_44 = vector.broadcast %ge3A : f32 to vector<1024x64xf32>
    %ge3A_45 = arith.cmpf oge, %add3A_43, %ge3A_44 : vector<1024x64xf32>
    %mul3A_46 = arith.constant 0.00999999977 : f32
    %mul3A_47 = vector.broadcast %mul3A_46 : f32 to vector<1024x64xf32>
    %mul3A_48 = arith.mulf %mul3A_47, %add3A_43 : vector<1024x64xf32>
    %select_n3A = arith.select %ge3A_45, %add3A_43, %mul3A_48 : vector<1024x64xi1>, vector<1024x64xf32>
    %get3A_49 = arith.constant 0 : index
    %get3A_50 = arith.constant 0 : index
    %get3A_51 = vector.load %arg7[%get3A_49, %get3A_50] : memref<64x2xf32, #tpu.memory_space<vmem>>, vector<64x2xf32>
    %dot_general3A_52 = arith.constant dense<0.000000e+00> : vector<1024x2xf32>
    %dot_general3A_53 = tpu.matmul %select_n3A, %get3A_51, %dot_general3A_52 {dimension_numbers = #tpu.dot_dimension_numbers<[1], [0], [0], [1], [0, 0, 1, 1], [], []>, transpose_lhs_hint = false} : vector<1024x64xf32>, vector<64x2xf32>, vector<1024x2xf32> -> vector<1024x2xf32>
    %get3A_54 = arith.constant 0 : index
    %get3A_55 = arith.constant 0 : index
    %get3A_56 = vector.load %arg8[%get3A_54, %get3A_55] : memref<1x2xf32, #tpu.memory_space<vmem>>, vector<1x2xf32>
    %add3A_57 = vector.broadcast %get3A_56 : vector<1x2xf32> to vector<1024x2xf32>
    %add3A_58 = arith.addf %dot_general3A_53, %add3A_57 : vector<1024x2xf32>
    %swap3A = arith.constant 0 : index
    %swap3A_59 = arith.constant 0 : index
    %swap3A_60 = vector.load %arg9[%swap3A, %swap3A_59] : memref<1024x2xf32, #tpu.memory_space<vmem>>, vector<1024x2xf32>
    tpu.vector_store %arg9[%swap3A, %swap3A_59], %add3A_58 {strides = array<i32>} : memref<1024x2xf32, #tpu.memory_space<vmem>>, vector<1024x2xf32>,
    return
  }
  func.func @transform_0(%arg0: i32) -> (i32, i32, i32) {
    %c0_i32 = arith.constant 0 : i32
    %c0_i32_0 = arith.constant 0 : i32
    %c0_i32_1 = arith.constant 0 : i32
    return %c0_i32, %arg0, %c0_i32_0 : i32, i32, i32
  }
  func.func @transform_1(%arg0: i32) -> (i32, i32, i32) {
    %c0_i32 = arith.constant 0 : i32
    %c0_i32_0 = arith.constant 0 : i32
    %c0_i32_1 = arith.constant 0 : i32
    return %c0_i32, %arg0, %c0_i32_0 : i32, i32, i32
  }
  func.func @transform_2(%arg0: i32) -> (i32, i32) {
    %c0_i32 = arith.constant 0 : i32
    %c0_i32_0 = arith.constant 0 : i32
    return %c0_i32, %arg0 : i32, i32
  }
  func.func @transform_3(%arg0: i32) -> (i32, i32) {
    %c0_i32 = arith.constant 0 : i32
    %c0_i32_0 = arith.constant 0 : i32
    %c0_i32_1 = arith.constant 0 : i32
    return %c0_i32, %c0_i32_0 : i32, i32
  }
  func.func @transform_4(%arg0: i32) -> (i32, i32) {
    %c0_i32 = arith.constant 0 : i32
    %c0_i32_0 = arith.constant 0 : i32
    %c0_i32_1 = arith.constant 0 : i32
    return %c0_i32, %c0_i32_0 : i32, i32
  }
  func.func @transform_5(%arg0: i32) -> (i32, i32) {
    %c0_i32 = arith.constant 0 : i32
    %c0_i32_0 = arith.constant 0 : i32
    %c0_i32_1 = arith.constant 0 : i32
    return %c0_i32, %c0_i32_0 : i32, i32
  }
  func.func @transform_6(%arg0: i32) -> (i32, i32) {
    %c0_i32 = arith.constant 0 : i32
    %c0_i32_0 = arith.constant 0 : i32
    %c0_i32_1 = arith.constant 0 : i32
    return %c0_i32, %c0_i32_0 : i32, i32
  }
  func.func @transform_7(%arg0: i32) -> (i32, i32) {
    %c0_i32 = arith.constant 0 : i32
    %c0_i32_0 = arith.constant 0 : i32
    %c0_i32_1 = arith.constant 0 : i32
    return %c0_i32, %c0_i32_0 : i32, i32
  }
  func.func @transform_8(%arg0: i32) -> (i32, i32) {
    %c0_i32 = arith.constant 0 : i32
    %c0_i32_0 = arith.constant 0 : i32
    return %arg0, %c0_i32 : i32, i32
  }
}

</mosaic_0001>

<sc_bundles>
// kernel: kernel.11.cloned.1.call-start
scs
__scs_entry_jumppad:
0x0: {  	(pc) =	sbr.rel $0x88, $3  }
0x1: {  	(tag) =	ssettag $0x0;
	lr =	simm.s32 $0x1  }
0x2: {  	[smem:$0x3F8A] =	sst lr;
	_ =	strace $0xD0000000  }
0x3: {  	_ = 	snop  }
0x4: {  	_ = 	snop  }
0x5: {  	_ = 	snop  }
0x6: {  	_ = 	snop  }
0x7: {  	_ = 	snop  }
__scs_overlays_trampoline_lowered:
0x8: {  	[smem:$0x3F99] =	sst s0  }
0x9: {  	[smem:$0x3F9A] =	sst s1  }
0xa: {  	[smem:$0x3F9B] =	sst s2  }
0xb: {  	[smem:$0x3F9C] =	sst s3  }
0xc: {  	[smem:$0x3F9D] =	sst s4  }
0xd: {  	[smem:$0x3F9E] =	sst s5  }
0xe: {  	[smem:$0x3F9F] =	sst s6  }
0xf: {  	[smem:$0x3FA0] =	sst s7  }
0x10: {  	[smem:$0x3FA1] =	sst s8  }
0x11: {  	[smem:$0x3FA2] =	sst s9;
	s0 =	simm.s32 @!p0 $0x0  }
0x12: {  	s1 =	sld [smem:$0x3F88];
	s0 =	simm.s32 @p0 $0x1  }
0x13: {  	[smem:$0x3FA3] =	sst s0;
	s0 =	simm.s32 @!p1 $0x0  }
0x14: {  	s2 =	sld [smem:$0x3F87];
	s0 =	simm.s32 @p1 $0x1  }
0x15: {  	[smem:$0x3FA4] =	sst s0;
	s0 =	simm.s32 @!p2 $0x0  }
0x16: {  	s3 =	sld [smem:$0x3FDB];
	s0 =	simm.s32 @p2 $0x1  }
0x17: {  	s4 =	simm.s32 $0x1BF5;
	[smem:$0x3FA6] =	sst s0  }
0x18: {  	s0 =	sld [smem:$0x3F89];
	_ =	swait.ge [sflag:s4], $0x0  }
0x19: {  	s7 =	sld [smem:$0x3F8A]  }
0x1a: {  	s8 =	sadd.s32 $0xFFFFE003, lr  }
0x1b: {  	s9 =	sadd.s32 $0xFFFFFEF7, lr;
	s5 =	simm.s32 $0xFFFFFFFF;
	p2 =	slt.u32 s8, $0xFFFFF086  }
0x1c: {  	p1 =	slt.u32 s9, $0xF7A;
	s5 =	simm.s32 @!p2 $0x0  }
0x1d: {  	s5 =	simm.s32 @p1 $0x1;
	p0 =	seq.s32 s7, s2  }
0x1e: {  	s7 =	smul.u32 @!p0 $0xF7A, s2;
	p2 =	seq.s32 @!p0 s5, $0x0  }
0x1f: {  	s9 =	smul.u32 $0xF7A, s1;
	s8 =	simm.s32 @!p0 $0x1BF5;
	p2 =	por !p2, p0  }
0x20: {  	[sflag:s8] =	ssyncset.s32 @!p0 $0xFFFFF086;
	s6 =	sadd.s32 @!p0 s3, s7;
	s7 =	simm.s32 @!p0 $0x108  }
0x21: {  	s3 =	sadd.s32 s3, s9;
	s6 =	sadd.s32 @!p0 $0x88, s6;
	s7 =	simm.s32 @p2 $0x1082  }
0x22: {  	[simem:s7], [sflag:s8] =	dma.local @!p0 [hbm:s6], $0xF7A  }
0x23: {  	s9 =	sor.u32 $0xD0000000, s2;
	s6 =	simm.s32 $0x108;
	_ =	swait.ge @!p0 [sflag:s8], $0x0  }
0x24: {  	s3 =	sadd.s32 $0x88, s3;
	s6 =	simm.s32 @!p1 $0x1082;
	[sflag:s4] =	ssyncset.s32 $0xFFFFF086  }
0x25: {  	[simem:s6], [sflag:s4] =	dma.local [hbm:s3], $0xF7A  }
0x26: {  	[smem:$0x3F8A] =	sst s1;
	(tag) =	ssettag s2;
	_ =	strace s9  }
0x27: {  	s1 =	sld [smem:$0x3F9A]  }
0x28: {  	s2 =	sld [smem:$0x3F9B]  }
0x29: {  	s4 =	sld [smem:$0x3F9D]  }
0x2a: {  	p0 =	seq.s32 s5, $0x0;
	s5 =	sld [smem:$0x3F9E]  }
0x2b: {  	s6 =	sld [smem:$0x3F9F]  }
0x2c: {  	s7 =	sld [smem:$0x3FA0]  }
0x2d: {  	s3 =	simm.s32 $0x108;
	s8 =	sld [smem:$0x3FA1]  }
0x2e: {  	s3 =	simm.s32 @!p0 $0x1082;
	s9 =	sld [smem:$0x3FA2]  }
0x2f: {  	lr =	sadd.s32 s0, s3;
	s0 =	sld [smem:$0x3F99]  }
0x30: {  	s3 =	sld [smem:$0x3F9C]  }
0x31: {  	[smem:$0x3FA5] =	sst s10  }
0x32: {  	s10 =	sld [smem:$0x3FA3];
	_ =	sdelay $0x3  }
0x33: {  	p0 =	seq.s32 s10, $0x1;
	s10 =	sld [smem:$0x3FA5];
	_ =	sdelay $0x3  }
0x34: {  	[smem:$0x3FA5] =	sst s10  }
0x35: {  	s10 =	sld [smem:$0x3FA4];
	_ =	sdelay $0x3  }
0x36: {  	p1 =	seq.s32 s10, $0x1;
	s10 =	sld [smem:$0x3FA5];
	_ =	sdelay $0x3  }
0x37: {  	[smem:$0x3FA5] =	sst s10  }
0x38: {  	s10 =	sld [smem:$0x3FA6]  }
0x39: {  	_ = 	snop;
	(pc) =	sbr.ind lr, $3  }
0x3a: {  	_ = 	snop  }
0x3b: {  	_ = 	snop  }
0x3c: {  	p2 =	seq.s32 s10, $0x1;
	s10 =	sld [smem:$0x3FA5]  }
0x3d: {  	_ =	shalt  }
0x3e: {  	_ =	shalt  }
0x3f: {  	_ =	shalt  }
0x40: {  	_ =	shalt  }
0x41: {  	_ =	shalt  }
0x42: {  	_ =	shalt  }
0x43: {  	_ =	shalt  }
0x44: {  	_ =	shalt  }
0x45: {  	_ =	shalt  }
0x46: {  	_ =	shalt  }
0x47: {  	_ =	shalt  }
0x48: {  	_ =	shalt  }
0x49: {  	_ =	shalt  }
0x4a: {  	_ =	shalt  }
0x4b: {  	_ =	shalt  }
0x4c: {  	_ =	shalt  }
0x4d: {  	_ =	shalt  }
0x4e: {  	_ =	shalt  }
0x4f: {  	_ =	shalt  }
0x50: {  	_ =	shalt  }
0x51: {  	_ =	shalt  }
0x52: {  	_ =	shalt  }
0x53: {  	_ =	shalt  }
0x54: {  	_ =	shalt  }
0x55: {  	_ =	shalt  }
0x56: {  	_ =	shalt  }
0x57: {  	_ =	shalt  }
0x58: {  	_ =	shalt  }
0x59: {  	_ =	shalt  }
0x5a: {  	_ =	shalt  }
0x5b: {  	_ =	shalt  }
0x5c: {  	_ =	shalt  }
0x5d: {  	_ =	shalt  }
0x5e: {  	_ =	shalt  }
0x5f: {  	_ =	shalt  }
0x60: {  	_ =	shalt  }
0x61: {  	_ =	shalt  }
0x62: {  	_ =	shalt  }
0x63: {  	_ =	shalt  }
0x64: {  	_ =	shalt  }
0x65: {  	_ =	shalt  }
0x66: {  	_ =	shalt  }
0x67: {  	_ =	shalt  }
0x68: {  	_ =	shalt  }
0x69: {  	_ =	shalt  }
0x6a: {  	_ =	shalt  }
0x6b: {  	_ =	shalt  }
0x6c: {  	_ =	shalt  }
0x6d: {  	_ =	shalt  }
0x6e: {  	_ =	shalt  }
0x6f: {  	_ =	shalt  }
0x70: {  	_ =	shalt  }
0x71: {  	_ =	shalt  }
0x72: {  	_ =	shalt  }
0x73: {  	_ =	shalt  }
0x74: {  	_ =	shalt  }
0x75: {  	_ =	shalt  }
0x76: {  	_ =	shalt  }
0x77: {  	_ =	shalt  }
0x78: {  	_ =	shalt  }
0x79: {  	_ =	shalt  }
0x7a: {  	_ =	shalt  }
0x7b: {  	_ =	shalt  }
0x7c: {  	_ =	shalt  }
0x7d: {  	_ =	shalt  }
0x7e: {  	_ =	shalt  }
0x7f: {  	_ =	shalt  }
0x80: {  	_ =	shalt  }
0x81: {  	_ =	shalt  }
0x82: {  	_ =	shalt  }
0x83: {  	_ =	shalt  }
0x84: {  	_ =	shalt  }
0x85: {  	_ =	shalt  }
0x86: {  	_ =	shalt  }
0x87: {  	_ =	shalt  }
.Lfunc_end0:
.L_simem_size_0:
called_computation.1_lowered:
.L_overlay_start_0:
0x88: {  	s2 =	sld [smem:$0x3FD9]  }
0x89: {  	s3 =	sld [smem:$0x3FFE];
	_ =	sdelay $0x1  }
0x8a: {  	s1 =	srdreg.scid  }
0x8b: {  	s0 =	sand.u32 $0x1, s1  }
0x8c: {  	s16 =	sshll.u32 s0, $0xA;
	s2 =	sadd.s32 s3, s2  }
0x8d: {  	s2 =	sadd.s32 s2, s16  }
0x8e: {  	[smem:$0x3FB1] =	sst s2  }
0x8f: {  	_ = 	snop  }
0x90: {  	(tm) =	ssettm $0x1  }
0x91: {  	s17 =	sld [smem:$0x3FFB];
	_ =	sdelay $0x3  }
0x92: {  	_ =	strace s17  }
0x93: {  	s2 =	sld [smem:$0x3FFC];
	_ =	sdelay $0x3  }
0x94: {  	_ =	strace s2  }
0x95: {  	s2 =	sld [smem:$0x3FFD];
	_ =	sdelay $0x3  }
0x96: {  	_ =	strace s2  }
0x97: {  	_ =	strace $0x8FFFFFFF  }
0x98: {  	s18 =	sld [smem:$0x3FDB];
	_ =	sdelay $0x1  }
0x99: {  	s19 =	simm.s32 $_scs_section_size  }
0x9a: {  	s4 =	simm.s32 $_size__tile_overlayer_lowered;
	s5 =	simm.s32 $_tile_overlayer_lowered  }
0x9b: {  	s22 =	simm.s32 $0x1BFF;
	s21 =	sshll.u32 s5, $0x1;
	s2 =	sadd.s32 s19, s18  }
0x9c: {  	s6 =	simm.s32 $0x0;
	s20 =	sshll.u32 s4, $0x1;
	s4 =	sadd.s32 s21, s2  }
0x9d: {  	[timem:s6], [sflag:s22] =	dma.local [hbm:s4], s20  }
0x9e: {  	_ =	swait.ge [sflag:s22], s20  }
0x9f: {  	s3 =	ssub.s32 $0x0, s20;
	[sflag:s22] =	ssyncset.done $0x0  }
0xa0: {  	[sflag:s22] =	ssyncadd.s32 s3;
	_ =	sdelay $0x1  }
0xa1: {  	s23 =	simm.s32 $0x1B8B  }
0xa2: {  	_ =	swait.ge [sflag:s23], $0x1  }
0xa3: {  	[sflag:s23] =	ssyncset.done $0x0  }
0xa4: {  	s25 =	simm.s32 $0x1B8E;
	s24 =	sld [smem:$0x3FFE];
	[sflag:s23] =	ssyncadd.s32 $0xFFFFFFFF  }
0xa5: {  	s26 =	simm.s32 $execute0_lowered;
	[smem:$0x3FD2] =	sst s25  }
0xa6: {  	s4 =	sshll.u32 s26, $0x1;
	_ =	strace $0x80000049;
	[dreg:$0x1] =	wrdreg $0xFFFFFFFF  }
0xa7: {  	s28 =	simm.s32 $_size_execute0_lowered;
	s2 =	sadd.s32 s2, s4;
	[dreg:$0x0] =	wrdreg $0x0  }
0xa8: {  	s4 =	sshll.u32 s28, $0x1;
	[dreg:$0x2] =	wrdreg s2  }
0xa9: {  	[dreg:$0x3] =	wrdreg s4  }
0xaa: {  	[dreg:$0x4] =	wrdreg $0xC0  }
0xab: {  	_ =	task [dreg:s6], $0x5FFFF  }
0xac: {  	[dreg:$0x1] =	wrdreg $0xFFFFFFFF  }
0xad: {  	[dreg:$0x0] =	wrdreg $0x60  }
0xae: {  	[dreg:$0x2] =	wrdreg s24  }
0xaf: {  	[dreg:$0x3] =	wrdreg $0x0  }
0xb0: {  	[dreg:$0x4] =	wrdreg $0x9  }
0xb1: {  	_ =	task.clear_ibuf [dreg:s6], $0x5FFFF;
	_ =	strace $0x90000049  }
0xb2: {  	s29 =	simm.s32 $0x9;
	_ =	strace $0x8000004B  }
0xb3: {  	_ =	swait.ge [sflag:s29], $0x1  }
0xb4: {  	[sflag:s29] =	ssyncadd.s32 $0xFFFFFFFF  }
0xb5: {  	_ =	strace $0x9000004B  }
0xb6: {  	_ =	sfence  }
0xb7: {  	s30 =	sld [smem:$0x0];
	_ =	sdelay $0x2  }
0xb8: {  	s31 =	sshll.u32 s1, $0xD;
	s1 =	sshrl.u32 s1, $0x2  }
0xb9: {  	s3 =	sand.u32 $0x4000, s31;
	s1 =	sadd.s32 s1, s30  }
0xba: {  	s0 =	sor.u32 s3, s0;
	s1 =	sshll.u32 s1, $0x11  }
0xbb: {  	s0 =	sor.u32 s1, s0  }
0xbc: {  	s0 =	sadd.s32 $0x8F2B, s0  }
0xbd: {  	[sflag:s0] =	ssyncadd.remote.s32 $0x1  }
0xbe: {  	_ =	sfence.sel $0xFFFF  }
0xbf: {  	[dreg:$0x0] =	wrdreg $0xFFFFFFFF;
	(pc) =	sbr.abs _section_cstart, $3  }
0xc0: {  	[dreg:$0x1] =	wrdreg $0xFFFFFFFF  }
0xc1: {  	_ =	task.clear_ibuf [dreg:s6], $0x2FFFF;
	_ =	strace $0x9FFFFFFF  }
0xc2: {  	(tm) =	ssettm $0x7FFFFFFF  }
0xc3: {  	_ =	shalt  }
tec
execute0_lowered:
.L_overlay_start_1:
0x0: {  	(tag) =	ssettag $0x1  }
0x1: {  	s7 =	stileid.u32  }
0x2: {  	s4 =	smul.u32 $0xC400, s7  }
0x3: {  	s0 =	srdreg.scid;
	s6 =	smul.u32 $0x1880, s7  }
0x4: {  	s0 =	sand.u32 $0x1, s0;
	s7 =	smul.u32 $0x64000, s7  }
0x5: {  	s1 =	rddreg [dreg:$0x0];
	s5 =	smul.u32 $0xC4000, s0  }
0x6: {  	s2 =	rddreg [dreg:$0x1];
	s3 =	simm.s32 $0x0;
	s17 =	smul.u32 $0x640000, s0  }
0x7: {  	[smem:$0x7FF] =	sst s3;
	s0 =	ssub.s32 $0x2, s0;
	s6 =	sadd.s32 s6, s1  }
0x8: {  	s9 =	sshrl.u32 s0, $0x1;
	s4 =	sadd.s32 s4, s5;
	s5 =	sadd.s32 s7, s17  }
0x9: {  	s7 =	sshrl.u32 s7, $0x2;
	s18 =	ssub.s32 s0, s9;
	s4 =	sshrl.u32 s4, $0x3  }
0xa: {  	s5 =	sshrl.u32 s5, $0x3;
	s16 =	smax.u32 s18, $0x1;
	s8 =	sadd.s32 s4, s1  }
0xb: {  	s4 =	sadd.s32 $0x3600, s1;
	s1 =	sadd.s32 s5, s1;
	s5 =	sadd.s32 s7, s2  }
0xc: {  	_ =	strace $0x8000004A;
	[dreg:$0x13] =	wrdreg s16;
	s19 =	sadd.s32 $0x1000, s5  }
0xd: {  	s20 =	sadd.s32 $0x2000, s5;
	[dreg:$0x3] =	wrdreg s19  }
0xe: {  	s21 =	sadd.s32 $0x3000, s5;
	[dreg:$0x4] =	wrdreg s20  }
0xf: {  	s22 =	sadd.s32 $0x4000, s5;
	[dreg:$0x5] =	wrdreg s21  }
0x10: {  	s23 =	sadd.s32 $0x5000, s5;
	[dreg:$0x6] =	wrdreg s22  }
0x11: {  	s24 =	sadd.s32 $0x6000, s5;
	[dreg:$0x7] =	wrdreg s23  }
0x12: {  	s25 =	sadd.s32 $0x7000, s5;
	[dreg:$0x8] =	wrdreg s24  }
0x13: {  	s26 =	sadd.s32 $0x8000, s5;
	[dreg:$0x9] =	wrdreg s25  }
0x14: {  	s31 =	sadd.s32 $0x9000, s5;
	[dreg:$0xa] =	wrdreg s26  }
0x15: {  	s9 =	sadd.s32 $0xA000, s5;
	[dreg:$0xb] =	wrdreg s31  }
0x16: {  	s10 =	sadd.s32 $0xB000, s5;
	[dreg:$0xc] =	wrdreg s9  }
0x17: {  	s11 =	sadd.s32 $0xC000, s5;
	[dreg:$0xd] =	wrdreg s10  }
0x18: {  	s12 =	sadd.s32 $0xD000, s5;
	[dreg:$0xe] =	wrdreg s11  }
0x19: {  	s28 =	simm.s32 $0x10;
	s13 =	sadd.s32 $0xE000, s5;
	[dreg:$0xf] =	wrdreg s12  }
0x1a: {  	s29 =	simm.s32 $0x4;
	s14 =	sadd.s32 $0xF000, s5;
	[dreg:$0x10] =	wrdreg s13  }
0x1b: {  	s30 =	simm.s32 $0x0;
	s15 =	sadd.s32 $0x10000, s5;
	[dreg:$0x11] =	wrdreg s14  }
0x1c: {  	s16 =	simm.s32 $0x19100;
	s17 =	sadd.s32 $0x11000, s5;
	[dreg:$0x12] =	wrdreg s15  }
0x1d: {  	s18 =	sadd.s32 $0x12000, s5;
	s22 =	sadd.s32 $0x1EF200, s6;
	[dreg:$0x14] =	wrdreg s17  }
0x1e: {  	s24 =	sadd.s32 $0x1BE200, s8;
	s25 =	sadd.s32 $0x38E400, s1;
	[dreg:$0x15] =	wrdreg s18  }
0x1f: {  	s19 =	sadd.s32 $0x13000, s5;
	s20 =	sadd.s32 $0x14000, s5;
	s21 =	sadd.s32 $0x15000, s5  }
0x20: {  	s23 =	sadd.s32 $0x16000, s5;
	s26 =	sadd.s32 $0x17000, s5;
	s31 =	sadd.s32 $0x18000, s5  }
0x21: {  	s8 =	simm.s32 $0x19400;
	s9 =	simm.s32 $0x2;
	[dreg:$0x16] =	wrdreg s19  }
0x22: {  	s10 =	simm.s32 $0x19000;
	s11 =	simm.s32 $0x3;
	[dreg:$0x17] =	wrdreg s20  }
0x23: {  	s12 =	simm.s32 $0x19200;
	s13 =	simm.s32 $0x80;
	[dreg:$0x18] =	wrdreg s21  }
0x24: {  	s14 =	simm.s32 $0x19080;
	s15 =	simm.s32 $0x1A400;
	[dreg:$0x19] =	wrdreg s23  }
0x25: {  	s17 =	simm.s32 $0x1B400;
	s18 =	simm.s32 $0x19180;
	[dreg:$0x1a] =	wrdreg s26  }
0x26: {  	[dreg:$0x1b] =	wrdreg s31;
	s19 =	simm.s32 $0x1C400;
	s20 =	simm.s32 $0x1  }
0x27: {  	v0 =	vimm.f32 $0.0e+00;
	s21 =	simm.s32 $0x19280;
	s23 =	simm.s32 $0x19300;
	s26 =	simm.s32 $0x19380  }
.LBB2_1:
0x28: {  	s1 =	simm.s32 $0x80;
	s6 =	simm.s32 $0x0  }
.LBB2_2:
0x29: {  	p0 =	sne.s32 s1, $0x3F80;
	[tilespmem:s6+$0x19400] =	vst v0;
	s31 =	smov.u32 s1;
	s1 =	sadd.s32 $0x80, s1  }
.Ltmp0:
0x2a: {  	[tilespmem:s6+$0x19410] =	vst v0;
	(pc) =	sbr.rel @p0 .LBB2_2-.Ltmp0, $2  }
0x2b: {  	_ =	sdelay $0x2  }
0x2c: {  	s6 =	sshra.s32 s31, $0x2  }
0x2d: {  	[tilespmem:s6+$0x19400] =	vst v0  }
0x2e: {  	[tilespmem:s6+$0x19410] =	vst v0  }
0x2f: {  	[spmem:s5] =	stream.linear.scatter [tilespmem:s8], [sflag:$0x2], $0x1000, $0x38;
	[tilespmem:$0x1D400] =	vst v63  }
0x30: {  	s0 =	rddreg [dreg:$0x3]  }
0x31: {  	[spmem:s0] =	stream.linear.scatter [tilespmem:s8], [sflag:$0x2], $0x1000, $0x38;
	[tilespmem:$0x1D400] =	vst v63  }
0x32: {  	s1 =	rddreg [dreg:$0x4]  }
0x33: {  	[spmem:s1] =	stream.linear.scatter [tilespmem:s8], [sflag:$0x2], $0x1000, $0x38;
	[tilespmem:$0x1D400] =	vst v63  }
0x34: {  	s6 =	rddreg [dreg:$0x5]  }
0x35: {  	[spmem:s6] =	stream.linear.scatter [tilespmem:s8], [sflag:$0x2], $0x1000, $0x38;
	[tilespmem:$0x1D400] =	vst v63  }
0x36: {  	s7 =	rddreg [dreg:$0x6]  }
0x37: {  	[spmem:s7] =	stream.linear.scatter [tilespmem:s8], [sflag:$0x2], $0x1000, $0x38;
	[tilespmem:$0x1D400] =	vst v63  }
0x38: {  	_ =	swait.ge [sflag:s9], $0x1000  }
0x39: {  	[sflag:s9] =	ssyncset.done $0x0  }
0x3a: {  	[sflag:s9] =	ssyncadd.s32 $0xFFFFF000  }
0x3b: {  	_ =	swait.ge [sflag:s9], $0x1000  }
0x3c: {  	[sflag:s9] =	ssyncset.done $0x0  }
0x3d: {  	[sflag:s9] =	ssyncadd.s32 $0xFFFFF000  }
0x3e: {  	_ =	swait.ge [sflag:s9], $0x1000  }
0x3f: {  	[sflag:s9] =	ssyncset.done $0x0  }
0x40: {  	[sflag:s9] =	ssyncadd.s32 $0xFFFFF000  }
0x41: {  	_ =	swait.ge [sflag:s9], $0x1000  }
0x42: {  	[sflag:s9] =	ssyncset.done $0x0  }
0x43: {  	[sflag:s9] =	ssyncadd.s32 $0xFFFFF000  }
0x44: {  	_ =	swait.ge [sflag:s9], $0x1000  }
0x45: {  	[sflag:s9] =	ssyncset.done $0x0  }
0x46: {  	s1 =	rddreg [dreg:$0x7];
	[sflag:s9] =	ssyncadd.s32 $0xFFFFF000  }
0x47: {  	[spmem:s1] =	stream.linear.scatter [tilespmem:s8], [sflag:$0x2], $0x1000, $0x38;
	[tilespmem:$0x1D400] =	vst v63  }
0x48: {  	s6 =	rddreg [dreg:$0x8]  }
0x49: {  	[spmem:s6] =	stream.linear.scatter [tilespmem:s8], [sflag:$0x2], $0x1000, $0x38;
	[tilespmem:$0x1D400] =	vst v63  }
0x4a: {  	s7 =	rddreg [dreg:$0x9]  }
0x4b: {  	[spmem:s7] =	stream.linear.scatter [tilespmem:s8], [sflag:$0x2], $0x1000, $0x38;
	[tilespmem:$0x1D400] =	vst v63  }
0x4c: {  	s1 =	rddreg [dreg:$0xa]  }
0x4d: {  	[spmem:s1] =	stream.linear.scatter [tilespmem:s8], [sflag:$0x2], $0x1000, $0x38;
	[tilespmem:$0x1D400] =	vst v63  }
0x4e: {  	s6 =	rddreg [dreg:$0xb]  }
0x4f: {  	[spmem:s6] =	stream.linear.scatter [tilespmem:s8], [sflag:$0x2], $0x1000, $0x38;
	[tilespmem:$0x1D400] =	vst v63  }
0x50: {  	_ =	swait.ge [sflag:s9], $0x1000  }
0x51: {  	[sflag:s9] =	ssyncset.done $0x0  }
0x52: {  	[sflag:s9] =	ssyncadd.s32 $0xFFFFF000  }
0x53: {  	_ =	swait.ge [sflag:s9], $0x1000  }
0x54: {  	[sflag:s9] =	ssyncset.done $0x0  }
0x55: {  	[sflag:s9] =	ssyncadd.s32 $0xFFFFF000  }
0x56: {  	_ =	swait.ge [sflag:s9], $0x1000  }
0x57: {  	[sflag:s9] =	ssyncset.done $0x0  }
0x58: {  	[sflag:s9] =	ssyncadd.s32 $0xFFFFF000  }
0x59: {  	_ =	swait.ge [sflag:s9], $0x1000  }
0x5a: {  	[sflag:s9] =	ssyncset.done $0x0  }
0x5b: {  	[sflag:s9] =	ssyncadd.s32 $0xFFFFF000  }
0x5c: {  	_ =	swait.ge [sflag:s9], $0x1000  }
0x5d: {  	[sflag:s9] =	ssyncset.done $0x0  }
0x5e: {  	s7 =	rddreg [dreg:$0xc];
	[sflag:s9] =	ssyncadd.s32 $0xFFFFF000  }
0x5f: {  	[spmem:s7] =	stream.linear.scatter [tilespmem:s8], [sflag:$0x2], $0x1000, $0x38;
	[tilespmem:$0x1D400] =	vst v63  }
0x60: {  	s1 =	rddreg [dreg:$0xd]  }
0x61: {  	[spmem:s1] =	stream.linear.scatter [tilespmem:s8], [sflag:$0x2], $0x1000, $0x38;
	[tilespmem:$0x1D400] =	vst v63  }
0x62: {  	s6 =	rddreg [dreg:$0xe]  }
0x63: {  	[spmem:s6] =	stream.linear.scatter [tilespmem:s8], [sflag:$0x2], $0x1000, $0x38;
	[tilespmem:$0x1D400] =	vst v63  }
0x64: {  	s7 =	rddreg [dreg:$0xf]  }
0x65: {  	[spmem:s7] =	stream.linear.scatter [tilespmem:s8], [sflag:$0x2], $0x1000, $0x38;
	[tilespmem:$0x1D400] =	vst v63  }
0x66: {  	s1 =	rddreg [dreg:$0x10]  }
0x67: {  	[spmem:s1] =	stream.linear.scatter [tilespmem:s8], [sflag:$0x2], $0x1000, $0x38;
	[tilespmem:$0x1D400] =	vst v63  }
0x68: {  	_ =	swait.ge [sflag:s9], $0x1000  }
0x69: {  	[sflag:s9] =	ssyncset.done $0x0  }
0x6a: {  	[sflag:s9] =	ssyncadd.s32 $0xFFFFF000  }
0x6b: {  	_ =	swait.ge [sflag:s9], $0x1000  }
0x6c: {  	[sflag:s9] =	ssyncset.done $0x0  }
0x6d: {  	[sflag:s9] =	ssyncadd.s32 $0xFFFFF000  }
0x6e: {  	_ =	swait.ge [sflag:s9], $0x1000  }
0x6f: {  	[sflag:s9] =	ssyncset.done $0x0  }
0x70: {  	[sflag:s9] =	ssyncadd.s32 $0xFFFFF000  }
0x71: {  	_ =	swait.ge [sflag:s9], $0x1000  }
0x72: {  	[sflag:s9] =	ssyncset.done $0x0  }
0x73: {  	[sflag:s9] =	ssyncadd.s32 $0xFFFFF000  }
0x74: {  	_ =	swait.ge [sflag:s9], $0x1000  }
0x75: {  	[sflag:s9] =	ssyncset.done $0x0  }
0x76: {  	s6 =	rddreg [dreg:$0x11];
	[sflag:s9] =	ssyncadd.s32 $0xFFFFF000  }
0x77: {  	[spmem:s6] =	stream.linear.scatter [tilespmem:s8], [sflag:$0x2], $0x1000, $0x38;
	[tilespmem:$0x1D400] =	vst v63  }
0x78: {  	s7 =	rddreg [dreg:$0x12]  }
0x79: {  	[spmem:s7] =	stream.linear.scatter [tilespmem:s8], [sflag:$0x2], $0x1000, $0x38;
	[tilespmem:$0x1D400] =	vst v63  }
0x7a: {  	s1 =	rddreg [dreg:$0x14]  }
0x7b: {  	[spmem:s1] =	stream.linear.scatter [tilespmem:s8], [sflag:$0x2], $0x1000, $0x38;
	[tilespmem:$0x1D400] =	vst v63  }
0x7c: {  	s6 =	rddreg [dreg:$0x15]  }
0x7d: {  	[spmem:s6] =	stream.linear.scatter [tilespmem:s8], [sflag:$0x2], $0x1000, $0x38;
	[tilespmem:$0x1D400] =	vst v63  }
0x7e: {  	s7 =	rddreg [dreg:$0x16]  }
0x7f: {  	[spmem:s7] =	stream.linear.scatter [tilespmem:s8], [sflag:$0x2], $0x1000, $0x38;
	[tilespmem:$0x1D400] =	vst v63  }
0x80: {  	_ =	swait.ge [sflag:s9], $0x1000  }
0x81: {  	[sflag:s9] =	ssyncset.done $0x0  }
0x82: {  	[sflag:s9] =	ssyncadd.s32 $0xFFFFF000  }
0x83: {  	_ =	swait.ge [sflag:s9], $0x1000  }
0x84: {  	[sflag:s9] =	ssyncset.done $0x0  }
0x85: {  	[sflag:s9] =	ssyncadd.s32 $0xFFFFF000  }
0x86: {  	_ =	swait.ge [sflag:s9], $0x1000  }
0x87: {  	[sflag:s9] =	ssyncset.done $0x0  }
0x88: {  	[sflag:s9] =	ssyncadd.s32 $0xFFFFF000  }
0x89: {  	_ =	swait.ge [sflag:s9], $0x1000  }
0x8a: {  	[sflag:s9] =	ssyncset.done $0x0  }
0x8b: {  	[sflag:s9] =	ssyncadd.s32 $0xFFFFF000  }
0x8c: {  	_ =	swait.ge [sflag:s9], $0x1000  }
0x8d: {  	[sflag:s9] =	ssyncset.done $0x0  }
0x8e: {  	s1 =	rddreg [dreg:$0x17];
	[sflag:s9] =	ssyncadd.s32 $0xFFFFF000  }
0x8f: {  	[spmem:s1] =	stream.linear.scatter [tilespmem:s8], [sflag:$0x2], $0x1000, $0x38;
	[tilespmem:$0x1D400] =	vst v63  }
0x90: {  	s6 =	rddreg [dreg:$0x18]  }
0x91: {  	[spmem:s6] =	stream.linear.scatter [tilespmem:s8], [sflag:$0x2], $0x1000, $0x38;
	[tilespmem:$0x1D400] =	vst v63  }
0x92: {  	s7 =	rddreg [dreg:$0x19]  }
0x93: {  	[spmem:s7] =	stream.linear.scatter [tilespmem:s8], [sflag:$0x2], $0x1000, $0x38;
	[tilespmem:$0x1D400] =	vst v63  }
0x94: {  	s1 =	rddreg [dreg:$0x1a]  }
0x95: {  	[spmem:s1] =	stream.linear.scatter [tilespmem:s8], [sflag:$0x2], $0x1000, $0x38;
	[tilespmem:$0x1D400] =	vst v63  }
0x96: {  	s6 =	rddreg [dreg:$0x1b]  }
0x97: {  	[spmem:s6] =	stream.linear.scatter [tilespmem:s8], [sflag:$0x2], $0x1000, $0x38;
	[tilespmem:$0x1D400] =	vst v63  }
0x98: {  	_ =	swait.ge [sflag:s9], $0x1000  }
0x99: {  	[sflag:s9] =	ssyncset.done $0x0  }
0x9a: {  	[sflag:s9] =	ssyncadd.s32 $0xFFFFF000  }
0x9b: {  	_ =	swait.ge [sflag:s9], $0x1000  }
0x9c: {  	[sflag:s9] =	ssyncset.done $0x0  }
0x9d: {  	[sflag:s9] =	ssyncadd.s32 $0xFFFFF000  }
0x9e: {  	_ =	swait.ge [sflag:s9], $0x1000  }
0x9f: {  	[sflag:s9] =	ssyncset.done $0x0  }
0xa0: {  	[sflag:s9] =	ssyncadd.s32 $0xFFFFF000  }
0xa1: {  	_ =	swait.ge [sflag:s9], $0x1000  }
0xa2: {  	[sflag:s9] =	ssyncset.done $0x0  }
0xa3: {  	[sflag:s9] =	ssyncadd.s32 $0xFFFFF000  }
0xa4: {  	_ =	swait.ge [sflag:s9], $0x1000  }
0xa5: {  	[sflag:s9] =	ssyncset.done $0x0  }
0xa6: {  	[sflag:s9] =	ssyncadd.s32 $0xFFFFF000  }
0xa7: {  	s1 =	sadd.s32 $0x0, s24;
	[bflag:$0x0] =	sbarrier.arrive $0xFFFF  }
0xa8: {  	[tilespmem:s10], [sflag:$0x3] =	stream.linear.gather [hbm4b:s1+s3], $0x200, $0x38;
	[tilespmem:$0x1D400] =	vst v63  }
0xa9: {  	_ =	swait.ge [sflag:s11], $0x200  }
0xaa: {  	[sflag:s11] =	ssyncset.done $0x0  }
0xab: {  	s7 =	sadd.s32 $0x0, s22;
	[sflag:s11] =	ssyncadd.s32 $0xFFFFFE00  }
0xac: {  	[tilespmem:s12], [sflag:$0x3] =	stream.linear.gather [hbm4b:s7+s3], $0x200, $0x38;
	[tilespmem:$0x1D400] =	vst v63  }
0xad: {  	_ =	swait.ge [sflag:s11], $0x200  }
0xae: {  	[sflag:s11] =	ssyncset.done $0x0  }
0xaf: {  	[sflag:s11] =	ssyncadd.s32 $0xFFFFFE00  }
0xb0: {  	[tilespmem:s8], [sflag:$0x1] =	stream.indirect.gather [hbm4b:s4+s13], $0x20, s10, s13, $0xb8;
	[tilespmem:$0x1D400] =	vst v63  }
0xb1: {  	_ = 	snop  }
0xb2: {  	[tilespmem:s15], [sflag:$0x1] =	stream.indirect.gather [hbm4b:s4+s13], $0x20, s14, s13, $0xb8;
	[tilespmem:$0x1D400] =	vst v63  }
0xb3: {  	_ = 	snop  }
0xb4: {  	[tilespmem:s17], [sflag:$0x1] =	stream.indirect.gather [hbm4b:s4+s13], $0x20, s16, s13, $0xb8;
	[tilespmem:$0x1D400] =	vst v63  }
0xb5: {  	_ = 	snop  }
0xb6: {  	[tilespmem:s19], [sflag:$0x1] =	stream.indirect.gather [hbm4b:s4+s13], $0x20, s18, s13, $0xb8;
	[tilespmem:$0x1D400] =	vst v63  }
0xb7: {  	_ =	swait.ge [sflag:s20], $0x1000  }
0xb8: {  	[sflag:s20] =	ssyncset.done $0x0  }
0xb9: {  	[sflag:s20] =	ssyncadd.s32 $0xFFFFF000  }
0xba: {  	_ =	swait.ge [sflag:s20], $0x1000  }
0xbb: {  	[sflag:s20] =	ssyncset.done $0x0  }
0xbc: {  	[sflag:s20] =	ssyncadd.s32 $0xFFFFF000  }
0xbd: {  	_ =	swait.ge [sflag:s20], $0x1000  }
0xbe: {  	[sflag:s20] =	ssyncset.done $0x0  }
0xbf: {  	[sflag:s20] =	ssyncadd.s32 $0xFFFFF000  }
0xc0: {  	_ =	swait.ge [sflag:s20], $0x1000  }
0xc1: {  	[sflag:s20] =	ssyncset.done $0x0  }
0xc2: {  	[sflag:s20] =	ssyncadd.s32 $0xFFFFF000  }
0xc3: {  	[spmem:s2] =	stream.indirect.scatter.add.f32 [tilespmem:s8], [sflag:$0x2], $0x20, s12, s13, $0xb8;
	[tilespmem:$0x1D400] =	vst v63  }
0xc4: {  	_ = 	snop  }
0xc5: {  	[spmem:s2] =	stream.indirect.scatter.add.f32 [tilespmem:s15], [sflag:$0x2], $0x20, s21, s13, $0xb8;
	[tilespmem:$0x1D400] =	vst v63  }
0xc6: {  	_ = 	snop  }
0xc7: {  	[spmem:s2] =	stream.indirect.scatter.add.f32 [tilespmem:s17], [sflag:$0x2], $0x20, s23, s13, $0xb8;
	[tilespmem:$0x1D400] =	vst v63  }
0xc8: {  	_ = 	snop  }
0xc9: {  	[spmem:s2] =	stream.indirect.scatter.add.f32 [tilespmem:s19], [sflag:$0x2], $0x20, s26, s13, $0xb8;
	[tilespmem:$0x1D400] =	vst v63  }
0xca: {  	_ =	swait.ge [sflag:s9], $0x1000  }
0xcb: {  	[sflag:s9] =	ssyncset.done $0x0  }
0xcc: {  	[sflag:s9] =	ssyncadd.s32 $0xFFFFF000  }
0xcd: {  	_ =	swait.ge [sflag:s9], $0x1000  }
0xce: {  	[sflag:s9] =	ssyncset.done $0x0  }
0xcf: {  	[sflag:s9] =	ssyncadd.s32 $0xFFFFF000  }
0xd0: {  	_ =	swait.ge [sflag:s9], $0x1000  }
0xd1: {  	[sflag:s9] =	ssyncset.done $0x0  }
0xd2: {  	[sflag:s9] =	ssyncadd.s32 $0xFFFFF000  }
0xd3: {  	_ =	swait.ge [sflag:s9], $0x1000  }
0xd4: {  	s31 =	simm.s32 $0x40;
	s6 =	simm.s32 $0x80;
	[sflag:s9] =	ssyncset.done $0x0  }
.LBB2_4:
0xd5: {  	s7 =	sadd.s32 s31, s24  }
0xd6: {  	[sflag:s9] =	ssyncadd.s32 $0xFFFFF000;
	s0 =	smov.u32 s6;
	s1 =	sadd.s32 $0x40, s6  }
0xd7: {  	[tilespmem:s10], [sflag:$0x3] =	stream.linear.gather [hbm4b:s7+s3], $0x200, $0x38;
	[tilespmem:$0x1D400] =	vst v63  }
0xd8: {  	p0 =	sne.s32 s6, $0x1840;
	_ =	swait.ge [sflag:s11], $0x200  }
0xd9: {  	[sflag:s11] =	ssyncset.done $0x0  }
0xda: {  	s6 =	sadd.s32 s31, s22;
	s31 =	smov.u32 s0;
	[sflag:s11] =	ssyncadd.s32 $0xFFFFFE00  }
0xdb: {  	[tilespmem:s12], [sflag:$0x3] =	stream.linear.gather [hbm4b:s6+s3], $0x200, $0x38;
	[tilespmem:$0x1D400] =	vst v63  }
0xdc: {  	_ =	swait.ge [sflag:s11], $0x200  }
0xdd: {  	[sflag:s11] =	ssyncset.done $0x0  }
0xde: {  	[sflag:s11] =	ssyncadd.s32 $0xFFFFFE00  }
0xdf: {  	[tilespmem:s8], [sflag:$0x1] =	stream.indirect.gather [hbm4b:s4+s13], $0x20, s10, s13, $0xb8;
	[tilespmem:$0x1D400] =	vst v63  }
0xe0: {  	_ = 	snop  }
0xe1: {  	[tilespmem:s15], [sflag:$0x1] =	stream.indirect.gather [hbm4b:s4+s13], $0x20, s14, s13, $0xb8;
	[tilespmem:$0x1D400] =	vst v63  }
0xe2: {  	_ = 	snop  }
0xe3: {  	[tilespmem:s17], [sflag:$0x1] =	stream.indirect.gather [hbm4b:s4+s13], $0x20, s16, s13, $0xb8;
	[tilespmem:$0x1D400] =	vst v63  }
0xe4: {  	_ = 	snop  }
0xe5: {  	[tilespmem:s19], [sflag:$0x1] =	stream.indirect.gather [hbm4b:s4+s13], $0x20, s18, s13, $0xb8;
	[tilespmem:$0x1D400] =	vst v63  }
0xe6: {  	_ =	swait.ge [sflag:s20], $0x1000  }
0xe7: {  	[sflag:s20] =	ssyncset.done $0x0  }
0xe8: {  	[sflag:s20] =	ssyncadd.s32 $0xFFFFF000  }
0xe9: {  	_ =	swait.ge [sflag:s20], $0x1000  }
0xea: {  	[sflag:s20] =	ssyncset.done $0x0  }
0xeb: {  	[sflag:s20] =	ssyncadd.s32 $0xFFFFF000  }
0xec: {  	_ =	swait.ge [sflag:s20], $0x1000  }
0xed: {  	[sflag:s20] =	ssyncset.done $0x0  }
0xee: {  	[sflag:s20] =	ssyncadd.s32 $0xFFFFF000  }
0xef: {  	_ =	swait.ge [sflag:s20], $0x1000  }
0xf0: {  	[sflag:s20] =	ssyncset.done $0x0  }
0xf1: {  	[sflag:s20] =	ssyncadd.s32 $0xFFFFF000  }
0xf2: {  	[spmem:s2] =	stream.indirect.scatter.add.f32 [tilespmem:s8], [sflag:$0x2], $0x20, s12, s13, $0xb8;
	[tilespmem:$0x1D400] =	vst v63  }
0xf3: {  	_ = 	snop  }
0xf4: {  	[spmem:s2] =	stream.indirect.scatter.add.f32 [tilespmem:s15], [sflag:$0x2], $0x20, s21, s13, $0xb8;
	[tilespmem:$0x1D400] =	vst v63  }
0xf5: {  	_ = 	snop  }
0xf6: {  	[spmem:s2] =	stream.indirect.scatter.add.f32 [tilespmem:s17], [sflag:$0x2], $0x20, s23, s13, $0xb8;
	[tilespmem:$0x1D400] =	vst v63  }
0xf7: {  	_ = 	snop  }
0xf8: {  	[spmem:s2] =	stream.indirect.scatter.add.f32 [tilespmem:s19], [sflag:$0x2], $0x20, s26, s13, $0xb8;
	[tilespmem:$0x1D400] =	vst v63  }
0xf9: {  	_ =	swait.ge [sflag:s9], $0x1000  }
0xfa: {  	[sflag:s9] =	ssyncset.done $0x0  }
0xfb: {  	[sflag:s9] =	ssyncadd.s32 $0xFFFFF000  }
0xfc: {  	_ =	swait.ge [sflag:s9], $0x1000  }
0xfd: {  	[sflag:s9] =	ssyncset.done $0x0  }
0xfe: {  	[sflag:s9] =	ssyncadd.s32 $0xFFFFF000  }
.Ltmp1:
0xff: {  	_ =	swait.ge [sflag:s9], $0x1000;
	(pc) =	sbr.rel @p0 .LBB2_4-.Ltmp1, $4  }
0x100: {  	[sflag:s9] =	ssyncset.done $0x0  }
0x101: {  	[sflag:s9] =	ssyncadd.s32 $0xFFFFF000  }
0x102: {  	_ =	swait.ge [sflag:s9], $0x1000  }
0x103: {  	s6 =	smov.u32 s1;
	[sflag:s9] =	ssyncset.done $0x0  }
0x104: {  	s0 =	sadd.s32 s31, s24;
	[sflag:s9] =	ssyncadd.s32 $0xFFFFF000  }
0x105: {  	[tilespmem:s10], [sflag:$0x3] =	stream.linear.gather [hbm4b:s0+s3], $0x200, $0x38;
	[tilespmem:$0x1D400] =	vst v63  }
0x106: {  	_ =	swait.ge [sflag:s11], $0x200  }
0x107: {  	[sflag:s11] =	ssyncset.done $0x0  }
0x108: {  	s1 =	sadd.s32 s31, s22;
	[sflag:s11] =	ssyncadd.s32 $0xFFFFFE00  }
0x109: {  	[tilespmem:s12], [sflag:$0x3] =	stream.linear.gather [hbm4b:s1+s3], $0x200, $0x38;
	[tilespmem:$0x1D400] =	vst v63  }
0x10a: {  	_ =	swait.ge [sflag:s11], $0x200  }
0x10b: {  	[sflag:s11] =	ssyncset.done $0x0  }
0x10c: {  	[sflag:s11] =	ssyncadd.s32 $0xFFFFFE00  }
0x10d: {  	[tilespmem:s8], [sflag:$0x1] =	stream.indirect.gather [hbm4b:s4+s13], $0x20, s10, s13, $0xb8;
	[tilespmem:$0x1D400] =	vst v63  }
0x10e: {  	_ = 	snop  }
0x10f: {  	[tilespmem:s15], [sflag:$0x1] =	stream.indirect.gather [hbm4b:s4+s13], $0x20, s14, s13, $0xb8;
	[tilespmem:$0x1D400] =	vst v63  }
0x110: {  	_ = 	snop  }
0x111: {  	[tilespmem:s17], [sflag:$0x1] =	stream.indirect.gather [hbm4b:s4+s13], $0x20, s16, s13, $0xb8;
	[tilespmem:$0x1D400] =	vst v63  }
0x112: {  	_ = 	snop  }
0x113: {  	[tilespmem:s19], [sflag:$0x1] =	stream.indirect.gather [hbm4b:s4+s13], $0x20, s18, s13, $0xb8;
	[tilespmem:$0x1D400] =	vst v63  }
0x114: {  	_ =	swait.ge [sflag:s20], $0x1000  }
0x115: {  	[sflag:s20] =	ssyncset.done $0x0  }
0x116: {  	[sflag:s20] =	ssyncadd.s32 $0xFFFFF000  }
0x117: {  	_ =	swait.ge [sflag:s20], $0x1000  }
0x118: {  	[sflag:s20] =	ssyncset.done $0x0  }
0x119: {  	[sflag:s20] =	ssyncadd.s32 $0xFFFFF000  }
0x11a: {  	_ =	swait.ge [sflag:s20], $0x1000  }
0x11b: {  	[sflag:s20] =	ssyncset.done $0x0  }
0x11c: {  	[sflag:s20] =	ssyncadd.s32 $0xFFFFF000  }
0x11d: {  	_ =	swait.ge [sflag:s20], $0x1000  }
0x11e: {  	[sflag:s20] =	ssyncset.done $0x0  }
0x11f: {  	[sflag:s20] =	ssyncadd.s32 $0xFFFFF000  }
0x120: {  	[spmem:s2] =	stream.indirect.scatter.add.f32 [tilespmem:s8], [sflag:$0x2], $0x20, s12, s13, $0xb8;
	[tilespmem:$0x1D400] =	vst v63  }
0x121: {  	_ = 	snop  }
0x122: {  	[spmem:s2] =	stream.indirect.scatter.add.f32 [tilespmem:s15], [sflag:$0x2], $0x20, s21, s13, $0xb8;
	[tilespmem:$0x1D400] =	vst v63  }
0x123: {  	_ = 	snop  }
0x124: {  	[spmem:s2] =	stream.indirect.scatter.add.f32 [tilespmem:s17], [sflag:$0x2], $0x20, s23, s13, $0xb8;
	[tilespmem:$0x1D400] =	vst v63  }
0x125: {  	_ = 	snop  }
0x126: {  	[spmem:s2] =	stream.indirect.scatter.add.f32 [tilespmem:s19], [sflag:$0x2], $0x20, s26, s13, $0xb8;
	[tilespmem:$0x1D400] =	vst v63  }
0x127: {  	_ =	swait.ge [sflag:s9], $0x1000  }
0x128: {  	[sflag:s9] =	ssyncset.done $0x0  }
0x129: {  	[sflag:s9] =	ssyncadd.s32 $0xFFFFF000  }
0x12a: {  	_ =	swait.ge [sflag:s9], $0x1000  }
0x12b: {  	[sflag:s9] =	ssyncset.done $0x0  }
0x12c: {  	[sflag:s9] =	ssyncadd.s32 $0xFFFFF000  }
0x12d: {  	_ =	swait.ge [sflag:s9], $0x1000  }
0x12e: {  	[sflag:s9] =	ssyncset.done $0x0  }
0x12f: {  	[sflag:s9] =	ssyncadd.s32 $0xFFFFF000  }
0x130: {  	_ =	swait.ge [sflag:s9], $0x1000  }
0x131: {  	s6 =	stileid.u32;
	[sflag:s9] =	ssyncset.done $0x0  }
0x132: {  	s7 =	sshrl.u32 s5, $0x3;
	s0 =	sshll.u32 s6, $0x6;
	[sflag:s9] =	ssyncadd.s32 $0xFFFFF000  }
0x133: {  	s6 =	sadd.s32 $0x0, s25;
	s1 =	sor.u32 $0x1C03, s0;
	[bflag:$0x0] =	sbarrier.arrive $0xFFFF  }
0x134: {  	[hbm:s6@s28], [sflag:s1] =	dma.strided [spmem:s7@s29], $0x200, s20, $0x4   }
0x135: {  	_ =	swait.ge [sflag:s11], $0x200  }
0x136: {  	s31 =	simm.s32 $0x800;
	s6 =	rddreg [dreg:$0x3]  }
.LBB2_6:
0x137: {  	s0 =	sadd.s32 s31, s25;
	[sflag:s11] =	ssyncset.done $0x0;
	p0 =	sne.s32 s31, $0xC000  }
.Ltmp2:
0x138: {  	s7 =	sshrl.u32 s6, $0x3;
	[sflag:s11] =	ssyncadd.s32 $0xFFFFFE00;
	(pc) =	sbr.rel @p0 .LBB2_6-.Ltmp2, $3  }
0x139: {  	[hbm:s0@s28], [sflag:s1] =	dma.strided [spmem:s7@s29], $0x200, s20, $0x4   }
0x13a: {  	s31 =	sadd.s32 $0x800, s31;
	_ =	sdelay $0x1  }
0x13b: {  	s6 =	sadd.s32 $0x1000, s6;
	_ =	swait.ge [sflag:s11], $0x200  }
0x13c: {  	s30 =	sadd.s32 $0x1, s30;
	s0 =	rddreg [dreg:$0x13]  }
0x13d: {  	p0 =	sne.s32 s30, s0  }
.Ltmp3:
0x13e: {  	_ = 	snop;
	(pc) =	sbr.rel @p0 .LBB2_1-.Ltmp3, $3  }
0x13f: {  	_ =	sdelay $0x1  }
0x140: {  	[sflag:s11] =	ssyncset.done $0x0  }
0x141: {  	[sflag:s11] =	ssyncadd.s32 $0xFFFFFE00  }
0x142: {  	_ =	sfence.sel $0x180000  }
0x143: {  	[bflag:$0x0] =	sbarrier.arrive $0xFFFF  }
0x144: {  	_ =	strace $0x9000004A  }
0x145: {  	s0 =	stileid.u32;
	[bflag:$0x2] =	sbarrier.arrive $0xFFFF  }
0x146: {  	p0 =	sne.s32 s0, $0x0;
	s0 =	rddreg [dreg:$0x2]  }
0x147: {  	s0 =	sadd.s32 @!p0 $0x100000, s0  }
0x148: {  	[sflag:s0] =	ssyncadd.tile.s32 @!p0 $0x1;
	_ =	shalt  }
.Lfunc_end2:
_tile_overlayer_lowered:
.L_overlay_start_2:
0x149: {  	(tag) =	ssettag $0x2  }
0x14a: {  	s0 =	rddreg [dreg:$0x0];
	s2 =	stileid.u32  }
0x14b: {  	s1 =	rddreg [dreg:$0x1];
	p0 =	sne.s32 s2, $0x0  }
0x14c: {  	s3 =	rddreg [dreg:$0x2];
	[bflag:$0x3] =	sbarrier.arrive $0xFFFF;
	s2 =	simm.s32 @!p0 $0x1C03  }
0x14d: {  	[timem:s3], [sflag:s2] =	dma.local @!p0 [hbm:s0], s1  }
0x14e: {  	s0 =	simm.s32 @!p0 $0x3  }
0x14f: {  	_ =	swait.ge @!p0 [sflag:s0], s1  }
0x150: {  	s1 =	ssub.s32 @!p0 $0x0, s1;
	[sflag:s0] =	ssyncset.done @!p0 $0x0  }
0x151: {  	[sflag:s0] =	ssyncadd.s32 @!p0 s1  }
0x152: {  	[bflag:$0x3] =	sbarrier.arrive $0xFFFF  }
0x153: {  	_ =	shalt  }

// kernel: kernel.14.cloned.1.call-start
scs
__scs_entry_jumppad:
0x0: {  	(pc) =	sbr.rel $0x88, $3  }
0x1: {  	(tag) =	ssettag $0x0;
	lr =	simm.s32 $0x1  }
0x2: {  	[smem:$0x3F8A] =	sst lr;
	_ =	strace $0xD0000000  }
0x3: {  	_ = 	snop  }
0x4: {  	_ = 	snop  }
0x5: {  	_ = 	snop  }
0x6: {  	_ = 	snop  }
0x7: {  	_ = 	snop  }
__scs_overlays_trampoline_lowered:
0x8: {  	[smem:$0x3F99] =	sst s0  }
0x9: {  	[smem:$0x3F9A] =	sst s1  }
0xa: {  	[smem:$0x3F9B] =	sst s2  }
0xb: {  	[smem:$0x3F9C] =	sst s3  }
0xc: {  	[smem:$0x3F9D] =	sst s4  }
0xd: {  	[smem:$0x3F9E] =	sst s5  }
0xe: {  	[smem:$0x3F9F] =	sst s6  }
0xf: {  	[smem:$0x3FA0] =	sst s7  }
0x10: {  	[smem:$0x3FA1] =	sst s8  }
0x11: {  	[smem:$0x3FA2] =	sst s9;
	s0 =	simm.s32 @!p0 $0x0  }
0x12: {  	s1 =	sld [smem:$0x3F88];
	s0 =	simm.s32 @p0 $0x1  }
0x13: {  	[smem:$0x3FA3] =	sst s0;
	s0 =	simm.s32 @!p1 $0x0  }
0x14: {  	s2 =	sld [smem:$0x3F87];
	s0 =	simm.s32 @p1 $0x1  }
0x15: {  	[smem:$0x3FA4] =	sst s0;
	s0 =	simm.s32 @!p2 $0x0  }
0x16: {  	s3 =	sld [smem:$0x3FDB];
	s0 =	simm.s32 @p2 $0x1  }
0x17: {  	s4 =	simm.s32 $0x1BF5;
	[smem:$0x3FA6] =	sst s0  }
0x18: {  	s0 =	sld [smem:$0x3F89];
	_ =	swait.ge [sflag:s4], $0x0  }
0x19: {  	s7 =	sld [smem:$0x3F8A]  }
0x1a: {  	s8 =	sadd.s32 $0xFFFFE003, lr  }
0x1b: {  	s9 =	sadd.s32 $0xFFFFFEF7, lr;
	s5 =	simm.s32 $0xFFFFFFFF;
	p2 =	slt.u32 s8, $0xFFFFF086  }
0x1c: {  	p1 =	slt.u32 s9, $0xF7A;
	s5 =	simm.s32 @!p2 $0x0  }
0x1d: {  	s5 =	simm.s32 @p1 $0x1;
	p0 =	seq.s32 s7, s2  }
0x1e: {  	s7 =	smul.u32 @!p0 $0xF7A, s2;
	p2 =	seq.s32 @!p0 s5, $0x0  }
0x1f: {  	s9 =	smul.u32 $0xF7A, s1;
	s8 =	simm.s32 @!p0 $0x1BF5;
	p2 =	por !p2, p0  }
0x20: {  	[sflag:s8] =	ssyncset.s32 @!p0 $0xFFFFF086;
	s6 =	sadd.s32 @!p0 s3, s7;
	s7 =	simm.s32 @!p0 $0x108  }
0x21: {  	s3 =	sadd.s32 s3, s9;
	s6 =	sadd.s32 @!p0 $0x88, s6;
	s7 =	simm.s32 @p2 $0x1082  }
0x22: {  	[simem:s7], [sflag:s8] =	dma.local @!p0 [hbm:s6], $0xF7A  }
0x23: {  	s9 =	sor.u32 $0xD0000000, s2;
	s6 =	simm.s32 $0x108;
	_ =	swait.ge @!p0 [sflag:s8], $0x0  }
0x24: {  	s3 =	sadd.s32 $0x88, s3;
	s6 =	simm.s32 @!p1 $0x1082;
	[sflag:s4] =	ssyncset.s32 $0xFFFFF086  }
0x25: {  	[simem:s6], [sflag:s4] =	dma.local [hbm:s3], $0xF7A  }
0x26: {  	[smem:$0x3F8A] =	sst s1;
	(tag) =	ssettag s2;
	_ =	strace s9  }
0x27: {  	s1 =	sld [smem:$0x3F9A]  }
0x28: {  	s2 =	sld [smem:$0x3F9B]  }
0x29: {  	s4 =	sld [smem:$0x3F9D]  }
0x2a: {  	p0 =	seq.s32 s5, $0x0;
	s5 =	sld [smem:$0x3F9E]  }
0x2b: {  	s6 =	sld [smem:$0x3F9F]  }
0x2c: {  	s7 =	sld [smem:$0x3FA0]  }
0x2d: {  	s3 =	simm.s32 $0x108;
	s8 =	sld [smem:$0x3FA1]  }
0x2e: {  	s3 =	simm.s32 @!p0 $0x1082;
	s9 =	sld [smem:$0x3FA2]  }
0x2f: {  	lr =	sadd.s32 s0, s3;
	s0 =	sld [smem:$0x3F99]  }
0x30: {  	s3 =	sld [smem:$0x3F9C]  }
0x31: {  	[smem:$0x3FA5] =	sst s10  }
0x32: {  	s10 =	sld [smem:$0x3FA3];
	_ =	sdelay $0x3  }
0x33: {  	p0 =	seq.s32 s10, $0x1;
	s10 =	sld [smem:$0x3FA5];
	_ =	sdelay $0x3  }
0x34: {  	[smem:$0x3FA5] =	sst s10  }
0x35: {  	s10 =	sld [smem:$0x3FA4];
	_ =	sdelay $0x3  }
0x36: {  	p1 =	seq.s32 s10, $0x1;
	s10 =	sld [smem:$0x3FA5];
	_ =	sdelay $0x3  }
0x37: {  	[smem:$0x3FA5] =	sst s10  }
0x38: {  	s10 =	sld [smem:$0x3FA6]  }
0x39: {  	_ = 	snop;
	(pc) =	sbr.ind lr, $3  }
0x3a: {  	_ = 	snop  }
0x3b: {  	_ = 	snop  }
0x3c: {  	p2 =	seq.s32 s10, $0x1;
	s10 =	sld [smem:$0x3FA5]  }
0x3d: {  	_ =	shalt  }
0x3e: {  	_ =	shalt  }
0x3f: {  	_ =	shalt  }
0x40: {  	_ =	shalt  }
0x41: {  	_ =	shalt  }
0x42: {  	_ =	shalt  }
0x43: {  	_ =	shalt  }
0x44: {  	_ =	shalt  }
0x45: {  	_ =	shalt  }
0x46: {  	_ =	shalt  }
0x47: {  	_ =	shalt  }
0x48: {  	_ =	shalt  }
0x49: {  	_ =	shalt  }
0x4a: {  	_ =	shalt  }
0x4b: {  	_ =	shalt  }
0x4c: {  	_ =	shalt  }
0x4d: {  	_ =	shalt  }
0x4e: {  	_ =	shalt  }
0x4f: {  	_ =	shalt  }
0x50: {  	_ =	shalt  }
0x51: {  	_ =	shalt  }
0x52: {  	_ =	shalt  }
0x53: {  	_ =	shalt  }
0x54: {  	_ =	shalt  }
0x55: {  	_ =	shalt  }
0x56: {  	_ =	shalt  }
0x57: {  	_ =	shalt  }
0x58: {  	_ =	shalt  }
0x59: {  	_ =	shalt  }
0x5a: {  	_ =	shalt  }
0x5b: {  	_ =	shalt  }
0x5c: {  	_ =	shalt  }
0x5d: {  	_ =	shalt  }
0x5e: {  	_ =	shalt  }
0x5f: {  	_ =	shalt  }
0x60: {  	_ =	shalt  }
0x61: {  	_ =	shalt  }
0x62: {  	_ =	shalt  }
0x63: {  	_ =	shalt  }
0x64: {  	_ =	shalt  }
0x65: {  	_ =	shalt  }
0x66: {  	_ =	shalt  }
0x67: {  	_ =	shalt  }
0x68: {  	_ =	shalt  }
0x69: {  	_ =	shalt  }
0x6a: {  	_ =	shalt  }
0x6b: {  	_ =	shalt  }
0x6c: {  	_ =	shalt  }
0x6d: {  	_ =	shalt  }
0x6e: {  	_ =	shalt  }
0x6f: {  	_ =	shalt  }
0x70: {  	_ =	shalt  }
0x71: {  	_ =	shalt  }
0x72: {  	_ =	shalt  }
0x73: {  	_ =	shalt  }
0x74: {  	_ =	shalt  }
0x75: {  	_ =	shalt  }
0x76: {  	_ =	shalt  }
0x77: {  	_ =	shalt  }
0x78: {  	_ =	shalt  }
0x79: {  	_ =	shalt  }
0x7a: {  	_ =	shalt  }
0x7b: {  	_ =	shalt  }
0x7c: {  	_ =	shalt  }
0x7d: {  	_ =	shalt  }
0x7e: {  	_ =	shalt  }
0x7f: {  	_ =	shalt  }
0x80: {  	_ =	shalt  }
0x81: {  	_ =	shalt  }
0x82: {  	_ =	shalt  }
0x83: {  	_ =	shalt  }
0x84: {  	_ =	shalt  }
0x85: {  	_ =	shalt  }
0x86: {  	_ =	shalt  }
0x87: {  	_ =	shalt  }
.Lfunc_end0:
.L_simem_size_0:
called_computation.2_lowered:
.L_overlay_start_0:
0x88: {  	s2 =	sld [smem:$0x3FD9]  }
0x89: {  	s3 =	sld [smem:$0x3FFE];
	_ =	sdelay $0x1  }
0x8a: {  	s1 =	srdreg.scid  }
0x8b: {  	s0 =	sand.u32 $0x1, s1  }
0x8c: {  	s16 =	sshll.u32 s0, $0xA;
	s2 =	sadd.s32 s3, s2  }
0x8d: {  	s2 =	sadd.s32 s2, s16  }
0x8e: {  	[smem:$0x3FB1] =	sst s2  }
0x8f: {  	_ = 	snop  }
0x90: {  	(tm) =	ssettm $0x1  }
0x91: {  	s17 =	sld [smem:$0x3FFB];
	_ =	sdelay $0x3  }
0x92: {  	_ =	strace s17  }
0x93: {  	s2 =	sld [smem:$0x3FFC];
	_ =	sdelay $0x3  }
0x94: {  	_ =	strace s2  }
0x95: {  	s2 =	sld [smem:$0x3FFD];
	_ =	sdelay $0x3  }
0x96: {  	_ =	strace s2  }
0x97: {  	_ =	strace $0x8FFFFFFF  }
0x98: {  	s18 =	sld [smem:$0x3FDB];
	_ =	sdelay $0x1  }
0x99: {  	s19 =	simm.s32 $_scs_section_size  }
0x9a: {  	s4 =	simm.s32 $_size__tile_overlayer_lowered;
	s5 =	simm.s32 $_tile_overlayer_lowered  }
0x9b: {  	s22 =	simm.s32 $0x1BFF;
	s21 =	sshll.u32 s5, $0x1;
	s2 =	sadd.s32 s19, s18  }
0x9c: {  	s6 =	simm.s32 $0x0;
	s20 =	sshll.u32 s4, $0x1;
	s4 =	sadd.s32 s21, s2  }
0x9d: {  	[timem:s6], [sflag:s22] =	dma.local [hbm:s4], s20  }
0x9e: {  	_ =	swait.ge [sflag:s22], s20  }
0x9f: {  	s3 =	ssub.s32 $0x0, s20;
	[sflag:s22] =	ssyncset.done $0x0  }
0xa0: {  	[sflag:s22] =	ssyncadd.s32 s3;
	_ =	sdelay $0x1  }
0xa1: {  	s23 =	simm.s32 $0x1B8B  }
0xa2: {  	_ =	swait.ge [sflag:s23], $0x1  }
0xa3: {  	[sflag:s23] =	ssyncset.done $0x0  }
0xa4: {  	s25 =	simm.s32 $0x1B8E;
	s24 =	sld [smem:$0x3FFE];
	[sflag:s23] =	ssyncadd.s32 $0xFFFFFFFF  }
0xa5: {  	s26 =	simm.s32 $execute0_lowered;
	[smem:$0x3FD2] =	sst s25  }
0xa6: {  	s4 =	sshll.u32 s26, $0x1;
	_ =	strace $0x8000004C;
	[dreg:$0x1] =	wrdreg $0xFFFFFFFF  }
0xa7: {  	s28 =	simm.s32 $_size_execute0_lowered;
	s2 =	sadd.s32 s2, s4;
	[dreg:$0x0] =	wrdreg $0x0  }
0xa8: {  	s4 =	sshll.u32 s28, $0x1;
	[dreg:$0x2] =	wrdreg s2  }
0xa9: {  	[dreg:$0x3] =	wrdreg s4  }
0xaa: {  	[dreg:$0x4] =	wrdreg $0xC0  }
0xab: {  	_ =	task [dreg:s6], $0x5FFFF  }
0xac: {  	[dreg:$0x1] =	wrdreg $0xFFFFFFFF  }
0xad: {  	[dreg:$0x0] =	wrdreg $0x60  }
0xae: {  	[dreg:$0x2] =	wrdreg s24  }
0xaf: {  	[dreg:$0x3] =	wrdreg $0x0  }
0xb0: {  	[dreg:$0x4] =	wrdreg $0x9  }
0xb1: {  	_ =	task.clear_ibuf [dreg:s6], $0x5FFFF;
	_ =	strace $0x9000004C  }
0xb2: {  	s29 =	simm.s32 $0x9;
	_ =	strace $0x8000004E  }
0xb3: {  	_ =	swait.ge [sflag:s29], $0x1  }
0xb4: {  	[sflag:s29] =	ssyncadd.s32 $0xFFFFFFFF  }
0xb5: {  	_ =	strace $0x9000004E  }
0xb6: {  	_ =	sfence  }
0xb7: {  	s30 =	sld [smem:$0x0];
	_ =	sdelay $0x2  }
0xb8: {  	s31 =	sshll.u32 s1, $0xD;
	s1 =	sshrl.u32 s1, $0x2  }
0xb9: {  	s3 =	sand.u32 $0x4000, s31;
	s1 =	sadd.s32 s1, s30  }
0xba: {  	s0 =	sor.u32 s3, s0;
	s1 =	sshll.u32 s1, $0x11  }
0xbb: {  	s0 =	sor.u32 s1, s0  }
0xbc: {  	s0 =	sadd.s32 $0x8F2B, s0  }
0xbd: {  	[sflag:s0] =	ssyncadd.remote.s32 $0x1  }
0xbe: {  	_ =	sfence.sel $0xFFFF  }
0xbf: {  	[dreg:$0x0] =	wrdreg $0xFFFFFFFF;
	(pc) =	sbr.abs _section_cstart, $3  }
0xc0: {  	[dreg:$0x1] =	wrdreg $0xFFFFFFFF  }
0xc1: {  	_ =	task.clear_ibuf [dreg:s6], $0x2FFFF;
	_ =	strace $0x9FFFFFFF  }
0xc2: {  	(tm) =	ssettm $0x7FFFFFFF  }
0xc3: {  	_ =	shalt  }
tec
execute0_lowered:
.L_overlay_start_1:
0x0: {  	(tag) =	ssettag $0x1  }
0x1: {  	s7 =	stileid.u32  }
0x2: {  	s4 =	smul.u32 $0xC400, s7  }
0x3: {  	s0 =	srdreg.scid;
	s6 =	smul.u32 $0x1880, s7  }
0x4: {  	s0 =	sand.u32 $0x1, s0;
	s7 =	smul.u32 $0x64000, s7  }
0x5: {  	s1 =	rddreg [dreg:$0x0];
	s5 =	smul.u32 $0xC4000, s0  }
0x6: {  	s2 =	rddreg [dreg:$0x1];
	s3 =	simm.s32 $0x0;
	s17 =	smul.u32 $0x640000, s0  }
0x7: {  	[smem:$0x7FF] =	sst s3;
	s0 =	ssub.s32 $0x2, s0;
	s6 =	sadd.s32 s6, s1  }
0x8: {  	s9 =	sshrl.u32 s0, $0x1;
	s4 =	sadd.s32 s4, s5;
	s5 =	sadd.s32 s7, s17  }
0x9: {  	s7 =	sshrl.u32 s7, $0x2;
	s18 =	ssub.s32 s0, s9;
	s4 =	sshrl.u32 s4, $0x3  }
0xa: {  	s5 =	sshrl.u32 s5, $0x3;
	s16 =	smax.u32 s18, $0x1;
	s8 =	sadd.s32 s4, s1  }
0xb: {  	s4 =	sadd.s32 $0x207A00, s1;
	s1 =	sadd.s32 s5, s1;
	s5 =	sadd.s32 s7, s2  }
0xc: {  	_ =	strace $0x8000004D;
	[dreg:$0x13] =	wrdreg s16;
	s19 =	sadd.s32 $0x1000, s5  }
0xd: {  	s20 =	sadd.s32 $0x2000, s5;
	[dreg:$0x3] =	wrdreg s19  }
0xe: {  	s21 =	sadd.s32 $0x3000, s5;
	[dreg:$0x4] =	wrdreg s20  }
0xf: {  	s22 =	sadd.s32 $0x4000, s5;
	[dreg:$0x5] =	wrdreg s21  }
0x10: {  	s23 =	sadd.s32 $0x5000, s5;
	[dreg:$0x6] =	wrdreg s22  }
0x11: {  	s24 =	sadd.s32 $0x6000, s5;
	[dreg:$0x7] =	wrdreg s23  }
0x12: {  	s25 =	sadd.s32 $0x7000, s5;
	[dreg:$0x8] =	wrdreg s24  }
0x13: {  	s26 =	sadd.s32 $0x8000, s5;
	[dreg:$0x9] =	wrdreg s25  }
0x14: {  	s31 =	sadd.s32 $0x9000, s5;
	[dreg:$0xa] =	wrdreg s26  }
0x15: {  	s9 =	sadd.s32 $0xA000, s5;
	[dreg:$0xb] =	wrdreg s31  }
0x16: {  	s10 =	sadd.s32 $0xB000, s5;
	[dreg:$0xc] =	wrdreg s9  }
0x17: {  	s11 =	sadd.s32 $0xC000, s5;
	[dreg:$0xd] =	wrdreg s10  }
0x18: {  	s12 =	sadd.s32 $0xD000, s5;
	[dreg:$0xe] =	wrdreg s11  }
0x19: {  	s28 =	simm.s32 $0x10;
	s13 =	sadd.s32 $0xE000, s5;
	[dreg:$0xf] =	wrdreg s12  }
0x1a: {  	s29 =	simm.s32 $0x4;
	s14 =	sadd.s32 $0xF000, s5;
	[dreg:$0x10] =	wrdreg s13  }
0x1b: {  	s30 =	simm.s32 $0x0;
	s15 =	sadd.s32 $0x10000, s5;
	[dreg:$0x11] =	wrdreg s14  }
0x1c: {  	s16 =	simm.s32 $0x19100;
	s17 =	sadd.s32 $0x11000, s5;
	[dreg:$0x12] =	wrdreg s15  }
0x1d: {  	s18 =	sadd.s32 $0x12000, s5;
	s22 =	sadd.s32 $0x1EF200, s6;
	[dreg:$0x14] =	wrdreg s17  }
0x1e: {  	s24 =	sadd.s32 $0x1BE200, s8;
	s25 =	sadd.s32 $0x269600, s1;
	[dreg:$0x15] =	wrdreg s18  }
0x1f: {  	s19 =	sadd.s32 $0x13000, s5;
	s20 =	sadd.s32 $0x14000, s5;
	s21 =	sadd.s32 $0x15000, s5  }
0x20: {  	s23 =	sadd.s32 $0x16000, s5;
	s26 =	sadd.s32 $0x17000, s5;
	s31 =	sadd.s32 $0x18000, s5  }
0x21: {  	s8 =	simm.s32 $0x19400;
	s9 =	simm.s32 $0x2;
	[dreg:$0x16] =	wrdreg s19  }
0x22: {  	s10 =	simm.s32 $0x19000;
	s11 =	simm.s32 $0x3;
	[dreg:$0x17] =	wrdreg s20  }
0x23: {  	s12 =	simm.s32 $0x19200;
	s13 =	simm.s32 $0x80;
	[dreg:$0x18] =	wrdreg s21  }
0x24: {  	s14 =	simm.s32 $0x19080;
	s15 =	simm.s32 $0x1A400;
	[dreg:$0x19] =	wrdreg s23  }
0x25: {  	s17 =	simm.s32 $0x1B400;
	s18 =	simm.s32 $0x19180;
	[dreg:$0x1a] =	wrdreg s26  }
0x26: {  	[dreg:$0x1b] =	wrdreg s31;
	s19 =	simm.s32 $0x1C400;
	s20 =	simm.s32 $0x1  }
0x27: {  	v0 =	vimm.f32 $0.0e+00;
	s21 =	simm.s32 $0x19280;
	s23 =	simm.s32 $0x19300;
	s26 =	simm.s32 $0x19380  }
.LBB2_1:
0x28: {  	s1 =	simm.s32 $0x80;
	s6 =	simm.s32 $0x0  }
.LBB2_2:
0x29: {  	p0 =	sne.s32 s1, $0x3F80;
	[tilespmem:s6+$0x19400] =	vst v0;
	s31 =	smov.u32 s1;
	s1 =	sadd.s32 $0x80, s1  }
.Ltmp0:
0x2a: {  	[tilespmem:s6+$0x19410] =	vst v0;
	(pc) =	sbr.rel @p0 .LBB2_2-.Ltmp0, $2  }
0x2b: {  	_ =	sdelay $0x2  }
0x2c: {  	s6 =	sshra.s32 s31, $0x2  }
0x2d: {  	[tilespmem:s6+$0x19400] =	vst v0  }
0x2e: {  	[tilespmem:s6+$0x19410] =	vst v0  }
0x2f: {  	[spmem:s5] =	stream.linear.scatter [tilespmem:s8], [sflag:$0x2], $0x1000, $0x38;
	[tilespmem:$0x1D400] =	vst v63  }
0x30: {  	s0 =	rddreg [dreg:$0x3]  }
0x31: {  	[spmem:s0] =	stream.linear.scatter [tilespmem:s8], [sflag:$0x2], $0x1000, $0x38;
	[tilespmem:$0x1D400] =	vst v63  }
0x32: {  	s1 =	rddreg [dreg:$0x4]  }
0x33: {  	[spmem:s1] =	stream.linear.scatter [tilespmem:s8], [sflag:$0x2], $0x1000, $0x38;
	[tilespmem:$0x1D400] =	vst v63  }
0x34: {  	s6 =	rddreg [dreg:$0x5]  }
0x35: {  	[spmem:s6] =	stream.linear.scatter [tilespmem:s8], [sflag:$0x2], $0x1000, $0x38;
	[tilespmem:$0x1D400] =	vst v63  }
0x36: {  	s7 =	rddreg [dreg:$0x6]  }
0x37: {  	[spmem:s7] =	stream.linear.scatter [tilespmem:s8], [sflag:$0x2], $0x1000, $0x38;
	[tilespmem:$0x1D400] =	vst v63  }
0x38: {  	_ =	swait.ge [sflag:s9], $0x1000  }
0x39: {  	[sflag:s9] =	ssyncset.done $0x0  }
0x3a: {  	[sflag:s9] =	ssyncadd.s32 $0xFFFFF000  }
0x3b: {  	_ =	swait.ge [sflag:s9], $0x1000  }
0x3c: {  	[sflag:s9] =	ssyncset.done $0x0  }
0x3d: {  	[sflag:s9] =	ssyncadd.s32 $0xFFFFF000  }
0x3e: {  	_ =	swait.ge [sflag:s9], $0x1000  }
0x3f: {  	[sflag:s9] =	ssyncset.done $0x0  }
0x40: {  	[sflag:s9] =	ssyncadd.s32 $0xFFFFF000  }
0x41: {  	_ =	swait.ge [sflag:s9], $0x1000  }
0x42: {  	[sflag:s9] =	ssyncset.done $0x0  }
0x43: {  	[sflag:s9] =	ssyncadd.s32 $0xFFFFF000  }
0x44: {  	_ =	swait.ge [sflag:s9], $0x1000  }
0x45: {  	[sflag:s9] =	ssyncset.done $0x0  }
0x46: {  	s1 =	rddreg [dreg:$0x7];
	[sflag:s9] =	ssyncadd.s32 $0xFFFFF000  }
0x47: {  	[spmem:s1] =	stream.linear.scatter [tilespmem:s8], [sflag:$0x2], $0x1000, $0x38;
	[tilespmem:$0x1D400] =	vst v63  }
0x48: {  	s6 =	rddreg [dreg:$0x8]  }
0x49: {  	[spmem:s6] =	stream.linear.scatter [tilespmem:s8], [sflag:$0x2], $0x1000, $0x38;
	[tilespmem:$0x1D400] =	vst v63  }
0x4a: {  	s7 =	rddreg [dreg:$0x9]  }
0x4b: {  	[spmem:s7] =	stream.linear.scatter [tilespmem:s8], [sflag:$0x2], $0x1000, $0x38;
	[tilespmem:$0x1D400] =	vst v63  }
0x4c: {  	s1 =	rddreg [dreg:$0xa]  }
0x4d: {  	[spmem:s1] =	stream.linear.scatter [tilespmem:s8], [sflag:$0x2], $0x1000, $0x38;
	[tilespmem:$0x1D400] =	vst v63  }
0x4e: {  	s6 =	rddreg [dreg:$0xb]  }
0x4f: {  	[spmem:s6] =	stream.linear.scatter [tilespmem:s8], [sflag:$0x2], $0x1000, $0x38;
	[tilespmem:$0x1D400] =	vst v63  }
0x50: {  	_ =	swait.ge [sflag:s9], $0x1000  }
0x51: {  	[sflag:s9] =	ssyncset.done $0x0  }
0x52: {  	[sflag:s9] =	ssyncadd.s32 $0xFFFFF000  }
0x53: {  	_ =	swait.ge [sflag:s9], $0x1000  }
0x54: {  	[sflag:s9] =	ssyncset.done $0x0  }
0x55: {  	[sflag:s9] =	ssyncadd.s32 $0xFFFFF000  }
0x56: {  	_ =	swait.ge [sflag:s9], $0x1000  }
0x57: {  	[sflag:s9] =	ssyncset.done $0x0  }
0x58: {  	[sflag:s9] =	ssyncadd.s32 $0xFFFFF000  }
0x59: {  	_ =	swait.ge [sflag:s9], $0x1000  }
0x5a: {  	[sflag:s9] =	ssyncset.done $0x0  }
0x5b: {  	[sflag:s9] =	ssyncadd.s32 $0xFFFFF000  }
0x5c: {  	_ =	swait.ge [sflag:s9], $0x1000  }
0x5d: {  	[sflag:s9] =	ssyncset.done $0x0  }
0x5e: {  	s7 =	rddreg [dreg:$0xc];
	[sflag:s9] =	ssyncadd.s32 $0xFFFFF000  }
0x5f: {  	[spmem:s7] =	stream.linear.scatter [tilespmem:s8], [sflag:$0x2], $0x1000, $0x38;
	[tilespmem:$0x1D400] =	vst v63  }
0x60: {  	s1 =	rddreg [dreg:$0xd]  }
0x61: {  	[spmem:s1] =	stream.linear.scatter [tilespmem:s8], [sflag:$0x2], $0x1000, $0x38;
	[tilespmem:$0x1D400] =	vst v63  }
0x62: {  	s6 =	rddreg [dreg:$0xe]  }
0x63: {  	[spmem:s6] =	stream.linear.scatter [tilespmem:s8], [sflag:$0x2], $0x1000, $0x38;
	[tilespmem:$0x1D400] =	vst v63  }
0x64: {  	s7 =	rddreg [dreg:$0xf]  }
0x65: {  	[spmem:s7] =	stream.linear.scatter [tilespmem:s8], [sflag:$0x2], $0x1000, $0x38;
	[tilespmem:$0x1D400] =	vst v63  }
0x66: {  	s1 =	rddreg [dreg:$0x10]  }
0x67: {  	[spmem:s1] =	stream.linear.scatter [tilespmem:s8], [sflag:$0x2], $0x1000, $0x38;
	[tilespmem:$0x1D400] =	vst v63  }
0x68: {  	_ =	swait.ge [sflag:s9], $0x1000  }
0x69: {  	[sflag:s9] =	ssyncset.done $0x0  }
0x6a: {  	[sflag:s9] =	ssyncadd.s32 $0xFFFFF000  }
0x6b: {  	_ =	swait.ge [sflag:s9], $0x1000  }
0x6c: {  	[sflag:s9] =	ssyncset.done $0x0  }
0x6d: {  	[sflag:s9] =	ssyncadd.s32 $0xFFFFF000  }
0x6e: {  	_ =	swait.ge [sflag:s9], $0x1000  }
0x6f: {  	[sflag:s9] =	ssyncset.done $0x0  }
0x70: {  	[sflag:s9] =	ssyncadd.s32 $0xFFFFF000  }
0x71: {  	_ =	swait.ge [sflag:s9], $0x1000  }
0x72: {  	[sflag:s9] =	ssyncset.done $0x0  }
0x73: {  	[sflag:s9] =	ssyncadd.s32 $0xFFFFF000  }
0x74: {  	_ =	swait.ge [sflag:s9], $0x1000  }
0x75: {  	[sflag:s9] =	ssyncset.done $0x0  }
0x76: {  	s6 =	rddreg [dreg:$0x11];
	[sflag:s9] =	ssyncadd.s32 $0xFFFFF000  }
0x77: {  	[spmem:s6] =	stream.linear.scatter [tilespmem:s8], [sflag:$0x2], $0x1000, $0x38;
	[tilespmem:$0x1D400] =	vst v63  }
0x78: {  	s7 =	rddreg [dreg:$0x12]  }
0x79: {  	[spmem:s7] =	stream.linear.scatter [tilespmem:s8], [sflag:$0x2], $0x1000, $0x38;
	[tilespmem:$0x1D400] =	vst v63  }
0x7a: {  	s1 =	rddreg [dreg:$0x14]  }
0x7b: {  	[spmem:s1] =	stream.linear.scatter [tilespmem:s8], [sflag:$0x2], $0x1000, $0x38;
	[tilespmem:$0x1D400] =	vst v63  }
0x7c: {  	s6 =	rddreg [dreg:$0x15]  }
0x7d: {  	[spmem:s6] =	stream.linear.scatter [tilespmem:s8], [sflag:$0x2], $0x1000, $0x38;
	[tilespmem:$0x1D400] =	vst v63  }
0x7e: {  	s7 =	rddreg [dreg:$0x16]  }
0x7f: {  	[spmem:s7] =	stream.linear.scatter [tilespmem:s8], [sflag:$0x2], $0x1000, $0x38;
	[tilespmem:$0x1D400] =	vst v63  }
0x80: {  	_ =	swait.ge [sflag:s9], $0x1000  }
0x81: {  	[sflag:s9] =	ssyncset.done $0x0  }
0x82: {  	[sflag:s9] =	ssyncadd.s32 $0xFFFFF000  }
0x83: {  	_ =	swait.ge [sflag:s9], $0x1000  }
0x84: {  	[sflag:s9] =	ssyncset.done $0x0  }
0x85: {  	[sflag:s9] =	ssyncadd.s32 $0xFFFFF000  }
0x86: {  	_ =	swait.ge [sflag:s9], $0x1000  }
0x87: {  	[sflag:s9] =	ssyncset.done $0x0  }
0x88: {  	[sflag:s9] =	ssyncadd.s32 $0xFFFFF000  }
0x89: {  	_ =	swait.ge [sflag:s9], $0x1000  }
0x8a: {  	[sflag:s9] =	ssyncset.done $0x0  }
0x8b: {  	[sflag:s9] =	ssyncadd.s32 $0xFFFFF000  }
0x8c: {  	_ =	swait.ge [sflag:s9], $0x1000  }
0x8d: {  	[sflag:s9] =	ssyncset.done $0x0  }
0x8e: {  	s1 =	rddreg [dreg:$0x17];
	[sflag:s9] =	ssyncadd.s32 $0xFFFFF000  }
0x8f: {  	[spmem:s1] =	stream.linear.scatter [tilespmem:s8], [sflag:$0x2], $0x1000, $0x38;
	[tilespmem:$0x1D400] =	vst v63  }
0x90: {  	s6 =	rddreg [dreg:$0x18]  }
0x91: {  	[spmem:s6] =	stream.linear.scatter [tilespmem:s8], [sflag:$0x2], $0x1000, $0x38;
	[tilespmem:$0x1D400] =	vst v63  }
0x92: {  	s7 =	rddreg [dreg:$0x19]  }
0x93: {  	[spmem:s7] =	stream.linear.scatter [tilespmem:s8], [sflag:$0x2], $0x1000, $0x38;
	[tilespmem:$0x1D400] =	vst v63  }
0x94: {  	s1 =	rddreg [dreg:$0x1a]  }
0x95: {  	[spmem:s1] =	stream.linear.scatter [tilespmem:s8], [sflag:$0x2], $0x1000, $0x38;
	[tilespmem:$0x1D400] =	vst v63  }
0x96: {  	s6 =	rddreg [dreg:$0x1b]  }
0x97: {  	[spmem:s6] =	stream.linear.scatter [tilespmem:s8], [sflag:$0x2], $0x1000, $0x38;
	[tilespmem:$0x1D400] =	vst v63  }
0x98: {  	_ =	swait.ge [sflag:s9], $0x1000  }
0x99: {  	[sflag:s9] =	ssyncset.done $0x0  }
0x9a: {  	[sflag:s9] =	ssyncadd.s32 $0xFFFFF000  }
0x9b: {  	_ =	swait.ge [sflag:s9], $0x1000  }
0x9c: {  	[sflag:s9] =	ssyncset.done $0x0  }
0x9d: {  	[sflag:s9] =	ssyncadd.s32 $0xFFFFF000  }
0x9e: {  	_ =	swait.ge [sflag:s9], $0x1000  }
0x9f: {  	[sflag:s9] =	ssyncset.done $0x0  }
0xa0: {  	[sflag:s9] =	ssyncadd.s32 $0xFFFFF000  }
0xa1: {  	_ =	swait.ge [sflag:s9], $0x1000  }
0xa2: {  	[sflag:s9] =	ssyncset.done $0x0  }
0xa3: {  	[sflag:s9] =	ssyncadd.s32 $0xFFFFF000  }
0xa4: {  	_ =	swait.ge [sflag:s9], $0x1000  }
0xa5: {  	[sflag:s9] =	ssyncset.done $0x0  }
0xa6: {  	[sflag:s9] =	ssyncadd.s32 $0xFFFFF000  }
0xa7: {  	s1 =	sadd.s32 $0x0, s24;
	[bflag:$0x0] =	sbarrier.arrive $0xFFFF  }
0xa8: {  	[tilespmem:s10], [sflag:$0x3] =	stream.linear.gather [hbm4b:s1+s3], $0x200, $0x38;
	[tilespmem:$0x1D400] =	vst v63  }
0xa9: {  	_ =	swait.ge [sflag:s11], $0x200  }
0xaa: {  	[sflag:s11] =	ssyncset.done $0x0  }
0xab: {  	s7 =	sadd.s32 $0x0, s22;
	[sflag:s11] =	ssyncadd.s32 $0xFFFFFE00  }
0xac: {  	[tilespmem:s12], [sflag:$0x3] =	stream.linear.gather [hbm4b:s7+s3], $0x200, $0x38;
	[tilespmem:$0x1D400] =	vst v63  }
0xad: {  	_ =	swait.ge [sflag:s11], $0x200  }
0xae: {  	[sflag:s11] =	ssyncset.done $0x0  }
0xaf: {  	[sflag:s11] =	ssyncadd.s32 $0xFFFFFE00  }
0xb0: {  	[tilespmem:s8], [sflag:$0x1] =	stream.indirect.gather [hbm4b:s4+s13], $0x20, s10, s13, $0xb8;
	[tilespmem:$0x1D400] =	vst v63  }
0xb1: {  	_ = 	snop  }
0xb2: {  	[tilespmem:s15], [sflag:$0x1] =	stream.indirect.gather [hbm4b:s4+s13], $0x20, s14, s13, $0xb8;
	[tilespmem:$0x1D400] =	vst v63  }
0xb3: {  	_ = 	snop  }
0xb4: {  	[tilespmem:s17], [sflag:$0x1] =	stream.indirect.gather [hbm4b:s4+s13], $0x20, s16, s13, $0xb8;
	[tilespmem:$0x1D400] =	vst v63  }
0xb5: {  	_ = 	snop  }
0xb6: {  	[tilespmem:s19], [sflag:$0x1] =	stream.indirect.gather [hbm4b:s4+s13], $0x20, s18, s13, $0xb8;
	[tilespmem:$0x1D400] =	vst v63  }
0xb7: {  	_ =	swait.ge [sflag:s20], $0x1000  }
0xb8: {  	[sflag:s20] =	ssyncset.done $0x0  }
0xb9: {  	[sflag:s20] =	ssyncadd.s32 $0xFFFFF000  }
0xba: {  	_ =	swait.ge [sflag:s20], $0x1000  }
0xbb: {  	[sflag:s20] =	ssyncset.done $0x0  }
0xbc: {  	[sflag:s20] =	ssyncadd.s32 $0xFFFFF000  }
0xbd: {  	_ =	swait.ge [sflag:s20], $0x1000  }
0xbe: {  	[sflag:s20] =	ssyncset.done $0x0  }
0xbf: {  	[sflag:s20] =	ssyncadd.s32 $0xFFFFF000  }
0xc0: {  	_ =	swait.ge [sflag:s20], $0x1000  }
0xc1: {  	[sflag:s20] =	ssyncset.done $0x0  }
0xc2: {  	[sflag:s20] =	ssyncadd.s32 $0xFFFFF000  }
0xc3: {  	[spmem:s2] =	stream.indirect.scatter.add.f32 [tilespmem:s8], [sflag:$0x2], $0x20, s12, s13, $0xb8;
	[tilespmem:$0x1D400] =	vst v63  }
0xc4: {  	_ = 	snop  }
0xc5: {  	[spmem:s2] =	stream.indirect.scatter.add.f32 [tilespmem:s15], [sflag:$0x2], $0x20, s21, s13, $0xb8;
	[tilespmem:$0x1D400] =	vst v63  }
0xc6: {  	_ = 	snop  }
0xc7: {  	[spmem:s2] =	stream.indirect.scatter.add.f32 [tilespmem:s17], [sflag:$0x2], $0x20, s23, s13, $0xb8;
	[tilespmem:$0x1D400] =	vst v63  }
0xc8: {  	_ = 	snop  }
0xc9: {  	[spmem:s2] =	stream.indirect.scatter.add.f32 [tilespmem:s19], [sflag:$0x2], $0x20, s26, s13, $0xb8;
	[tilespmem:$0x1D400] =	vst v63  }
0xca: {  	_ =	swait.ge [sflag:s9], $0x1000  }
0xcb: {  	[sflag:s9] =	ssyncset.done $0x0  }
0xcc: {  	[sflag:s9] =	ssyncadd.s32 $0xFFFFF000  }
0xcd: {  	_ =	swait.ge [sflag:s9], $0x1000  }
0xce: {  	[sflag:s9] =	ssyncset.done $0x0  }
0xcf: {  	[sflag:s9] =	ssyncadd.s32 $0xFFFFF000  }
0xd0: {  	_ =	swait.ge [sflag:s9], $0x1000  }
0xd1: {  	[sflag:s9] =	ssyncset.done $0x0  }
0xd2: {  	[sflag:s9] =	ssyncadd.s32 $0xFFFFF000  }
0xd3: {  	_ =	swait.ge [sflag:s9], $0x1000  }
0xd4: {  	s31 =	simm.s32 $0x40;
	s6 =	simm.s32 $0x80;
	[sflag:s9] =	ssyncset.done $0x0  }
.LBB2_4:
0xd5: {  	s7 =	sadd.s32 s31, s24  }
0xd6: {  	[sflag:s9] =	ssyncadd.s32 $0xFFFFF000;
	s0 =	smov.u32 s6;
	s1 =	sadd.s32 $0x40, s6  }
0xd7: {  	[tilespmem:s10], [sflag:$0x3] =	stream.linear.gather [hbm4b:s7+s3], $0x200, $0x38;
	[tilespmem:$0x1D400] =	vst v63  }
0xd8: {  	p0 =	sne.s32 s6, $0x1840;
	_ =	swait.ge [sflag:s11], $0x200  }
0xd9: {  	[sflag:s11] =	ssyncset.done $0x0  }
0xda: {  	s6 =	sadd.s32 s31, s22;
	s31 =	smov.u32 s0;
	[sflag:s11] =	ssyncadd.s32 $0xFFFFFE00  }
0xdb: {  	[tilespmem:s12], [sflag:$0x3] =	stream.linear.gather [hbm4b:s6+s3], $0x200, $0x38;
	[tilespmem:$0x1D400] =	vst v63  }
0xdc: {  	_ =	swait.ge [sflag:s11], $0x200  }
0xdd: {  	[sflag:s11] =	ssyncset.done $0x0  }
0xde: {  	[sflag:s11] =	ssyncadd.s32 $0xFFFFFE00  }
0xdf: {  	[tilespmem:s8], [sflag:$0x1] =	stream.indirect.gather [hbm4b:s4+s13], $0x20, s10, s13, $0xb8;
	[tilespmem:$0x1D400] =	vst v63  }
0xe0: {  	_ = 	snop  }
0xe1: {  	[tilespmem:s15], [sflag:$0x1] =	stream.indirect.gather [hbm4b:s4+s13], $0x20, s14, s13, $0xb8;
	[tilespmem:$0x1D400] =	vst v63  }
0xe2: {  	_ = 	snop  }
0xe3: {  	[tilespmem:s17], [sflag:$0x1] =	stream.indirect.gather [hbm4b:s4+s13], $0x20, s16, s13, $0xb8;
	[tilespmem:$0x1D400] =	vst v63  }
0xe4: {  	_ = 	snop  }
0xe5: {  	[tilespmem:s19], [sflag:$0x1] =	stream.indirect.gather [hbm4b:s4+s13], $0x20, s18, s13, $0xb8;
	[tilespmem:$0x1D400] =	vst v63  }
0xe6: {  	_ =	swait.ge [sflag:s20], $0x1000  }
0xe7: {  	[sflag:s20] =	ssyncset.done $0x0  }
0xe8: {  	[sflag:s20] =	ssyncadd.s32 $0xFFFFF000  }
0xe9: {  	_ =	swait.ge [sflag:s20], $0x1000  }
0xea: {  	[sflag:s20] =	ssyncset.done $0x0  }
0xeb: {  	[sflag:s20] =	ssyncadd.s32 $0xFFFFF000  }
0xec: {  	_ =	swait.ge [sflag:s20], $0x1000  }
0xed: {  	[sflag:s20] =	ssyncset.done $0x0  }
0xee: {  	[sflag:s20] =	ssyncadd.s32 $0xFFFFF000  }
0xef: {  	_ =	swait.ge [sflag:s20], $0x1000  }
0xf0: {  	[sflag:s20] =	ssyncset.done $0x0  }
0xf1: {  	[sflag:s20] =	ssyncadd.s32 $0xFFFFF000  }
0xf2: {  	[spmem:s2] =	stream.indirect.scatter.add.f32 [tilespmem:s8], [sflag:$0x2], $0x20, s12, s13, $0xb8;
	[tilespmem:$0x1D400] =	vst v63  }
0xf3: {  	_ = 	snop  }
0xf4: {  	[spmem:s2] =	stream.indirect.scatter.add.f32 [tilespmem:s15], [sflag:$0x2], $0x20, s21, s13, $0xb8;
	[tilespmem:$0x1D400] =	vst v63  }
0xf5: {  	_ = 	snop  }
0xf6: {  	[spmem:s2] =	stream.indirect.scatter.add.f32 [tilespmem:s17], [sflag:$0x2], $0x20, s23, s13, $0xb8;
	[tilespmem:$0x1D400] =	vst v63  }
0xf7: {  	_ = 	snop  }
0xf8: {  	[spmem:s2] =	stream.indirect.scatter.add.f32 [tilespmem:s19], [sflag:$0x2], $0x20, s26, s13, $0xb8;
	[tilespmem:$0x1D400] =	vst v63  }
0xf9: {  	_ =	swait.ge [sflag:s9], $0x1000  }
0xfa: {  	[sflag:s9] =	ssyncset.done $0x0  }
0xfb: {  	[sflag:s9] =	ssyncadd.s32 $0xFFFFF000  }
0xfc: {  	_ =	swait.ge [sflag:s9], $0x1000  }
0xfd: {  	[sflag:s9] =	ssyncset.done $0x0  }
0xfe: {  	[sflag:s9] =	ssyncadd.s32 $0xFFFFF000  }
.Ltmp1:
0xff: {  	_ =	swait.ge [sflag:s9], $0x1000;
	(pc) =	sbr.rel @p0 .LBB2_4-.Ltmp1, $4  }
0x100: {  	[sflag:s9] =	ssyncset.done $0x0  }
0x101: {  	[sflag:s9] =	ssyncadd.s32 $0xFFFFF000  }
0x102: {  	_ =	swait.ge [sflag:s9], $0x1000  }
0x103: {  	s6 =	smov.u32 s1;
	[sflag:s9] =	ssyncset.done $0x0  }
0x104: {  	s0 =	sadd.s32 s31, s24;
	[sflag:s9] =	ssyncadd.s32 $0xFFFFF000  }
0x105: {  	[tilespmem:s10], [sflag:$0x3] =	stream.linear.gather [hbm4b:s0+s3], $0x200, $0x38;
	[tilespmem:$0x1D400] =	vst v63  }
0x106: {  	_ =	swait.ge [sflag:s11], $0x200  }
0x107: {  	[sflag:s11] =	ssyncset.done $0x0  }
0x108: {  	s1 =	sadd.s32 s31, s22;
	[sflag:s11] =	ssyncadd.s32 $0xFFFFFE00  }
0x109: {  	[tilespmem:s12], [sflag:$0x3] =	stream.linear.gather [hbm4b:s1+s3], $0x200, $0x38;
	[tilespmem:$0x1D400] =	vst v63  }
0x10a: {  	_ =	swait.ge [sflag:s11], $0x200  }
0x10b: {  	[sflag:s11] =	ssyncset.done $0x0  }
0x10c: {  	[sflag:s11] =	ssyncadd.s32 $0xFFFFFE00  }
0x10d: {  	[tilespmem:s8], [sflag:$0x1] =	stream.indirect.gather [hbm4b:s4+s13], $0x20, s10, s13, $0xb8;
	[tilespmem:$0x1D400] =	vst v63  }
0x10e: {  	_ = 	snop  }
0x10f: {  	[tilespmem:s15], [sflag:$0x1] =	stream.indirect.gather [hbm4b:s4+s13], $0x20, s14, s13, $0xb8;
	[tilespmem:$0x1D400] =	vst v63  }
0x110: {  	_ = 	snop  }
0x111: {  	[tilespmem:s17], [sflag:$0x1] =	stream.indirect.gather [hbm4b:s4+s13], $0x20, s16, s13, $0xb8;
	[tilespmem:$0x1D400] =	vst v63  }
0x112: {  	_ = 	snop  }
0x113: {  	[tilespmem:s19], [sflag:$0x1] =	stream.indirect.gather [hbm4b:s4+s13], $0x20, s18, s13, $0xb8;
	[tilespmem:$0x1D400] =	vst v63  }
0x114: {  	_ =	swait.ge [sflag:s20], $0x1000  }
0x115: {  	[sflag:s20] =	ssyncset.done $0x0  }
0x116: {  	[sflag:s20] =	ssyncadd.s32 $0xFFFFF000  }
0x117: {  	_ =	swait.ge [sflag:s20], $0x1000  }
0x118: {  	[sflag:s20] =	ssyncset.done $0x0  }
0x119: {  	[sflag:s20] =	ssyncadd.s32 $0xFFFFF000  }
0x11a: {  	_ =	swait.ge [sflag:s20], $0x1000  }
0x11b: {  	[sflag:s20] =	ssyncset.done $0x0  }
0x11c: {  	[sflag:s20] =	ssyncadd.s32 $0xFFFFF000  }
0x11d: {  	_ =	swait.ge [sflag:s20], $0x1000  }
0x11e: {  	[sflag:s20] =	ssyncset.done $0x0  }
0x11f: {  	[sflag:s20] =	ssyncadd.s32 $0xFFFFF000  }
0x120: {  	[spmem:s2] =	stream.indirect.scatter.add.f32 [tilespmem:s8], [sflag:$0x2], $0x20, s12, s13, $0xb8;
	[tilespmem:$0x1D400] =	vst v63  }
0x121: {  	_ = 	snop  }
0x122: {  	[spmem:s2] =	stream.indirect.scatter.add.f32 [tilespmem:s15], [sflag:$0x2], $0x20, s21, s13, $0xb8;
	[tilespmem:$0x1D400] =	vst v63  }
0x123: {  	_ = 	snop  }
0x124: {  	[spmem:s2] =	stream.indirect.scatter.add.f32 [tilespmem:s17], [sflag:$0x2], $0x20, s23, s13, $0xb8;
	[tilespmem:$0x1D400] =	vst v63  }
0x125: {  	_ = 	snop  }
0x126: {  	[spmem:s2] =	stream.indirect.scatter.add.f32 [tilespmem:s19], [sflag:$0x2], $0x20, s26, s13, $0xb8;
	[tilespmem:$0x1D400] =	vst v63  }
0x127: {  	_ =	swait.ge [sflag:s9], $0x1000  }
0x128: {  	[sflag:s9] =	ssyncset.done $0x0  }
0x129: {  	[sflag:s9] =	ssyncadd.s32 $0xFFFFF000  }
0x12a: {  	_ =	swait.ge [sflag:s9], $0x1000  }
0x12b: {  	[sflag:s9] =	ssyncset.done $0x0  }
0x12c: {  	[sflag:s9] =	ssyncadd.s32 $0xFFFFF000  }
0x12d: {  	_ =	swait.ge [sflag:s9], $0x1000  }
0x12e: {  	[sflag:s9] =	ssyncset.done $0x0  }
0x12f: {  	[sflag:s9] =	ssyncadd.s32 $0xFFFFF000  }
0x130: {  	_ =	swait.ge [sflag:s9], $0x1000  }
0x131: {  	s6 =	stileid.u32;
	[sflag:s9] =	ssyncset.done $0x0  }
0x132: {  	s7 =	sshrl.u32 s5, $0x3;
	s0 =	sshll.u32 s6, $0x6;
	[sflag:s9] =	ssyncadd.s32 $0xFFFFF000  }
0x133: {  	s6 =	sadd.s32 $0x0, s25;
	s1 =	sor.u32 $0x1C03, s0;
	[bflag:$0x0] =	sbarrier.arrive $0xFFFF  }
0x134: {  	[hbm:s6@s28], [sflag:s1] =	dma.strided [spmem:s7@s29], $0x200, s20, $0x4   }
0x135: {  	_ =	swait.ge [sflag:s11], $0x200  }
0x136: {  	s31 =	simm.s32 $0x800;
	s6 =	rddreg [dreg:$0x3]  }
.LBB2_6:
0x137: {  	s0 =	sadd.s32 s31, s25;
	[sflag:s11] =	ssyncset.done $0x0;
	p0 =	sne.s32 s31, $0xC000  }
.Ltmp2:
0x138: {  	s7 =	sshrl.u32 s6, $0x3;
	[sflag:s11] =	ssyncadd.s32 $0xFFFFFE00;
	(pc) =	sbr.rel @p0 .LBB2_6-.Ltmp2, $3  }
0x139: {  	[hbm:s0@s28], [sflag:s1] =	dma.strided [spmem:s7@s29], $0x200, s20, $0x4   }
0x13a: {  	s31 =	sadd.s32 $0x800, s31;
	_ =	sdelay $0x1  }
0x13b: {  	s6 =	sadd.s32 $0x1000, s6;
	_ =	swait.ge [sflag:s11], $0x200  }
0x13c: {  	s30 =	sadd.s32 $0x1, s30;
	s0 =	rddreg [dreg:$0x13]  }
0x13d: {  	p0 =	sne.s32 s30, s0  }
.Ltmp3:
0x13e: {  	_ = 	snop;
	(pc) =	sbr.rel @p0 .LBB2_1-.Ltmp3, $3  }
0x13f: {  	_ =	sdelay $0x1  }
0x140: {  	[sflag:s11] =	ssyncset.done $0x0  }
0x141: {  	[sflag:s11] =	ssyncadd.s32 $0xFFFFFE00  }
0x142: {  	_ =	sfence.sel $0x180000  }
0x143: {  	[bflag:$0x0] =	sbarrier.arrive $0xFFFF  }
0x144: {  	_ =	strace $0x9000004D  }
0x145: {  	s0 =	stileid.u32;
	[bflag:$0x2] =	sbarrier.arrive $0xFFFF  }
0x146: {  	p0 =	sne.s32 s0, $0x0;
	s0 =	rddreg [dreg:$0x2]  }
0x147: {  	s0 =	sadd.s32 @!p0 $0x100000, s0  }
0x148: {  	[sflag:s0] =	ssyncadd.tile.s32 @!p0 $0x1;
	_ =	shalt  }
.Lfunc_end2:
_tile_overlayer_lowered:
.L_overlay_start_2:
0x149: {  	(tag) =	ssettag $0x2  }
0x14a: {  	s0 =	rddreg [dreg:$0x0];
	s2 =	stileid.u32  }
0x14b: {  	s1 =	rddreg [dreg:$0x1];
	p0 =	sne.s32 s2, $0x0  }
0x14c: {  	s3 =	rddreg [dreg:$0x2];
	[bflag:$0x3] =	sbarrier.arrive $0xFFFF;
	s2 =	simm.s32 @!p0 $0x1C03  }
0x14d: {  	[timem:s3], [sflag:s2] =	dma.local @!p0 [hbm:s0], s1  }
0x14e: {  	s0 =	simm.s32 @!p0 $0x3  }
0x14f: {  	_ =	swait.ge @!p0 [sflag:s0], s1  }
0x150: {  	s1 =	ssub.s32 @!p0 $0x0, s1;
	[sflag:s0] =	ssyncset.done @!p0 $0x0  }
0x151: {  	[sflag:s0] =	ssyncadd.s32 @!p0 s1  }
0x152: {  	[bflag:$0x3] =	sbarrier.arrive $0xFFFF  }
0x153: {  	_ =	shalt  }

// kernel: kernel.8.cloned.1.call-start
scs
__scs_entry_jumppad:
0x0: {  	(pc) =	sbr.rel $0x88, $3  }
0x1: {  	(tag) =	ssettag $0x0;
	lr =	simm.s32 $0x1  }
0x2: {  	[smem:$0x3F8A] =	sst lr;
	_ =	strace $0xD0000000  }
0x3: {  	_ = 	snop  }
0x4: {  	_ = 	snop  }
0x5: {  	_ = 	snop  }
0x6: {  	_ = 	snop  }
0x7: {  	_ = 	snop  }
__scs_overlays_trampoline_lowered:
0x8: {  	[smem:$0x3F99] =	sst s0  }
0x9: {  	[smem:$0x3F9A] =	sst s1  }
0xa: {  	[smem:$0x3F9B] =	sst s2  }
0xb: {  	[smem:$0x3F9C] =	sst s3  }
0xc: {  	[smem:$0x3F9D] =	sst s4  }
0xd: {  	[smem:$0x3F9E] =	sst s5  }
0xe: {  	[smem:$0x3F9F] =	sst s6  }
0xf: {  	[smem:$0x3FA0] =	sst s7  }
0x10: {  	[smem:$0x3FA1] =	sst s8  }
0x11: {  	[smem:$0x3FA2] =	sst s9;
	s0 =	simm.s32 @!p0 $0x0  }
0x12: {  	s1 =	sld [smem:$0x3F88];
	s0 =	simm.s32 @p0 $0x1  }
0x13: {  	[smem:$0x3FA3] =	sst s0;
	s0 =	simm.s32 @!p1 $0x0  }
0x14: {  	s2 =	sld [smem:$0x3F87];
	s0 =	simm.s32 @p1 $0x1  }
0x15: {  	[smem:$0x3FA4] =	sst s0;
	s0 =	simm.s32 @!p2 $0x0  }
0x16: {  	s3 =	sld [smem:$0x3FDB];
	s0 =	simm.s32 @p2 $0x1  }
0x17: {  	s4 =	simm.s32 $0x1BF5;
	[smem:$0x3FA6] =	sst s0  }
0x18: {  	s0 =	sld [smem:$0x3F89];
	_ =	swait.ge [sflag:s4], $0x0  }
0x19: {  	s7 =	sld [smem:$0x3F8A]  }
0x1a: {  	s8 =	sadd.s32 $0xFFFFE003, lr  }
0x1b: {  	s9 =	sadd.s32 $0xFFFFFEF7, lr;
	s5 =	simm.s32 $0xFFFFFFFF;
	p2 =	slt.u32 s8, $0xFFFFF086  }
0x1c: {  	p1 =	slt.u32 s9, $0xF7A;
	s5 =	simm.s32 @!p2 $0x0  }
0x1d: {  	s5 =	simm.s32 @p1 $0x1;
	p0 =	seq.s32 s7, s2  }
0x1e: {  	s7 =	smul.u32 @!p0 $0xF7A, s2;
	p2 =	seq.s32 @!p0 s5, $0x0  }
0x1f: {  	s9 =	smul.u32 $0xF7A, s1;
	s8 =	simm.s32 @!p0 $0x1BF5;
	p2 =	por !p2, p0  }
0x20: {  	[sflag:s8] =	ssyncset.s32 @!p0 $0xFFFFF086;
	s6 =	sadd.s32 @!p0 s3, s7;
	s7 =	simm.s32 @!p0 $0x108  }
0x21: {  	s3 =	sadd.s32 s3, s9;
	s6 =	sadd.s32 @!p0 $0x88, s6;
	s7 =	simm.s32 @p2 $0x1082  }
0x22: {  	[simem:s7], [sflag:s8] =	dma.local @!p0 [hbm:s6], $0xF7A  }
0x23: {  	s9 =	sor.u32 $0xD0000000, s2;
	s6 =	simm.s32 $0x108;
	_ =	swait.ge @!p0 [sflag:s8], $0x0  }
0x24: {  	s3 =	sadd.s32 $0x88, s3;
	s6 =	simm.s32 @!p1 $0x1082;
	[sflag:s4] =	ssyncset.s32 $0xFFFFF086  }
0x25: {  	[simem:s6], [sflag:s4] =	dma.local [hbm:s3], $0xF7A  }
0x26: {  	[smem:$0x3F8A] =	sst s1;
	(tag) =	ssettag s2;
	_ =	strace s9  }
0x27: {  	s1 =	sld [smem:$0x3F9A]  }
0x28: {  	s2 =	sld [smem:$0x3F9B]  }
0x29: {  	s4 =	sld [smem:$0x3F9D]  }
0x2a: {  	p0 =	seq.s32 s5, $0x0;
	s5 =	sld [smem:$0x3F9E]  }
0x2b: {  	s6 =	sld [smem:$0x3F9F]  }
0x2c: {  	s7 =	sld [smem:$0x3FA0]  }
0x2d: {  	s3 =	simm.s32 $0x108;
	s8 =	sld [smem:$0x3FA1]  }
0x2e: {  	s3 =	simm.s32 @!p0 $0x1082;
	s9 =	sld [smem:$0x3FA2]  }
0x2f: {  	lr =	sadd.s32 s0, s3;
	s0 =	sld [smem:$0x3F99]  }
0x30: {  	s3 =	sld [smem:$0x3F9C]  }
0x31: {  	[smem:$0x3FA5] =	sst s10  }
0x32: {  	s10 =	sld [smem:$0x3FA3];
	_ =	sdelay $0x3  }
0x33: {  	p0 =	seq.s32 s10, $0x1;
	s10 =	sld [smem:$0x3FA5];
	_ =	sdelay $0x3  }
0x34: {  	[smem:$0x3FA5] =	sst s10  }
0x35: {  	s10 =	sld [smem:$0x3FA4];
	_ =	sdelay $0x3  }
0x36: {  	p1 =	seq.s32 s10, $0x1;
	s10 =	sld [smem:$0x3FA5];
	_ =	sdelay $0x3  }
0x37: {  	[smem:$0x3FA5] =	sst s10  }
0x38: {  	s10 =	sld [smem:$0x3FA6]  }
0x39: {  	_ = 	snop;
	(pc) =	sbr.ind lr, $3  }
0x3a: {  	_ = 	snop  }
0x3b: {  	_ = 	snop  }
0x3c: {  	p2 =	seq.s32 s10, $0x1;
	s10 =	sld [smem:$0x3FA5]  }
0x3d: {  	_ =	shalt  }
0x3e: {  	_ =	shalt  }
0x3f: {  	_ =	shalt  }
0x40: {  	_ =	shalt  }
0x41: {  	_ =	shalt  }
0x42: {  	_ =	shalt  }
0x43: {  	_ =	shalt  }
0x44: {  	_ =	shalt  }
0x45: {  	_ =	shalt  }
0x46: {  	_ =	shalt  }
0x47: {  	_ =	shalt  }
0x48: {  	_ =	shalt  }
0x49: {  	_ =	shalt  }
0x4a: {  	_ =	shalt  }
0x4b: {  	_ =	shalt  }
0x4c: {  	_ =	shalt  }
0x4d: {  	_ =	shalt  }
0x4e: {  	_ =	shalt  }
0x4f: {  	_ =	shalt  }
0x50: {  	_ =	shalt  }
0x51: {  	_ =	shalt  }
0x52: {  	_ =	shalt  }
0x53: {  	_ =	shalt  }
0x54: {  	_ =	shalt  }
0x55: {  	_ =	shalt  }
0x56: {  	_ =	shalt  }
0x57: {  	_ =	shalt  }
0x58: {  	_ =	shalt  }
0x59: {  	_ =	shalt  }
0x5a: {  	_ =	shalt  }
0x5b: {  	_ =	shalt  }
0x5c: {  	_ =	shalt  }
0x5d: {  	_ =	shalt  }
0x5e: {  	_ =	shalt  }
0x5f: {  	_ =	shalt  }
0x60: {  	_ =	shalt  }
0x61: {  	_ =	shalt  }
0x62: {  	_ =	shalt  }
0x63: {  	_ =	shalt  }
0x64: {  	_ =	shalt  }
0x65: {  	_ =	shalt  }
0x66: {  	_ =	shalt  }
0x67: {  	_ =	shalt  }
0x68: {  	_ =	shalt  }
0x69: {  	_ =	shalt  }
0x6a: {  	_ =	shalt  }
0x6b: {  	_ =	shalt  }
0x6c: {  	_ =	shalt  }
0x6d: {  	_ =	shalt  }
0x6e: {  	_ =	shalt  }
0x6f: {  	_ =	shalt  }
0x70: {  	_ =	shalt  }
0x71: {  	_ =	shalt  }
0x72: {  	_ =	shalt  }
0x73: {  	_ =	shalt  }
0x74: {  	_ =	shalt  }
0x75: {  	_ =	shalt  }
0x76: {  	_ =	shalt  }
0x77: {  	_ =	shalt  }
0x78: {  	_ =	shalt  }
0x79: {  	_ =	shalt  }
0x7a: {  	_ =	shalt  }
0x7b: {  	_ =	shalt  }
0x7c: {  	_ =	shalt  }
0x7d: {  	_ =	shalt  }
0x7e: {  	_ =	shalt  }
0x7f: {  	_ =	shalt  }
0x80: {  	_ =	shalt  }
0x81: {  	_ =	shalt  }
0x82: {  	_ =	shalt  }
0x83: {  	_ =	shalt  }
0x84: {  	_ =	shalt  }
0x85: {  	_ =	shalt  }
0x86: {  	_ =	shalt  }
0x87: {  	_ =	shalt  }
.Lfunc_end0:
.L_simem_size_0:
called_computation_lowered:
.L_overlay_start_0:
0x88: {  	s2 =	sld [smem:$0x3FD9]  }
0x89: {  	s3 =	sld [smem:$0x3FFE];
	_ =	sdelay $0x1  }
0x8a: {  	s1 =	srdreg.scid  }
0x8b: {  	s0 =	sand.u32 $0x1, s1  }
0x8c: {  	s16 =	sshll.u32 s0, $0xA;
	s2 =	sadd.s32 s3, s2  }
0x8d: {  	s2 =	sadd.s32 s2, s16  }
0x8e: {  	[smem:$0x3FB1] =	sst s2  }
0x8f: {  	_ = 	snop  }
0x90: {  	(tm) =	ssettm $0x1  }
0x91: {  	s17 =	sld [smem:$0x3FFB];
	_ =	sdelay $0x3  }
0x92: {  	_ =	strace s17  }
0x93: {  	s2 =	sld [smem:$0x3FFC];
	_ =	sdelay $0x3  }
0x94: {  	_ =	strace s2  }
0x95: {  	s2 =	sld [smem:$0x3FFD];
	_ =	sdelay $0x3  }
0x96: {  	_ =	strace s2  }
0x97: {  	_ =	strace $0x8FFFFFFF  }
0x98: {  	s18 =	sld [smem:$0x3FDB];
	_ =	sdelay $0x1  }
0x99: {  	s19 =	simm.s32 $_scs_section_size  }
0x9a: {  	s4 =	simm.s32 $_size__tile_overlayer_lowered;
	s5 =	simm.s32 $_tile_overlayer_lowered  }
0x9b: {  	s22 =	simm.s32 $0x1BFF;
	s21 =	sshll.u32 s5, $0x1;
	s2 =	sadd.s32 s19, s18  }
0x9c: {  	s6 =	simm.s32 $0x0;
	s20 =	sshll.u32 s4, $0x1;
	s4 =	sadd.s32 s21, s2  }
0x9d: {  	[timem:s6], [sflag:s22] =	dma.local [hbm:s4], s20  }
0x9e: {  	_ =	swait.ge [sflag:s22], s20  }
0x9f: {  	s3 =	ssub.s32 $0x0, s20;
	[sflag:s22] =	ssyncset.done $0x0  }
0xa0: {  	[sflag:s22] =	ssyncadd.s32 s3;
	_ =	sdelay $0x1  }
0xa1: {  	s23 =	simm.s32 $0x1B8B  }
0xa2: {  	_ =	swait.ge [sflag:s23], $0x1  }
0xa3: {  	[sflag:s23] =	ssyncset.done $0x0  }
0xa4: {  	s25 =	simm.s32 $0x1B8E;
	s24 =	sld [smem:$0x3FFE];
	[sflag:s23] =	ssyncadd.s32 $0xFFFFFFFF  }
0xa5: {  	s26 =	simm.s32 $execute0_lowered;
	[smem:$0x3FD2] =	sst s25  }
0xa6: {  	s4 =	sshll.u32 s26, $0x1;
	_ =	strace $0x80000046;
	[dreg:$0x1] =	wrdreg $0xFFFFFFFF  }
0xa7: {  	s28 =	simm.s32 $_size_execute0_lowered;
	s2 =	sadd.s32 s2, s4;
	[dreg:$0x0] =	wrdreg $0x0  }
0xa8: {  	s4 =	sshll.u32 s28, $0x1;
	[dreg:$0x2] =	wrdreg s2  }
0xa9: {  	[dreg:$0x3] =	wrdreg s4  }
0xaa: {  	[dreg:$0x4] =	wrdreg $0xC0  }
0xab: {  	_ =	task [dreg:s6], $0x5FFFF  }
0xac: {  	[dreg:$0x1] =	wrdreg $0xFFFFFFFF  }
0xad: {  	[dreg:$0x0] =	wrdreg $0x60  }
0xae: {  	[dreg:$0x2] =	wrdreg s24  }
0xaf: {  	[dreg:$0x3] =	wrdreg $0x0  }
0xb0: {  	[dreg:$0x4] =	wrdreg $0x9  }
0xb1: {  	_ =	task.clear_ibuf [dreg:s6], $0x5FFFF;
	_ =	strace $0x90000046  }
0xb2: {  	s29 =	simm.s32 $0x9;
	_ =	strace $0x80000048  }
0xb3: {  	_ =	swait.ge [sflag:s29], $0x1  }
0xb4: {  	[sflag:s29] =	ssyncadd.s32 $0xFFFFFFFF  }
0xb5: {  	_ =	strace $0x90000048  }
0xb6: {  	_ =	sfence  }
0xb7: {  	s30 =	sld [smem:$0x0];
	_ =	sdelay $0x2  }
0xb8: {  	s31 =	sshll.u32 s1, $0xD;
	s1 =	sshrl.u32 s1, $0x2  }
0xb9: {  	s3 =	sand.u32 $0x4000, s31;
	s1 =	sadd.s32 s1, s30  }
0xba: {  	s0 =	sor.u32 s3, s0;
	s1 =	sshll.u32 s1, $0x11  }
0xbb: {  	s0 =	sor.u32 s1, s0  }
0xbc: {  	s0 =	sadd.s32 $0x8F2B, s0  }
0xbd: {  	[sflag:s0] =	ssyncadd.remote.s32 $0x1  }
0xbe: {  	_ =	sfence.sel $0xFFFF  }
0xbf: {  	[dreg:$0x0] =	wrdreg $0xFFFFFFFF;
	(pc) =	sbr.abs _section_cstart, $3  }
0xc0: {  	[dreg:$0x1] =	wrdreg $0xFFFFFFFF  }
0xc1: {  	_ =	task.clear_ibuf [dreg:s6], $0x2FFFF;
	_ =	strace $0x9FFFFFFF  }
0xc2: {  	(tm) =	ssettm $0x7FFFFFFF  }
0xc3: {  	_ =	shalt  }
tec
execute0_lowered:
.L_overlay_start_1:
0x0: {  	(tag) =	ssettag $0x1  }
0x1: {  	s5 =	rddreg [dreg:$0x0];
	s1 =	srdreg.scid  }
0x2: {  	s2 =	rddreg [dreg:$0x1];
	s6 =	sand.u32 $0x1, s1  }
0x3: {  	s1 =	stileid.u32;
	s7 =	smul.u32 $0xC800, s6  }
0x4: {  	s0 =	rddreg [dreg:$0x2];
	s3 =	simm.s32 $0x0;
	s8 =	smul.u32 $0xC80, s1  }
0x5: {  	s14 =	simm.s32 $0x80;
	s15 =	simm.s32 $0xE80;
	s9 =	smul.u32 $0xFFFFFF3C, s1  }
0x6: {  	s16 =	simm.s32 $0xD00;
	s17 =	simm.s32 $0xD80;
	s10 =	smul.u32 $0xFFFFF3C0, s6  }
0x7: {  	s18 =	simm.s32 $0xE00;
	s19 =	simm.s32 $0x0;
	s12 =	smul.u32 $0x3200, s1  }
0x8: {  	[smem:$0x7FF] =	sst s3;
	s4 =	sshll.u32 s6, $0x4;
	s28 =	smul.u32 $0xC400, s6  }
0x9: {  	s25 =	ssub.s32 $0x2, s6;
	s30 =	smul.u32 $0xC40, s1;
	s4 =	sor.u32 s1, s4  }
0xa: {  	_ =	strace $0x80000047;
	s11 =	sshrl.u32 s25, $0x1;
	s4 =	smul.u32 $0xC4, s4  }
0xb: {  	s7 =	sadd.s32 s8, s7;
	s26 =	ssub.s32 s25, s11;
	s29 =	sadd.s32 s10, s9  }
0xc: {  	s31 =	sshrl.u32 s12, $0x2;
	s9 =	sadd.s32 s30, s28;
	s11 =	simm.s32 $0xF00  }
0xd: {  	s12 =	simm.s32 $0x1;
	s7 =	sshrl.u32 s7, $0x3;
	s6 =	sadd.s32 $0x186A, s29  }
0xe: {  	s8 =	sadd.s32 s31, s2;
	s13 =	sadd.s32 s7, s5;
	s5 =	sadd.s32 $0x1BCA0, s5  }
0xf: {  	v0 =	vimm.f32 $1.000000000e+00;
	v1 =	vimm.f32 $0.0e+00;
	s7 =	smax.u32 s26, $0x1;
	s10 =	sadd.s32 $0x34400, s13;
	s13 =	simm.s32 $0xC80  }
.LBB2_1:
0x10: {  	[tilespmem:$0xE80] =	vst v0  }
0x11: {  	[tilespmem:$0xF00] =	vst v1  }
0x12: {  	[tilespmem:$0xE90] =	vst v0  }
0x13: {  	[tilespmem:$0xF10] =	vst v1  }
0x14: {  	[tilespmem:$0xEA0] =	vst v0  }
0x15: {  	[tilespmem:$0xF20] =	vst v1  }
0x16: {  	[tilespmem:$0xEB0] =	vst v0  }
0x17: {  	[tilespmem:$0xF30] =	vst v1  }
0x18: {  	[tilespmem:$0xEC0] =	vst v0  }
0x19: {  	[tilespmem:$0xF40] =	vst v1  }
0x1a: {  	[tilespmem:$0xED0] =	vst v0  }
0x1b: {  	[tilespmem:$0xF50] =	vst v1  }
0x1c: {  	[tilespmem:$0xEE0] =	vst v0  }
0x1d: {  	[tilespmem:$0xF60] =	vst v1  }
0x1e: {  	[tilespmem:$0xEF0] =	vst v0  }
0x1f: {  	[tilespmem:$0xF70] =	vst v1;
	s20 =	sadd.s32 $0x0, s8  }
0x20: {  	[spmem:s20] =	stream.linear.scatter [tilespmem:s11], [sflag:$0x1], $0x80, $0x38;
	[tilespmem:$0xF80] =	vst v63  }
0x21: {  	s20 =	simm.s32 $0x200;
	_ =	swait.ge [sflag:s12], $0x80  }
.LBB2_2:
0x22: {  	s21 =	sshra.s32 s20, $0x2;
	[sflag:s12] =	ssyncset.done $0x0;
	p0 =	sne.s32 s20, $0x3000  }
.Ltmp0:
0x23: {  	s21 =	sadd.s32 s21, s8;
	[sflag:s12] =	ssyncadd.s32 $0xFFFFFF80;
	(pc) =	sbr.rel @p0 .LBB2_2-.Ltmp0, $3  }
0x24: {  	[spmem:s21] =	stream.linear.scatter [tilespmem:s11], [sflag:$0x1], $0x80, $0x38;
	[tilespmem:$0xF80] =	vst v63  }
0x25: {  	s20 =	sadd.s32 $0x200, s20;
	_ =	sdelay $0x1  }
0x26: {  	_ =	swait.ge [sflag:s12], $0x80  }
.Ltmp1:
0x27: {  	(pc) =	sbr.rel .LBB2_4-.Ltmp1, $4  }
0x28: {  	[sflag:s12] =	ssyncset.done $0x0  }
0x29: {  	[sflag:s12] =	ssyncadd.s32 $0xFFFFFF80  }
0x2a: {  	[bflag:$0x0] =	sbarrier.arrive $0xFFFF  }
0x2b: {  	s20 =	simm.s32 $0x0;
	s21 =	smov.u32 s9;
	s22 =	smov.u32 s6  }
.LBB2_5:
0x2c: {  	s23 =	sshll.u32 s23, $0x4  }
0x2d: {  	s23 =	sadd.s32 s23, s5  }
0x2e: {  	[tilespmem:s13], [sflag:$0x1] =	stream.linear.gather [hbm4b:s23+s3], $0x200, $0x38;
	[tilespmem:$0xF80] =	vst v63  }
0x2f: {  	_ =	swait.ge [sflag:s12], $0x200  }
0x30: {  	[sflag:s12] =	ssyncset.done $0x0  }
0x31: {  	[sflag:s12] =	ssyncadd.s32 $0xFFFFFE00  }
0x32: {  	[spmem:s2] =	stream.indirect.scatter.add.f32 [tilespmem:s15], [sflag:$0x1], $0x1, s13, s14, $0xb8;
	[tilespmem:$0xF80] =	vst v63  }
0x33: {  	_ =	swait.ge [sflag:s12], $0x80  }
0x34: {  	[sflag:s12] =	ssyncset.done $0x0  }
0x35: {  	[sflag:s12] =	ssyncadd.s32 $0xFFFFFF80  }
0x36: {  	[spmem:s2] =	stream.indirect.scatter.add.f32 [tilespmem:s15], [sflag:$0x1], $0x1, s16, s14, $0xb8;
	[tilespmem:$0xF80] =	vst v63  }
0x37: {  	_ =	swait.ge [sflag:s12], $0x80  }
0x38: {  	[sflag:s12] =	ssyncset.done $0x0  }
0x39: {  	[sflag:s12] =	ssyncadd.s32 $0xFFFFFF80  }
0x3a: {  	[spmem:s2] =	stream.indirect.scatter.add.f32 [tilespmem:s15], [sflag:$0x1], $0x1, s17, s14, $0xb8;
	[tilespmem:$0xF80] =	vst v63  }
0x3b: {  	_ =	swait.ge [sflag:s12], $0x80  }
0x3c: {  	[sflag:s12] =	ssyncset.done $0x0  }
0x3d: {  	[sflag:s12] =	ssyncadd.s32 $0xFFFFFF80  }
0x3e: {  	[spmem:s2] =	stream.indirect.scatter.add.f32 [tilespmem:s15], [sflag:$0x1], $0x1, s18, s14, $0xb8;
	[tilespmem:$0xF80] =	vst v63  }
0x3f: {  	_ =	swait.ge [sflag:s12], $0x80  }
0x40: {  	[sflag:s12] =	ssyncset.done $0x0  }
0x41: {  	[sflag:s12] =	ssyncadd.s32 $0xFFFFFF80  }
.LBB2_11:
0x42: {  	s20 =	sadd.s32 $0x1, s20  }
0x43: {  	p0 =	sne.s32 s20, $0x31  }
.Ltmp2:
0x44: {  	_ = 	snop;
	(pc) =	sbr.rel @!p0 .LBB2_12-.Ltmp2, $2  }
0x45: {  	_ =	sdelay $0x2  }
0x46: {  	s22 =	sadd.s32 $0xFFFFFFFC, s22;
	s21 =	sadd.s32 $0x40, s21  }
.LBB2_4:
0x47: {  	s23 =	sshll.u32 s20, $0x2  }
0x48: {  	s23 =	sadd.s32 s4, s23  }
0x49: {  	p0 =	sgt.u32 s23, $0x1866  }
.Ltmp3:
0x4a: {  	_ = 	snop;
	(pc) =	sbr.rel @!p0 .LBB2_5-.Ltmp3, $1  }
0x4b: {  	_ =	sdelay $0x3  }
0x4c: {  	p0 =	sgt.u32 s23, $0x1869  }
.Ltmp4:
0x4d: {  	_ = 	snop;
	(pc) =	sbr.rel @p0 .LBB2_11-.Ltmp4, $1  }
0x4e: {  	_ =	sdelay $0x3  }
0x4f: {  	s23 =	smax.u32 s22, $0x1  }
0x50: {  	s23 =	ssub.s32 $0x0, s23  }
0x51: {  	s23 =	sadd.s32 $0x1, s23  }
0x52: {  	p1 =	seq.s32 s23, $0x0  }
.Ltmp5:
0x53: {  	_ = 	snop;
	(pc) =	sbr.rel @p1 .LBB2_10-.Ltmp5, $2  }
0x54: {  	_ =	sdelay $0x2  }
0x55: {  	s25 =	sand.u32 $0x1FFFFFF0, s21;
	p0 =	por $0x0, $0x0  }
0x56: {  	s24 =	sadd.s32 s25, s5;
	s23 =	sadd.s32 $0x1, s23  }
0x57: {  	[tilespmem:s13], [sflag:$0x1] =	stream.linear.gather [hbm4b:s24+s3], $0x80, $0x38;
	[tilespmem:$0xF80] =	vst v63  }
0x58: {  	p1 =	seq.s32 s23, $0x0;
	_ =	swait.ge [sflag:s12], $0x80  }
.Ltmp6:
0x59: {  	[sflag:s12] =	ssyncset.done $0x0;
	(pc) =	sbr.rel @p1 .LBB2_10-.Ltmp6, $4  }
0x5a: {  	[sflag:s12] =	ssyncadd.s32 $0xFFFFFF80  }
0x5b: {  	[spmem:s2] =	stream.indirect.scatter.add.f32 [tilespmem:s15], [sflag:$0x1], $0x1, s13, s14, $0xb8;
	[tilespmem:$0xF80] =	vst v63  }
0x5c: {  	s24 =	sadd.s32 $0x10, s21;
	_ =	swait.ge [sflag:s12], $0x80  }
0x5d: {  	p0 =	por $0x1, $0x1;
	s25 =	sand.u32 $0x1FFFFFF0, s24;
	[sflag:s12] =	ssyncset.done $0x0  }
.LBB2_9:
0x5e: {  	s23 =	sadd.s32 $0x1, s23;
	s25 =	sadd.s32 s25, s5;
	[sflag:s12] =	ssyncadd.s32 $0xFFFFFF80  }
0x5f: {  	[tilespmem:s13], [sflag:$0x1] =	stream.linear.gather [hbm4b:s25+s3], $0x80, $0x38;
	[tilespmem:$0xF80] =	vst v63  }
0x60: {  	p1 =	seq.s32 s23, $0x0;
	_ =	swait.ge [sflag:s12], $0x80  }
.Ltmp7:
0x61: {  	[sflag:s12] =	ssyncset.done $0x0;
	(pc) =	sbr.rel @!p1 .LBB2_9-.Ltmp7, $4  }
0x62: {  	[sflag:s12] =	ssyncadd.s32 $0xFFFFFF80  }
0x63: {  	[spmem:s2] =	stream.indirect.scatter.add.f32 [tilespmem:s15], [sflag:$0x1], $0x1, s13, s14, $0xb8;
	[tilespmem:$0xF80] =	vst v63  }
0x64: {  	s24 =	sadd.s32 $0x10, s24;
	_ =	swait.ge [sflag:s12], $0x80  }
0x65: {  	s25 =	sand.u32 $0x1FFFFFF0, s24;
	[sflag:s12] =	ssyncset.done $0x0  }
.LBB2_10:
0x66: {  	s23 =	sadd.s32 s25, s5;
	[sflag:s12] =	ssyncadd.s32 @p0 $0xFFFFFF80  }
0x67: {  	[tilespmem:s13], [sflag:$0x1] =	stream.linear.gather [hbm4b:s23+s3], $0x80, $0x38;
	[tilespmem:$0xF80] =	vst v63  }
0x68: {  	_ =	swait.ge [sflag:s12], $0x80  }
0x69: {  	[sflag:s12] =	ssyncset.done $0x0  }
.Ltmp8:
0x6a: {  	[sflag:s12] =	ssyncadd.s32 $0xFFFFFF80;
	(pc) =	sbr.rel .LBB2_11-.Ltmp8, $4  }
0x6b: {  	[spmem:s2] =	stream.indirect.scatter.add.f32 [tilespmem:s15], [sflag:$0x1], $0x1, s13, s14, $0xb8;
	[tilespmem:$0xF80] =	vst v63  }
0x6c: {  	_ =	swait.ge [sflag:s12], $0x80  }
0x6d: {  	[sflag:s12] =	ssyncset.done $0x0  }
0x6e: {  	[sflag:s12] =	ssyncadd.s32 $0xFFFFFF80  }
.LBB2_12:
0x6f: {  	[bflag:$0x0] =	sbarrier.arrive $0xFFFF;
	s20 =	sshll.u32 s1, $0x6  }
0x70: {  	s21 =	sadd.s32 $0x0, s10;
	s22 =	sshrl.u32 s8, $0x3;
	s20 =	sor.u32 $0x1C01, s20  }
0x71: {  	[hbm:s21], [sflag:s20] =	dma.local [spmem:s22], $0x10  }
0x72: {  	s21 =	simm.s32 $0x10;
	s22 =	sadd.s32 $0x80, s8;
	_ =	swait.ge [sflag:s12], $0x10  }
.LBB2_13:
0x73: {  	s23 =	sadd.s32 s21, s10;
	[sflag:s12] =	ssyncset.done $0x0;
	p0 =	sne.s32 s21, $0x180  }
.Ltmp9:
0x74: {  	s24 =	sshrl.u32 s22, $0x3;
	[sflag:s12] =	ssyncadd.s32 $0xFFFFFFF0;
	(pc) =	sbr.rel @p0 .LBB2_13-.Ltmp9, $3  }
0x75: {  	[hbm:s23], [sflag:s20] =	dma.local [spmem:s24], $0x10  }
0x76: {  	s21 =	sadd.s32 $0x10, s21;
	_ =	sdelay $0x1  }
0x77: {  	s22 =	sadd.s32 $0x80, s22;
	_ =	swait.ge [sflag:s12], $0x10  }
0x78: {  	s19 =	sadd.s32 $0x1, s19  }
0x79: {  	p0 =	sne.s32 s19, s7  }
.Ltmp10:
0x7a: {  	_ = 	snop;
	(pc) =	sbr.rel @p0 .LBB2_1-.Ltmp10, $3  }
0x7b: {  	_ =	sdelay $0x1  }
0x7c: {  	[sflag:s12] =	ssyncset.done $0x0  }
0x7d: {  	[sflag:s12] =	ssyncadd.s32 $0xFFFFFFF0  }
0x7e: {  	_ =	sfence.sel $0x180000  }
0x7f: {  	[bflag:$0x0] =	sbarrier.arrive $0xFFFF  }
0x80: {  	p0 =	sne.s32 s1, $0x0;
	_ =	strace $0x90000047  }
0x81: {  	s0 =	sadd.s32 @!p0 $0x100000, s0;
	[bflag:$0x2] =	sbarrier.arrive $0xFFFF  }
0x82: {  	[sflag:s0] =	ssyncadd.tile.s32 @!p0 $0x1;
	_ =	shalt  }
.Lfunc_end2:
_tile_overlayer_lowered:
.L_overlay_start_2:
0x83: {  	(tag) =	ssettag $0x2  }
0x84: {  	s0 =	rddreg [dreg:$0x0];
	s2 =	stileid.u32  }
0x85: {  	s1 =	rddreg [dreg:$0x1];
	p0 =	sne.s32 s2, $0x0  }
0x86: {  	s3 =	rddreg [dreg:$0x2];
	[bflag:$0x3] =	sbarrier.arrive $0xFFFF;
	s2 =	simm.s32 @!p0 $0x1C01  }
0x87: {  	[timem:s3], [sflag:s2] =	dma.local @!p0 [hbm:s0], s1  }
0x88: {  	s0 =	simm.s32 @!p0 $0x1  }
0x89: {  	_ =	swait.ge @!p0 [sflag:s0], s1  }
0x8a: {  	s1 =	ssub.s32 @!p0 $0x0, s1;
	[sflag:s0] =	ssyncset.done @!p0 $0x0  }
0x8b: {  	[sflag:s0] =	ssyncadd.s32 @!p0 s1  }
0x8c: {  	[bflag:$0x3] =	sbarrier.arrive $0xFFFF  }
0x8d: {  	_ =	shalt  }

</sc_bundles>
